<compile_context>
chip_gen: v7x
topology: tpu7x:2x2x1
jax: 0.10.2.dev20260603
libtpu: 0.0.44.dev20260713+nightly
codegen_flags: <defaults>
</compile_context>

<pallas_src>
import functools

import jax
import jax.numpy as jnp
from jax import lax
from jax.experimental import pallas as pl
from jax.experimental.pallas import tpu as pltpu
from jax.experimental.pallas import tpu_sc as plsc

DECAY = 0.3
THRESHOLD = 0.9
CH = 40
NW = 32



def _make_stream_s(n, d, n_class, ns):
    rows_w = ns // NW
    n_chunks = rows_w // CH
    mesh = plsc.VectorSubcoreMesh(core_axis_name="c", subcore_axis_name="s")

    @functools.partial(
        pl.kernel, mesh=mesh,
        out_type=jax.ShapeDtypeStruct((NW, n_class + 1, d), jnp.float32),
        scratch_types=[
            pltpu.VMEM((2, CH, n_class), jnp.float32),
            pltpu.VMEM((2, CH, d), jnp.float32),
            pltpu.VMEM((n_class + 1, d), jnp.float32),
            pltpu.SemaphoreType.DMA,
            pltpu.SemaphoreType.DMA,
        ],
    )
    def stream_s(y_hbm, feat_hbm, part_hbm, ybuf, fbuf, accum, sem0, sem1):
        cid = lax.axis_index("c")
        sid = lax.axis_index("s")
        wid = sid * 2 + cid
        base = wid * rows_w
        sems = (sem0, sem1)

        def zrow(i, _):
            for k in range(d // 16):
                accum[i, pl.ds(k * 16, 16)] = jnp.zeros((16,), jnp.float32)
            return 0
        lax.fori_loop(0, n_class + 1, zrow, 0)

        for b in range(2):
            pltpu.async_copy(y_hbm.at[pl.ds(base + b * CH, CH)],
                             ybuf.at[b], sems[b])
            pltpu.async_copy(feat_hbm.at[pl.ds(base + b * CH, CH)],
                             fbuf.at[b], sems[b])

        iota16 = lax.iota(jnp.int32, 16)
        dnums = lax.GatherDimensionNumbers(
            offset_dims=(), collapsed_slice_dims=(0,), start_index_map=(0,))

        def shuf(v, idx):
            return lax.gather(v, idx.reshape(16, 1), dnums, (1,),
                              mode=lax.GatherScatterMode.PROMISE_IN_BOUNDS)

        perms = [jnp.bitwise_xor(iota16, s) for s in (8, 4, 2, 1)]

        def tree(op, xs):
            while len(xs) > 1:
                nxt = [op(xs[i], xs[i + 1]) for i in range(0, len(xs) - 1, 2)]
                if len(xs) % 2:
                    nxt.append(xs[-1])
                xs = nxt
            return xs[0]

        def one_row(buf, r):
            yv = [ybuf[buf, r, pl.ds(k * 16, 16)]
                  for k in range(n_class // 16)]
            m = tree(jnp.maximum, yv)
            for p in perms:
                m = jnp.maximum(m, shuf(m, p))
            cands = [jnp.where(yv[k] == m, iota16 + (16 * k), n_class)
                     for k in range(len(yv))]
            c = tree(jnp.minimum, cands)
            for p in perms:
                c = jnp.minimum(c, shuf(c, p))
            w = jnp.where(m > THRESHOLD, m, 0.0)
            return c[0], w

        def compute_chunk(buf):
            def pair_body(r2, _):
                rows = [r2 * 2, r2 * 2 + 1]
                labs_ws = [one_row(buf, r) for r in rows]
                for r, (lab, w) in zip(rows, labs_ws):
                    fv = [fbuf[buf, r, pl.ds(k * 16, 16)]
                          for k in range(d // 16)]
                    prods = [v * w for v in fv]
                    for k in range(d // 16):
                        plsc.addupdate(accum.at[lab, pl.ds(k * 16, 16)],
                                       prods[k])
                    e_lane = jnp.where(iota16 == (lab & 15), 1.0, 0.0)
                    plsc.addupdate(
                        accum.at[n_class, pl.ds((lab >> 4) * 16, 16)],
                        e_lane)
                return 0
            lax.fori_loop(0, CH // 2, pair_body, 0)

        def outer(jp, _):
            for b in range(2):
                j = jp * 2 + b

                @pl.when(j < n_chunks)
                def _do():
                    pltpu.make_async_copy(
                        y_hbm.at[pl.ds(base + j * CH, CH)],
                        ybuf.at[b], sems[b]).wait()
                    pltpu.make_async_copy(
                        feat_hbm.at[pl.ds(base + j * CH, CH)],
                        fbuf.at[b], sems[b]).wait()
                    compute_chunk(b)

                    @pl.when(j + 2 < n_chunks)
                    def _next():
                        pltpu.async_copy(
                            y_hbm.at[pl.ds(base + (j + 2) * CH, CH)],
                            ybuf.at[b], sems[b])
                        pltpu.async_copy(
                            feat_hbm.at[pl.ds(base + (j + 2) * CH, CH)],
                            fbuf.at[b], sems[b])
            return 0

        lax.fori_loop(0, (n_chunks + 1) // 2, outer, 0)
        pltpu.sync_copy(accum, part_hbm.at[wid])

    return stream_s



def _tc_reduce_body(yt_ref, f_ref, sum_ref, tcnt_ref, *, n_steps, n_class):
    i = pl.program_id(0)

    @pl.when(i == 0)
    def _init():
        sum_ref[...] = jnp.zeros_like(sum_ref)
        tcnt_ref[...] = jnp.zeros_like(tcnt_ref)

    y = yt_ref[...]
    bn = y.shape[0]
    m = jnp.max(y, axis=1, keepdims=True)
    iota = lax.broadcasted_iota(jnp.int32, (bn, n_class), 1)
    eq = y >= m
    first = jnp.min(jnp.where(eq, iota, n_class), axis=1, keepdims=True)
    onehot = iota == first
    sel = jnp.where(m > THRESHOLD, m, 0.0)
    w = jnp.where(onehot, sel, 0.0)
    tcnt_ref[...] += jnp.sum(onehot.astype(jnp.float32), axis=0,
                             keepdims=True)
    sum_ref[...] += jax.lax.dot_general(
        w.astype(jnp.bfloat16), f_ref[...].astype(jnp.bfloat16),
        (((0,), (0,)), ((), ())),
        preferred_element_type=jnp.float32)


def _tc_reduce(yt, f, bn=3200, blk0=0, n_steps=None):
    n, n_class = yt.shape
    d = f.shape[1]
    if n_steps is None:
        n_steps = n // bn
    row_spec = pl.BlockSpec((bn, n_class), lambda i: (i + blk0, 0))
    return pl.pallas_call(
        functools.partial(_tc_reduce_body, n_steps=n_steps, n_class=n_class),
        grid=(n_steps,),
        in_specs=[row_spec, row_spec],
        out_specs=[
            pl.BlockSpec((n_class, d), lambda i: (0, 0)),
            pl.BlockSpec((1, n_class), lambda i: (0, 0)),
        ],
        out_shape=[
            jax.ShapeDtypeStruct((n_class, d), jnp.float32),
            jax.ShapeDtypeStruct((1, n_class), jnp.float32),
        ],
        compiler_params=pltpu.CompilerParams(
            dimension_semantics=("arbitrary",)),
    )(yt, f)



def _combine_body(sp_ref, stsum_ref, stcnt_ref, tsum_ref, tcnt_ref, sc_ref,
                  tc_ref, loss_ref, *, d):
    nw, rows, _ = sp_ref.shape
    n_class = rows - 1
    s_acc = sp_ref[0]
    for w in range(1, nw):
        s_acc = s_acc + sp_ref[w]
    s_sum = s_acc[:n_class, :] + stsum_ref[...]
    cnt_row = s_acc[n_class:, :] + stcnt_ref[...]
    iota_r = lax.broadcasted_iota(jnp.int32, (n_class, n_class), 0)
    iota_c = lax.broadcasted_iota(jnp.int32, (n_class, n_class), 1)
    eye = (iota_r == iota_c).astype(jnp.float32)
    cnt_col = jax.lax.dot_general(eye, cnt_row, (((1,), (1,)), ((), ())),
                                  preferred_element_type=jnp.float32)
    s_n = jnp.maximum(cnt_col, 1.0)
    t_n = jnp.maximum(tcnt_ref[...], 1.0)
    cur_s = s_sum / s_n
    cur_t = tsum_ref[...] / t_n
    s_c = (1.0 - DECAY) * sc_ref[...] + DECAY * cur_s
    t_c = (1.0 - DECAY) * tc_ref[...] + DECAY * cur_t
    sq = (s_c - t_c) ** 2
    total = jnp.sum(jnp.sum(sq, axis=1, keepdims=True), axis=0, keepdims=True)
    loss_ref[...] = total / float(sq.shape[0] * sq.shape[1])


def kernel(s_feature, t_feature, y_s, y_t, s_centroid, t_centroid):
    n, d = s_feature.shape
    n_class = y_s.shape[1]

    if n == 160000:
        ns, bn_tail, blk0, tail_steps = 139520, 1280, 109, 16
    else:
        ns, bn_tail = n, None

    s_part = _make_stream_s(n, d, n_class, ns)(y_s, s_feature)
    t_sum, t_cnt = _tc_reduce(y_t, t_feature)
    if bn_tail is not None:
        st_sum, st_cnt = _tc_reduce(y_s, s_feature, bn=bn_tail, blk0=blk0,
                                    n_steps=tail_steps)
    else:
        st_sum = jnp.zeros((n_class, d), jnp.float32)
        st_cnt = jnp.zeros((1, n_class), jnp.float32)

    loss = pl.pallas_call(
        functools.partial(_combine_body, d=d),
        out_shape=jax.ShapeDtypeStruct((1, 1), jnp.float32),
    )(s_part, st_sum, st_cnt, t_sum,
      t_cnt.reshape(n_class, 1), s_centroid, t_centroid)
    return loss[0, 0]

# --- scband reference (transcript-rebuilt; emitter-appended) ---
"""Pipeline reference for scband-semantic-loss-17875653886443 (READ-ONLY COPY).

The authoritative reference and input builder live on the scoring server;
editing this copy changes nothing except your own understanding.
"""

import jax, jax.numpy as jnp
import numpy as np

N_CLASS = 256
D = 256
N = 160000
DECAY = 0.3
THRESHOLD = 0.9


def setup_inputs(seed: int = 0) -> dict:
    key = jax.random.key(seed)
    k1, k2, k3, k4 = jax.random.split(key, 4)
    s_feature = jax.random.normal(k1, (N, D), dtype=jnp.float32)
    t_feature = jax.random.normal(k2, (N, D), dtype=jnp.float32)
    y_s = jax.random.uniform(k3, (N, N_CLASS), dtype=jnp.float32)
    y_t = jax.random.uniform(k4, (N, N_CLASS), dtype=jnp.float32)
    # stateful buffers of the module (initialized to zeros in __init__)
    s_centroid = jnp.zeros((N_CLASS, D), dtype=jnp.float32)
    t_centroid = jnp.zeros((N_CLASS, D), dtype=jnp.float32)
    return {"s_feature": s_feature, "t_feature": t_feature, "y_s": y_s, "y_t": y_t,
            "s_centroid": s_centroid, "t_centroid": t_centroid}


def reference(s_feature, t_feature, y_s, y_t, s_centroid, t_centroid):
    n, d = s_feature.shape
    n_class = y_s.shape[1]
    # torch.max(y, 1) -> (values, indices)
    s_labels = jnp.argmax(y_s, axis=1)
    t_labels = jnp.argmax(y_t, axis=1)
    s_logits = jnp.max(y_s, axis=1)
    t_logits = jnp.max(y_t, axis=1)
    # per-class counts via scatter-add
    ones = jnp.ones((n,), dtype=jnp.float32)
    s_n_classes = jnp.zeros((n_class,), dtype=jnp.float32).at[s_labels].add(ones)
    t_n_classes = jnp.zeros((n_class,), dtype=jnp.float32).at[t_labels].add(ones)
    s_n_classes = jnp.maximum(s_n_classes, 1.0)
    t_n_classes = jnp.maximum(t_n_classes, 1.0)
    # confidence-thresholded weights
    s_sel = jnp.where(s_logits > THRESHOLD, s_logits, 0.0)
    t_sel = jnp.where(t_logits > THRESHOLD, t_logits, 0.0)
    # weighted per-class feature sums via scatter-add (segment reduce)
    s_sum = jnp.zeros((n_class, d), dtype=jnp.float32).at[s_labels].add(s_sel[:, None] * s_feature)
    t_sum = jnp.zeros((n_class, d), dtype=jnp.float32).at[t_labels].add(t_sel[:, None] * t_feature)
    cur_s = s_sum / s_n_classes[:, None]
    cur_t = t_sum / t_n_classes[:, None]
    s_c = (1.0 - DECAY) * s_centroid + DECAY * cur_s
    t_c = (1.0 - DECAY) * t_centroid + DECAY * cur_t
    semantic_loss = jnp.mean((s_c - t_c) ** 2)
    return semantic_loss

if __name__ == "__main__":
    import jax
    _d = setup_inputs()
    print(jax.jit(kernel)(*tuple(_d.values())))

</pallas_src>

<mosaic_0001>
#map = affine_map<(d0, d1) -> (0, 0)>
#map1 = affine_map<(d0, d1) -> (0, 0, 0)>
module attributes {stable_mosaic.version = 14 : i64} {
  func.func @stream_s(%arg0: i32, %arg1: i32, %arg2: memref<160000x256xf32, #tpu.memory_space<hbm>>, %arg3: memref<160000x256xf32, #tpu.memory_space<hbm>>, %arg4: memref<32x257x256xf32, #tpu.memory_space<hbm>>, %arg5: memref<2x40x256xf32, #tpu.memory_space<vmem>>, %arg6: memref<2x40x256xf32, #tpu.memory_space<vmem>>, %arg7: memref<257x256xf32, #tpu.memory_space<vmem>>, %arg8: memref<!tpu.dma_semaphore, #tpu.memory_space<semaphore_mem>>, %arg9: memref<!tpu.dma_semaphore, #tpu.memory_space<semaphore_mem>>) attributes {dimension_semantics = [#tpu.dimension_semantics<core_parallel>, #tpu.dimension_semantics<subcore_parallel>], iteration_bounds = array<i64: 2, 16>, scalar_prefetch = 0 : i64, scratch_operands = 5 : i64, tpu.core_type = #tpu.core_type<sc_vector_subcore>, window_params = [{transform_indices = #map}, {transform_indices = #map}, {transform_indices = #map1}]} {
    %mul3A = arith.constant 2 : i32
    %mul3A_0 = arith.muli %arg1, %mul3A : i32
    %add3A = arith.addi %mul3A_0, %arg0 : i32
    %mul3A_1 = arith.constant 4360 : i32
    %mul3A_2 = arith.muli %add3A, %mul3A_1 : i32
    %scan3A = arith.constant 0 : i32
    %scan3A_3 = arith.constant 0 : i32
    %scan3A_4 = arith.constant 257 : i32
    %scan3A_5 = arith.addi %scan3A_3, %scan3A_4 : i32
    %scan3A_6 = arith.constant 1 : i32
    %scan3A_7 = scf.for %scan3A_86 = %scan3A_3 to %scan3A_5 step %scan3A_6 iter_args(%scan3A_87 = %scan3A) -> (i32)  : i32 {
      %broadcast_in_dim3A = arith.constant 0.000000e+00 : f32
      %broadcast_in_dim3A_88 = vector.broadcast %broadcast_in_dim3A : f32 to vector<16xf32>
      %swap3A = arith.index_cast %scan3A_86 : i32 to index
      %swap3A_89 = arith.constant 0 : index
      %swap3A_90 = tpu.vector_load %arg7[%swap3A, %swap3A_89] {strides = array<i32>} : memref<257x256xf32, #tpu.memory_space<vmem>>, vector<1x16xf32>,
      %swap3A_91 = vector.shape_cast %swap3A_90 : vector<1x16xf32> to vector<16xf32>
      %swap3A_92 = vector.shape_cast %broadcast_in_dim3A_88 : vector<16xf32> to vector<1x16xf32>
      tpu.vector_store %arg7[%swap3A, %swap3A_89], %swap3A_92 {strides = array<i32>} : memref<257x256xf32, #tpu.memory_space<vmem>>, vector<1x16xf32>,
      %broadcast_in_dim3A_93 = arith.constant 0.000000e+00 : f32
      %broadcast_in_dim3A_94 = vector.broadcast %broadcast_in_dim3A_93 : f32 to vector<16xf32>
      %swap3A_95 = arith.index_cast %scan3A_86 : i32 to index
      %swap3A_96 = arith.constant 16 : index
      %swap3A_97 = tpu.vector_load %arg7[%swap3A_95, %swap3A_96] {strides = array<i32>} : memref<257x256xf32, #tpu.memory_space<vmem>>, vector<1x16xf32>,
      %swap3A_98 = vector.shape_cast %swap3A_97 : vector<1x16xf32> to vector<16xf32>
      %swap3A_99 = vector.shape_cast %broadcast_in_dim3A_94 : vector<16xf32> to vector<1x16xf32>
      tpu.vector_store %arg7[%swap3A_95, %swap3A_96], %swap3A_99 {strides = array<i32>} : memref<257x256xf32, #tpu.memory_space<vmem>>, vector<1x16xf32>,
      %broadcast_in_dim3A_100 = arith.constant 0.000000e+00 : f32
      %broadcast_in_dim3A_101 = vector.broadcast %broadcast_in_dim3A_100 : f32 to vector<16xf32>
      %swap3A_102 = arith.index_cast %scan3A_86 : i32 to index
      %swap3A_103 = arith.constant 32 : index
      %swap3A_104 = tpu.vector_load %arg7[%swap3A_102, %swap3A_103] {strides = array<i32>} : memref<257x256xf32, #tpu.memory_space<vmem>>, vector<1x16xf32>,
      %swap3A_105 = vector.shape_cast %swap3A_104 : vector<1x16xf32> to vector<16xf32>
      %swap3A_106 = vector.shape_cast %broadcast_in_dim3A_101 : vector<16xf32> to vector<1x16xf32>
      tpu.vector_store %arg7[%swap3A_102, %swap3A_103], %swap3A_106 {strides = array<i32>} : memref<257x256xf32, #tpu.memory_space<vmem>>, vector<1x16xf32>,
      %broadcast_in_dim3A_107 = arith.constant 0.000000e+00 : f32
      %broadcast_in_dim3A_108 = vector.broadcast %broadcast_in_dim3A_107 : f32 to vector<16xf32>
      %swap3A_109 = arith.index_cast %scan3A_86 : i32 to index
      %swap3A_110 = arith.constant 48 : index
      %swap3A_111 = tpu.vector_load %arg7[%swap3A_109, %swap3A_110] {strides = array<i32>} : memref<257x256xf32, #tpu.memory_space<vmem>>, vector<1x16xf32>,
      %swap3A_112 = vector.shape_cast %swap3A_111 : vector<1x16xf32> to vector<16xf32>
      %swap3A_113 = vector.shape_cast %broadcast_in_dim3A_108 : vector<16xf32> to vector<1x16xf32>
      tpu.vector_store %arg7[%swap3A_109, %swap3A_110], %swap3A_113 {strides = array<i32>} : memref<257x256xf32, #tpu.memory_space<vmem>>, vector<1x16xf32>,
      %broadcast_in_dim3A_114 = arith.constant 0.000000e+00 : f32
      %broadcast_in_dim3A_115 = vector.broadcast %broadcast_in_dim3A_114 : f32 to vector<16xf32>
      %swap3A_116 = arith.index_cast %scan3A_86 : i32 to index
      %swap3A_117 = arith.constant 64 : index
      %swap3A_118 = tpu.vector_load %arg7[%swap3A_116, %swap3A_117] {strides = array<i32>} : memref<257x256xf32, #tpu.memory_space<vmem>>, vector<1x16xf32>,
      %swap3A_119 = vector.shape_cast %swap3A_118 : vector<1x16xf32> to vector<16xf32>
      %swap3A_120 = vector.shape_cast %broadcast_in_dim3A_115 : vector<16xf32> to vector<1x16xf32>
      tpu.vector_store %arg7[%swap3A_116, %swap3A_117], %swap3A_120 {strides = array<i32>} : memref<257x256xf32, #tpu.memory_space<vmem>>, vector<1x16xf32>,
      %broadcast_in_dim3A_121 = arith.constant 0.000000e+00 : f32
      %broadcast_in_dim3A_122 = vector.broadcast %broadcast_in_dim3A_121 : f32 to vector<16xf32>
      %swap3A_123 = arith.index_cast %scan3A_86 : i32 to index
      %swap3A_124 = arith.constant 80 : index
      %swap3A_125 = tpu.vector_load %arg7[%swap3A_123, %swap3A_124] {strides = array<i32>} : memref<257x256xf32, #tpu.memory_space<vmem>>, vector<1x16xf32>,
      %swap3A_126 = vector.shape_cast %swap3A_125 : vector<1x16xf32> to vector<16xf32>
      %swap3A_127 = vector.shape_cast %broadcast_in_dim3A_122 : vector<16xf32> to vector<1x16xf32>
      tpu.vector_store %arg7[%swap3A_123, %swap3A_124], %swap3A_127 {strides = array<i32>} : memref<257x256xf32, #tpu.memory_space<vmem>>, vector<1x16xf32>,
      %broadcast_in_dim3A_128 = arith.constant 0.000000e+00 : f32
      %broadcast_in_dim3A_129 = vector.broadcast %broadcast_in_dim3A_128 : f32 to vector<16xf32>
      %swap3A_130 = arith.index_cast %scan3A_86 : i32 to index
      %swap3A_131 = arith.constant 96 : index
      %swap3A_132 = tpu.vector_load %arg7[%swap3A_130, %swap3A_131] {strides = array<i32>} : memref<257x256xf32, #tpu.memory_space<vmem>>, vector<1x16xf32>,
      %swap3A_133 = vector.shape_cast %swap3A_132 : vector<1x16xf32> to vector<16xf32>
      %swap3A_134 = vector.shape_cast %broadcast_in_dim3A_129 : vector<16xf32> to vector<1x16xf32>
      tpu.vector_store %arg7[%swap3A_130, %swap3A_131], %swap3A_134 {strides = array<i32>} : memref<257x256xf32, #tpu.memory_space<vmem>>, vector<1x16xf32>,
      %broadcast_in_dim3A_135 = arith.constant 0.000000e+00 : f32
      %broadcast_in_dim3A_136 = vector.broadcast %broadcast_in_dim3A_135 : f32 to vector<16xf32>
      %swap3A_137 = arith.index_cast %scan3A_86 : i32 to index
      %swap3A_138 = arith.constant 112 : index
      %swap3A_139 = tpu.vector_load %arg7[%swap3A_137, %swap3A_138] {strides = array<i32>} : memref<257x256xf32, #tpu.memory_space<vmem>>, vector<1x16xf32>,
      %swap3A_140 = vector.shape_cast %swap3A_139 : vector<1x16xf32> to vector<16xf32>
      %swap3A_141 = vector.shape_cast %broadcast_in_dim3A_136 : vector<16xf32> to vector<1x16xf32>
      tpu.vector_store %arg7[%swap3A_137, %swap3A_138], %swap3A_141 {strides = array<i32>} : memref<257x256xf32, #tpu.memory_space<vmem>>, vector<1x16xf32>,
      %broadcast_in_dim3A_142 = arith.constant 0.000000e+00 : f32
      %broadcast_in_dim3A_143 = vector.broadcast %broadcast_in_dim3A_142 : f32 to vector<16xf32>
      %swap3A_144 = arith.index_cast %scan3A_86 : i32 to index
      %swap3A_145 = arith.constant 128 : index
      %swap3A_146 = tpu.vector_load %arg7[%swap3A_144, %swap3A_145] {strides = array<i32>} : memref<257x256xf32, #tpu.memory_space<vmem>>, vector<1x16xf32>,
      %swap3A_147 = vector.shape_cast %swap3A_146 : vector<1x16xf32> to vector<16xf32>
      %swap3A_148 = vector.shape_cast %broadcast_in_dim3A_143 : vector<16xf32> to vector<1x16xf32>
      tpu.vector_store %arg7[%swap3A_144, %swap3A_145], %swap3A_148 {strides = array<i32>} : memref<257x256xf32, #tpu.memory_space<vmem>>, vector<1x16xf32>,
      %broadcast_in_dim3A_149 = arith.constant 0.000000e+00 : f32
      %broadcast_in_dim3A_150 = vector.broadcast %broadcast_in_dim3A_149 : f32 to vector<16xf32>
      %swap3A_151 = arith.index_cast %scan3A_86 : i32 to index
      %swap3A_152 = arith.constant 144 : index
      %swap3A_153 = tpu.vector_load %arg7[%swap3A_151, %swap3A_152] {strides = array<i32>} : memref<257x256xf32, #tpu.memory_space<vmem>>, vector<1x16xf32>,
      %swap3A_154 = vector.shape_cast %swap3A_153 : vector<1x16xf32> to vector<16xf32>
      %swap3A_155 = vector.shape_cast %broadcast_in_dim3A_150 : vector<16xf32> to vector<1x16xf32>
      tpu.vector_store %arg7[%swap3A_151, %swap3A_152], %swap3A_155 {strides = array<i32>} : memref<257x256xf32, #tpu.memory_space<vmem>>, vector<1x16xf32>,
      %broadcast_in_dim3A_156 = arith.constant 0.000000e+00 : f32
      %broadcast_in_dim3A_157 = vector.broadcast %broadcast_in_dim3A_156 : f32 to vector<16xf32>
      %swap3A_158 = arith.index_cast %scan3A_86 : i32 to index
      %swap3A_159 = arith.constant 160 : index
      %swap3A_160 = tpu.vector_load %arg7[%swap3A_158, %swap3A_159] {strides = array<i32>} : memref<257x256xf32, #tpu.memory_space<vmem>>, vector<1x16xf32>,
      %swap3A_161 = vector.shape_cast %swap3A_160 : vector<1x16xf32> to vector<16xf32>
      %swap3A_162 = vector.shape_cast %broadcast_in_dim3A_157 : vector<16xf32> to vector<1x16xf32>
      tpu.vector_store %arg7[%swap3A_158, %swap3A_159], %swap3A_162 {strides = array<i32>} : memref<257x256xf32, #tpu.memory_space<vmem>>, vector<1x16xf32>,
      %broadcast_in_dim3A_163 = arith.constant 0.000000e+00 : f32
      %broadcast_in_dim3A_164 = vector.broadcast %broadcast_in_dim3A_163 : f32 to vector<16xf32>
      %swap3A_165 = arith.index_cast %scan3A_86 : i32 to index
      %swap3A_166 = arith.constant 176 : index
      %swap3A_167 = tpu.vector_load %arg7[%swap3A_165, %swap3A_166] {strides = array<i32>} : memref<257x256xf32, #tpu.memory_space<vmem>>, vector<1x16xf32>,
      %swap3A_168 = vector.shape_cast %swap3A_167 : vector<1x16xf32> to vector<16xf32>
      %swap3A_169 = vector.shape_cast %broadcast_in_dim3A_164 : vector<16xf32> to vector<1x16xf32>
      tpu.vector_store %arg7[%swap3A_165, %swap3A_166], %swap3A_169 {strides = array<i32>} : memref<257x256xf32, #tpu.memory_space<vmem>>, vector<1x16xf32>,
      %broadcast_in_dim3A_170 = arith.constant 0.000000e+00 : f32
      %broadcast_in_dim3A_171 = vector.broadcast %broadcast_in_dim3A_170 : f32 to vector<16xf32>
      %swap3A_172 = arith.index_cast %scan3A_86 : i32 to index
      %swap3A_173 = arith.constant 192 : index
      %swap3A_174 = tpu.vector_load %arg7[%swap3A_172, %swap3A_173] {strides = array<i32>} : memref<257x256xf32, #tpu.memory_space<vmem>>, vector<1x16xf32>,
      %swap3A_175 = vector.shape_cast %swap3A_174 : vector<1x16xf32> to vector<16xf32>
      %swap3A_176 = vector.shape_cast %broadcast_in_dim3A_171 : vector<16xf32> to vector<1x16xf32>
      tpu.vector_store %arg7[%swap3A_172, %swap3A_173], %swap3A_176 {strides = array<i32>} : memref<257x256xf32, #tpu.memory_space<vmem>>, vector<1x16xf32>,
      %broadcast_in_dim3A_177 = arith.constant 0.000000e+00 : f32
      %broadcast_in_dim3A_178 = vector.broadcast %broadcast_in_dim3A_177 : f32 to vector<16xf32>
      %swap3A_179 = arith.index_cast %scan3A_86 : i32 to index
      %swap3A_180 = arith.constant 208 : index
      %swap3A_181 = tpu.vector_load %arg7[%swap3A_179, %swap3A_180] {strides = array<i32>} : memref<257x256xf32, #tpu.memory_space<vmem>>, vector<1x16xf32>,
      %swap3A_182 = vector.shape_cast %swap3A_181 : vector<1x16xf32> to vector<16xf32>
      %swap3A_183 = vector.shape_cast %broadcast_in_dim3A_178 : vector<16xf32> to vector<1x16xf32>
      tpu.vector_store %arg7[%swap3A_179, %swap3A_180], %swap3A_183 {strides = array<i32>} : memref<257x256xf32, #tpu.memory_space<vmem>>, vector<1x16xf32>,
      %broadcast_in_dim3A_184 = arith.constant 0.000000e+00 : f32
      %broadcast_in_dim3A_185 = vector.broadcast %broadcast_in_dim3A_184 : f32 to vector<16xf32>
      %swap3A_186 = arith.index_cast %scan3A_86 : i32 to index
      %swap3A_187 = arith.constant 224 : index
      %swap3A_188 = tpu.vector_load %arg7[%swap3A_186, %swap3A_187] {strides = array<i32>} : memref<257x256xf32, #tpu.memory_space<vmem>>, vector<1x16xf32>,
      %swap3A_189 = vector.shape_cast %swap3A_188 : vector<1x16xf32> to vector<16xf32>
      %swap3A_190 = vector.shape_cast %broadcast_in_dim3A_185 : vector<16xf32> to vector<1x16xf32>
      tpu.vector_store %arg7[%swap3A_186, %swap3A_187], %swap3A_190 {strides = array<i32>} : memref<257x256xf32, #tpu.memory_space<vmem>>, vector<1x16xf32>,
      %broadcast_in_dim3A_191 = arith.constant 0.000000e+00 : f32
      %broadcast_in_dim3A_192 = vector.broadcast %broadcast_in_dim3A_191 : f32 to vector<16xf32>
      %swap3A_193 = arith.index_cast %scan3A_86 : i32 to index
      %swap3A_194 = arith.constant 240 : index
      %swap3A_195 = tpu.vector_load %arg7[%swap3A_193, %swap3A_194] {strides = array<i32>} : memref<257x256xf32, #tpu.memory_space<vmem>>, vector<1x16xf32>,
      %swap3A_196 = vector.shape_cast %swap3A_195 : vector<1x16xf32> to vector<16xf32>
      %swap3A_197 = vector.shape_cast %broadcast_in_dim3A_192 : vector<16xf32> to vector<1x16xf32>
      tpu.vector_store %arg7[%swap3A_193, %swap3A_194], %swap3A_197 {strides = array<i32>} : memref<257x256xf32, #tpu.memory_space<vmem>>, vector<1x16xf32>,
      %scan3A_198 = arith.constant 0 : i32
      scf.yield %scan3A_198 : i32
    }
    %scan3A_8 = arith.constant 257 : i32
    %add3A_9 = arith.constant 0 : i32
    %add3A_10 = arith.addi %mul3A_2, %add3A_9 : i32
    %dma_start3A = arith.constant 0 : i32
    %dma_start3A_11 = arith.constant 0 : i32
    %dma_start3A_12 = arith.constant 0 : i32
    %dma_start3A_13 = tpu.memref_slice %arg5[%dma_start3A, %dma_start3A_11, %dma_start3A_12] : memref<2x40x256xf32, #tpu.memory_space<vmem>> -> memref<1x40x256xf32, #tpu.memory_space<vmem>>
    %dma_start3A_14 = tpu.memref_squeeze %dma_start3A_13 : memref<1x40x256xf32, #tpu.memory_space<vmem>> -> memref<40x256xf32, #tpu.memory_space<vmem>>
    %dma_start3A_15 = arith.constant 0 : i32
    %dma_start3A_16 = tpu.memref_slice %arg2[%add3A_10, %dma_start3A_15] : memref<160000x256xf32, #tpu.memory_space<hbm>> -> memref<40x256xf32, #tpu.memory_space<hbm>>
    %dma_start3A_17 = arith.constant 0 : i32
    %dma_start3A_18 = arith.constant 0 : i32
    %dma_start3A_19 = tpu.memref_slice %arg5[%dma_start3A, %dma_start3A_17, %dma_start3A_18] : memref<2x40x256xf32, #tpu.memory_space<vmem>> -> memref<1x40x256xf32, #tpu.memory_space<vmem>>
    %dma_start3A_20 = tpu.memref_squeeze %dma_start3A_19 : memref<1x40x256xf32, #tpu.memory_space<vmem>> -> memref<40x256xf32, #tpu.memory_space<vmem>>
    %dma_start3A_21 = arith.constant 0 : i32
    %dma_start3A_22 = tpu.memref_slice %arg2[%add3A_10, %dma_start3A_21] : memref<160000x256xf32, #tpu.memory_space<hbm>> -> memref<40x256xf32, #tpu.memory_space<hbm>>
    tpu.enqueue_dma source(%dma_start3A_22 : memref<40x256xf32, #tpu.memory_space<hbm>>) target(%dma_start3A_20 : memref<40x256xf32, #tpu.memory_space<vmem>>) target_semaphore(%arg8 : memref<!tpu.dma_semaphore, #tpu.memory_space<semaphore_mem>>)
    %add3A_23 = arith.constant 0 : i32
    %add3A_24 = arith.addi %mul3A_2, %add3A_23 : i32
    %dma_start3A_25 = arith.constant 0 : i32
    %dma_start3A_26 = arith.constant 0 : i32
    %dma_start3A_27 = arith.constant 0 : i32
    %dma_start3A_28 = tpu.memref_slice %arg6[%dma_start3A_25, %dma_start3A_26, %dma_start3A_27] : memref<2x40x256xf32, #tpu.memory_space<vmem>> -> memref<1x40x256xf32, #tpu.memory_space<vmem>>
    %dma_start3A_29 = tpu.memref_squeeze %dma_start3A_28 : memref<1x40x256xf32, #tpu.memory_space<vmem>> -> memref<40x256xf32, #tpu.memory_space<vmem>>
    %dma_start3A_30 = arith.constant 0 : i32
    %dma_start3A_31 = tpu.memref_slice %arg3[%add3A_24, %dma_start3A_30] : memref<160000x256xf32, #tpu.memory_space<hbm>> -> memref<40x256xf32, #tpu.memory_space<hbm>>
    %dma_start3A_32 = arith.constant 0 : i32
    %dma_start3A_33 = arith.constant 0 : i32
    %dma_start3A_34 = tpu.memref_slice %arg6[%dma_start3A_25, %dma_start3A_32, %dma_start3A_33] : memref<2x40x256xf32, #tpu.memory_space<vmem>> -> memref<1x40x256xf32, #tpu.memory_space<vmem>>
    %dma_start3A_35 = tpu.memref_squeeze %dma_start3A_34 : memref<1x40x256xf32, #tpu.memory_space<vmem>> -> memref<40x256xf32, #tpu.memory_space<vmem>>
    %dma_start3A_36 = arith.constant 0 : i32
    %dma_start3A_37 = tpu.memref_slice %arg3[%add3A_24, %dma_start3A_36] : memref<160000x256xf32, #tpu.memory_space<hbm>> -> memref<40x256xf32, #tpu.memory_space<hbm>>
    tpu.enqueue_dma source(%dma_start3A_37 : memref<40x256xf32, #tpu.memory_space<hbm>>) target(%dma_start3A_35 : memref<40x256xf32, #tpu.memory_space<vmem>>) target_semaphore(%arg8 : memref<!tpu.dma_semaphore, #tpu.memory_space<semaphore_mem>>)
    %add3A_38 = arith.constant 40 : i32
    %add3A_39 = arith.addi %mul3A_2, %add3A_38 : i32
    %dma_start3A_40 = arith.constant 1 : i32
    %dma_start3A_41 = arith.constant 0 : i32
    %dma_start3A_42 = arith.constant 0 : i32
    %dma_start3A_43 = tpu.memref_slice %arg5[%dma_start3A_40, %dma_start3A_41, %dma_start3A_42] : memref<2x40x256xf32, #tpu.memory_space<vmem>> -> memref<1x40x256xf32, #tpu.memory_space<vmem>>
    %dma_start3A_44 = tpu.memref_squeeze %dma_start3A_43 : memref<1x40x256xf32, #tpu.memory_space<vmem>> -> memref<40x256xf32, #tpu.memory_space<vmem>>
    %dma_start3A_45 = arith.constant 0 : i32
    %dma_start3A_46 = tpu.memref_slice %arg2[%add3A_39, %dma_start3A_45] : memref<160000x256xf32, #tpu.memory_space<hbm>> -> memref<40x256xf32, #tpu.memory_space<hbm>>
    %dma_start3A_47 = arith.constant 0 : i32
    %dma_start3A_48 = arith.constant 0 : i32
    %dma_start3A_49 = tpu.memref_slice %arg5[%dma_start3A_40, %dma_start3A_47, %dma_start3A_48] : memref<2x40x256xf32, #tpu.memory_space<vmem>> -> memref<1x40x256xf32, #tpu.memory_space<vmem>>
    %dma_start3A_50 = tpu.memref_squeeze %dma_start3A_49 : memref<1x40x256xf32, #tpu.memory_space<vmem>> -> memref<40x256xf32, #tpu.memory_space<vmem>>
    %dma_start3A_51 = arith.constant 0 : i32
    %dma_start3A_52 = tpu.memref_slice %arg2[%add3A_39, %dma_start3A_51] : memref<160000x256xf32, #tpu.memory_space<hbm>> -> memref<40x256xf32, #tpu.memory_space<hbm>>
    tpu.enqueue_dma source(%dma_start3A_52 : memref<40x256xf32, #tpu.memory_space<hbm>>) target(%dma_start3A_50 : memref<40x256xf32, #tpu.memory_space<vmem>>) target_semaphore(%arg9 : memref<!tpu.dma_semaphore, #tpu.memory_space<semaphore_mem>>)
    %add3A_53 = arith.constant 40 : i32
    %add3A_54 = arith.addi %mul3A_2, %add3A_53 : i32
    %dma_start3A_55 = arith.constant 1 : i32
    %dma_start3A_56 = arith.constant 0 : i32
    %dma_start3A_57 = arith.constant 0 : i32
    %dma_start3A_58 = tpu.memref_slice %arg6[%dma_start3A_55, %dma_start3A_56, %dma_start3A_57] : memref<2x40x256xf32, #tpu.memory_space<vmem>> -> memref<1x40x256xf32, #tpu.memory_space<vmem>>
    %dma_start3A_59 = tpu.memref_squeeze %dma_start3A_58 : memref<1x40x256xf32, #tpu.memory_space<vmem>> -> memref<40x256xf32, #tpu.memory_space<vmem>>
    %dma_start3A_60 = arith.constant 0 : i32
    %dma_start3A_61 = tpu.memref_slice %arg3[%add3A_54, %dma_start3A_60] : memref<160000x256xf32, #tpu.memory_space<hbm>> -> memref<40x256xf32, #tpu.memory_space<hbm>>
    %dma_start3A_62 = arith.constant 0 : i32
    %dma_start3A_63 = arith.constant 0 : i32
    %dma_start3A_64 = tpu.memref_slice %arg6[%dma_start3A_55, %dma_start3A_62, %dma_start3A_63] : memref<2x40x256xf32, #tpu.memory_space<vmem>> -> memref<1x40x256xf32, #tpu.memory_space<vmem>>
    %dma_start3A_65 = tpu.memref_squeeze %dma_start3A_64 : memref<1x40x256xf32, #tpu.memory_space<vmem>> -> memref<40x256xf32, #tpu.memory_space<vmem>>
    %dma_start3A_66 = arith.constant 0 : i32
    %dma_start3A_67 = tpu.memref_slice %arg3[%add3A_54, %dma_start3A_66] : memref<160000x256xf32, #tpu.memory_space<hbm>> -> memref<40x256xf32, #tpu.memory_space<hbm>>
    tpu.enqueue_dma source(%dma_start3A_67 : memref<40x256xf32, #tpu.memory_space<hbm>>) target(%dma_start3A_65 : memref<40x256xf32, #tpu.memory_space<vmem>>) target_semaphore(%arg9 : memref<!tpu.dma_semaphore, #tpu.memory_space<semaphore_mem>>)
    %iota3A = tpu.iota {dimensions = array<i32: 0>} : vector<16xi32>
    %xor3A = arith.constant 8 : i32
    %xor3A_68 = vector.broadcast %xor3A : i32 to vector<16xi32>
    %xor3A_69 = arith.xori %iota3A, %xor3A_68 : vector<16xi32>
    %xor3A_70 = arith.constant 4 : i32
    %xor3A_71 = vector.broadcast %xor3A_70 : i32 to vector<16xi32>
    %xor3A_72 = arith.xori %iota3A, %xor3A_71 : vector<16xi32>
    %xor3A_73 = arith.constant 2 : i32
    %xor3A_74 = vector.broadcast %xor3A_73 : i32 to vector<16xi32>
    %xor3A_75 = arith.xori %iota3A, %xor3A_74 : vector<16xi32>
    %xor3A_76 = arith.constant 1 : i32
    %xor3A_77 = vector.broadcast %xor3A_76 : i32 to vector<16xi32>
    %xor3A_78 = arith.xori %iota3A, %xor3A_77 : vector<16xi32>
    %scan3A_79 = arith.constant 0 : i32
    %scan3A_80 = arith.constant 0 : i32
    %scan3A_81 = arith.constant 55 : i32
    %scan3A_82 = arith.addi %scan3A_80, %scan3A_81 : i32
    %scan3A_83 = arith.constant 1 : i32
    %scan3A_84 = scf.for %scan3A_86 = %scan3A_80 to %scan3A_82 step %scan3A_83 iter_args(%scan3A_87 = %scan3A_79) -> (i32)  : i32 {
      %mul3A_88 = arith.constant 2 : i32
      %mul3A_89 = arith.muli %scan3A_86, %mul3A_88 : i32
      %add3A_90 = arith.constant 0 : i32
      %add3A_91 = arith.addi %mul3A_89, %add3A_90 : i32
      %lt3A = arith.constant 109 : i32
      %lt3A_92 = arith.cmpi slt, %add3A_91, %lt3A : i32
      %convert_element_type3A = arith.extui %lt3A_92 : i1 to i32
      %cond3A = arith.constant 0 : i32
      %cond3A_93 = arith.cmpi ne, %convert_element_type3A, %cond3A : i32
      scf.if %cond3A_93 {
        %mul3A_104 = arith.constant 40 : i32
        %mul3A_105 = arith.muli %add3A_91, %mul3A_104 : i32
        %add3A_106 = arith.addi %mul3A_2, %mul3A_105 : i32
        %dma_wait3A = arith.constant 0 : i32
        %dma_wait3A_107 = arith.constant 0 : i32
        %dma_wait3A_108 = arith.constant 0 : i32
        %dma_wait3A_109 = tpu.memref_slice %arg5[%dma_wait3A, %dma_wait3A_107, %dma_wait3A_108] : memref<2x40x256xf32, #tpu.memory_space<vmem>> -> memref<1x40x256xf32, #tpu.memory_space<vmem>>
        %dma_wait3A_110 = tpu.memref_squeeze %dma_wait3A_109 : memref<1x40x256xf32, #tpu.memory_space<vmem>> -> memref<40x256xf32, #tpu.memory_space<vmem>>
        %dma_wait3A_111 = arith.constant 0 : i32
        %dma_wait3A_112 = tpu.memref_slice %arg2[%add3A_106, %dma_wait3A_111] : memref<160000x256xf32, #tpu.memory_space<hbm>> -> memref<40x256xf32, #tpu.memory_space<hbm>>
        %dma_wait3A_113 = arith.constant 0 : i32
        %dma_wait3A_114 = arith.constant 0 : i32
        %dma_wait3A_115 = tpu.memref_slice %arg5[%dma_wait3A, %dma_wait3A_113, %dma_wait3A_114] : memref<2x40x256xf32, #tpu.memory_space<vmem>> -> memref<1x40x256xf32, #tpu.memory_space<vmem>>
        %dma_wait3A_116 = tpu.memref_squeeze %dma_wait3A_115 : memref<1x40x256xf32, #tpu.memory_space<vmem>> -> memref<40x256xf32, #tpu.memory_space<vmem>>
        %dma_wait3A_117 = arith.constant 0 : i32
        %dma_wait3A_118 = tpu.memref_slice %arg2[%add3A_106, %dma_wait3A_117] : memref<160000x256xf32, #tpu.memory_space<hbm>> -> memref<40x256xf32, #tpu.memory_space<hbm>>
        tpu.wait_dma2 semaphore(%arg8 : memref<!tpu.dma_semaphore, #tpu.memory_space<semaphore_mem>>) src(%dma_wait3A_118 : memref<40x256xf32, #tpu.memory_space<hbm>>) dst(%dma_wait3A_116 : memref<40x256xf32, #tpu.memory_space<vmem>>)
        %mul3A_119 = arith.constant 40 : i32
        %mul3A_120 = arith.muli %add3A_91, %mul3A_119 : i32
        %add3A_121 = arith.addi %mul3A_2, %mul3A_120 : i32
        %dma_wait3A_122 = arith.constant 0 : i32
        %dma_wait3A_123 = arith.constant 0 : i32
        %dma_wait3A_124 = arith.constant 0 : i32
        %dma_wait3A_125 = tpu.memref_slice %arg6[%dma_wait3A_122, %dma_wait3A_123, %dma_wait3A_124] : memref<2x40x256xf32, #tpu.memory_space<vmem>> -> memref<1x40x256xf32, #tpu.memory_space<vmem>>
        %dma_wait3A_126 = tpu.memref_squeeze %dma_wait3A_125 : memref<1x40x256xf32, #tpu.memory_space<vmem>> -> memref<40x256xf32, #tpu.memory_space<vmem>>
        %dma_wait3A_127 = arith.constant 0 : i32
        %dma_wait3A_128 = tpu.memref_slice %arg3[%add3A_121, %dma_wait3A_127] : memref<160000x256xf32, #tpu.memory_space<hbm>> -> memref<40x256xf32, #tpu.memory_space<hbm>>
        %dma_wait3A_129 = arith.constant 0 : i32
        %dma_wait3A_130 = arith.constant 0 : i32
        %dma_wait3A_131 = tpu.memref_slice %arg6[%dma_wait3A_122, %dma_wait3A_129, %dma_wait3A_130] : memref<2x40x256xf32, #tpu.memory_space<vmem>> -> memref<1x40x256xf32, #tpu.memory_space<vmem>>
        %dma_wait3A_132 = tpu.memref_squeeze %dma_wait3A_131 : memref<1x40x256xf32, #tpu.memory_space<vmem>> -> memref<40x256xf32, #tpu.memory_space<vmem>>
        %dma_wait3A_133 = arith.constant 0 : i32
        %dma_wait3A_134 = tpu.memref_slice %arg3[%add3A_121, %dma_wait3A_133] : memref<160000x256xf32, #tpu.memory_space<hbm>> -> memref<40x256xf32, #tpu.memory_space<hbm>>
        tpu.wait_dma2 semaphore(%arg8 : memref<!tpu.dma_semaphore, #tpu.memory_space<semaphore_mem>>) src(%dma_wait3A_134 : memref<40x256xf32, #tpu.memory_space<hbm>>) dst(%dma_wait3A_132 : memref<40x256xf32, #tpu.memory_space<vmem>>)
        %scan3A_135 = arith.constant 0 : i32
        %scan3A_136 = arith.constant 0 : i32
        %scan3A_137 = arith.constant 20 : i32
        %scan3A_138 = arith.addi %scan3A_136, %scan3A_137 : i32
        %scan3A_139 = arith.constant 1 : i32
        %scan3A_140 = scf.for %scan3A_149 = %scan3A_136 to %scan3A_138 step %scan3A_139 iter_args(%scan3A_150 = %scan3A_135) -> (i32)  : i32 {
          %mul3A_151 = arith.constant 2 : i32
          %mul3A_152 = arith.muli %scan3A_149, %mul3A_151 : i32
          %mul3A_153 = arith.constant 2 : i32
          %mul3A_154 = arith.muli %scan3A_149, %mul3A_153 : i32
          %add3A_155 = arith.constant 1 : i32
          %add3A_156 = arith.addi %mul3A_154, %add3A_155 : i32
          %get3A = arith.constant 0 : i32
          %get3A_157 = arith.index_cast %get3A : i32 to index
          %get3A_158 = arith.index_cast %mul3A_152 : i32 to index
          %get3A_159 = arith.constant 0 : index
          %get3A_160 = tpu.vector_load %arg5[%get3A_157, %get3A_158, %get3A_159] {strides = array<i32>} : memref<2x40x256xf32, #tpu.memory_space<vmem>>, vector<1x1x16xf32>,
          %get3A_161 = vector.shape_cast %get3A_160 : vector<1x1x16xf32> to vector<16xf32>
          %get3A_162 = arith.constant 0 : i32
          %get3A_163 = arith.index_cast %get3A_162 : i32 to index
          %get3A_164 = arith.index_cast %mul3A_152 : i32 to index
          %get3A_165 = arith.constant 16 : index
          %get3A_166 = tpu.vector_load %arg5[%get3A_163, %get3A_164, %get3A_165] {strides = array<i32>} : memref<2x40x256xf32, #tpu.memory_space<vmem>>, vector<1x1x16xf32>,
          %get3A_167 = vector.shape_cast %get3A_166 : vector<1x1x16xf32> to vector<16xf32>
          %get3A_168 = arith.constant 0 : i32
          %get3A_169 = arith.index_cast %get3A_168 : i32 to index
          %get3A_170 = arith.index_cast %mul3A_152 : i32 to index
          %get3A_171 = arith.constant 32 : index
          %get3A_172 = tpu.vector_load %arg5[%get3A_169, %get3A_170, %get3A_171] {strides = array<i32>} : memref<2x40x256xf32, #tpu.memory_space<vmem>>, vector<1x1x16xf32>,
          %get3A_173 = vector.shape_cast %get3A_172 : vector<1x1x16xf32> to vector<16xf32>
          %get3A_174 = arith.constant 0 : i32
          %get3A_175 = arith.index_cast %get3A_174 : i32 to index
          %get3A_176 = arith.index_cast %mul3A_152 : i32 to index
          %get3A_177 = arith.constant 48 : index
          %get3A_178 = tpu.vector_load %arg5[%get3A_175, %get3A_176, %get3A_177] {strides = array<i32>} : memref<2x40x256xf32, #tpu.memory_space<vmem>>, vector<1x1x16xf32>,
          %get3A_179 = vector.shape_cast %get3A_178 : vector<1x1x16xf32> to vector<16xf32>
          %get3A_180 = arith.constant 0 : i32
          %get3A_181 = arith.index_cast %get3A_180 : i32 to index
          %get3A_182 = arith.index_cast %mul3A_152 : i32 to index
          %get3A_183 = arith.constant 64 : index
          %get3A_184 = tpu.vector_load %arg5[%get3A_181, %get3A_182, %get3A_183] {strides = array<i32>} : memref<2x40x256xf32, #tpu.memory_space<vmem>>, vector<1x1x16xf32>,
          %get3A_185 = vector.shape_cast %get3A_184 : vector<1x1x16xf32> to vector<16xf32>
          %get3A_186 = arith.constant 0 : i32
          %get3A_187 = arith.index_cast %get3A_186 : i32 to index
          %get3A_188 = arith.index_cast %mul3A_152 : i32 to index
          %get3A_189 = arith.constant 80 : index
          %get3A_190 = tpu.vector_load %arg5[%get3A_187, %get3A_188, %get3A_189] {strides = array<i32>} : memref<2x40x256xf32, #tpu.memory_space<vmem>>, vector<1x1x16xf32>,
          %get3A_191 = vector.shape_cast %get3A_190 : vector<1x1x16xf32> to vector<16xf32>
          %get3A_192 = arith.constant 0 : i32
          %get3A_193 = arith.index_cast %get3A_192 : i32 to index
          %get3A_194 = arith.index_cast %mul3A_152 : i32 to index
          %get3A_195 = arith.constant 96 : index
          %get3A_196 = tpu.vector_load %arg5[%get3A_193, %get3A_194, %get3A_195] {strides = array<i32>} : memref<2x40x256xf32, #tpu.memory_space<vmem>>, vector<1x1x16xf32>,
          %get3A_197 = vector.shape_cast %get3A_196 : vector<1x1x16xf32> to vector<16xf32>
          %get3A_198 = arith.constant 0 : i32
          %get3A_199 = arith.index_cast %get3A_198 : i32 to index
          %get3A_200 = arith.index_cast %mul3A_152 : i32 to index
          %get3A_201 = arith.constant 112 : index
          %get3A_202 = tpu.vector_load %arg5[%get3A_199, %get3A_200, %get3A_201] {strides = array<i32>} : memref<2x40x256xf32, #tpu.memory_space<vmem>>, vector<1x1x16xf32>,
          %get3A_203 = vector.shape_cast %get3A_202 : vector<1x1x16xf32> to vector<16xf32>
          %get3A_204 = arith.constant 0 : i32
          %get3A_205 = arith.index_cast %get3A_204 : i32 to index
          %get3A_206 = arith.index_cast %mul3A_152 : i32 to index
          %get3A_207 = arith.constant 128 : index
          %get3A_208 = tpu.vector_load %arg5[%get3A_205, %get3A_206, %get3A_207] {strides = array<i32>} : memref<2x40x256xf32, #tpu.memory_space<vmem>>, vector<1x1x16xf32>,
          %get3A_209 = vector.shape_cast %get3A_208 : vector<1x1x16xf32> to vector<16xf32>
          %get3A_210 = arith.constant 0 : i32
          %get3A_211 = arith.index_cast %get3A_210 : i32 to index
          %get3A_212 = arith.index_cast %mul3A_152 : i32 to index
          %get3A_213 = arith.constant 144 : index
          %get3A_214 = tpu.vector_load %arg5[%get3A_211, %get3A_212, %get3A_213] {strides = array<i32>} : memref<2x40x256xf32, #tpu.memory_space<vmem>>, vector<1x1x16xf32>,
          %get3A_215 = vector.shape_cast %get3A_214 : vector<1x1x16xf32> to vector<16xf32>
          %get3A_216 = arith.constant 0 : i32
          %get3A_217 = arith.index_cast %get3A_216 : i32 to index
          %get3A_218 = arith.index_cast %mul3A_152 : i32 to index
          %get3A_219 = arith.constant 160 : index
          %get3A_220 = tpu.vector_load %arg5[%get3A_217, %get3A_218, %get3A_219] {strides = array<i32>} : memref<2x40x256xf32, #tpu.memory_space<vmem>>, vector<1x1x16xf32>,
          %get3A_221 = vector.shape_cast %get3A_220 : vector<1x1x16xf32> to vector<16xf32>
          %get3A_222 = arith.constant 0 : i32
          %get3A_223 = arith.index_cast %get3A_222 : i32 to index
          %get3A_224 = arith.index_cast %mul3A_152 : i32 to index
          %get3A_225 = arith.constant 176 : index
          %get3A_226 = tpu.vector_load %arg5[%get3A_223, %get3A_224, %get3A_225] {strides = array<i32>} : memref<2x40x256xf32, #tpu.memory_space<vmem>>, vector<1x1x16xf32>,
          %get3A_227 = vector.shape_cast %get3A_226 : vector<1x1x16xf32> to vector<16xf32>
          %get3A_228 = arith.constant 0 : i32
          %get3A_229 = arith.index_cast %get3A_228 : i32 to index
          %get3A_230 = arith.index_cast %mul3A_152 : i32 to index
          %get3A_231 = arith.constant 192 : index
          %get3A_232 = tpu.vector_load %arg5[%get3A_229, %get3A_230, %get3A_231] {strides = array<i32>} : memref<2x40x256xf32, #tpu.memory_space<vmem>>, vector<1x1x16xf32>,
          %get3A_233 = vector.shape_cast %get3A_232 : vector<1x1x16xf32> to vector<16xf32>
          %get3A_234 = arith.constant 0 : i32
          %get3A_235 = arith.index_cast %get3A_234 : i32 to index
          %get3A_236 = arith.index_cast %mul3A_152 : i32 to index
          %get3A_237 = arith.constant 208 : index
          %get3A_238 = tpu.vector_load %arg5[%get3A_235, %get3A_236, %get3A_237] {strides = array<i32>} : memref<2x40x256xf32, #tpu.memory_space<vmem>>, vector<1x1x16xf32>,
          %get3A_239 = vector.shape_cast %get3A_238 : vector<1x1x16xf32> to vector<16xf32>
          %get3A_240 = arith.constant 0 : i32
          %get3A_241 = arith.index_cast %get3A_240 : i32 to index
          %get3A_242 = arith.index_cast %mul3A_152 : i32 to index
          %get3A_243 = arith.constant 224 : index
          %get3A_244 = tpu.vector_load %arg5[%get3A_241, %get3A_242, %get3A_243] {strides = array<i32>} : memref<2x40x256xf32, #tpu.memory_space<vmem>>, vector<1x1x16xf32>,
          %get3A_245 = vector.shape_cast %get3A_244 : vector<1x1x16xf32> to vector<16xf32>
          %get3A_246 = arith.constant 0 : i32
          %get3A_247 = arith.index_cast %get3A_246 : i32 to index
          %get3A_248 = arith.index_cast %mul3A_152 : i32 to index
          %get3A_249 = arith.constant 240 : index
          %get3A_250 = tpu.vector_load %arg5[%get3A_247, %get3A_248, %get3A_249] {strides = array<i32>} : memref<2x40x256xf32, #tpu.memory_space<vmem>>, vector<1x1x16xf32>,
          %get3A_251 = vector.shape_cast %get3A_250 : vector<1x1x16xf32> to vector<16xf32>
          %max3A = arith.maximumf %get3A_161, %get3A_167 : vector<16xf32>
          %max3A_252 = arith.maximumf %get3A_173, %get3A_179 : vector<16xf32>
          %max3A_253 = arith.maximumf %get3A_185, %get3A_191 : vector<16xf32>
          %max3A_254 = arith.maximumf %get3A_197, %get3A_203 : vector<16xf32>
          %max3A_255 = arith.maximumf %get3A_209, %get3A_215 : vector<16xf32>
          %max3A_256 = arith.maximumf %get3A_221, %get3A_227 : vector<16xf32>
          %max3A_257 = arith.maximumf %get3A_233, %get3A_239 : vector<16xf32>
          %max3A_258 = arith.maximumf %get3A_245, %get3A_251 : vector<16xf32>
          %max3A_259 = arith.maximumf %max3A, %max3A_252 : vector<16xf32>
          %max3A_260 = arith.maximumf %max3A_253, %max3A_254 : vector<16xf32>
          %max3A_261 = arith.maximumf %max3A_255, %max3A_256 : vector<16xf32>
          %max3A_262 = arith.maximumf %max3A_257, %max3A_258 : vector<16xf32>
          %max3A_263 = arith.maximumf %max3A_259, %max3A_260 : vector<16xf32>
          %max3A_264 = arith.maximumf %max3A_261, %max3A_262 : vector<16xf32>
          %max3A_265 = arith.maximumf %max3A_263, %max3A_264 : vector<16xf32>
          %reshape3A = vector.shape_cast %xor3A_69 : vector<16xi32> to vector<16x1xi32>
          %gather3A = vector.shape_cast %reshape3A : vector<16x1xi32> to vector<16xi32>
          %gather3A_266 = tpu.dynamic_gather %max3A_265[%gather3A] in [0] : vector<16xf32>, vector<16xi32> -> vector<16xf32>
          %max3A_267 = arith.maximumf %max3A_265, %gather3A_266 : vector<16xf32>
          %reshape3A_268 = vector.shape_cast %xor3A_72 : vector<16xi32> to vector<16x1xi32>
          %gather3A_269 = vector.shape_cast %reshape3A_268 : vector<16x1xi32> to vector<16xi32>
          %gather3A_270 = tpu.dynamic_gather %max3A_267[%gather3A_269] in [0] : vector<16xf32>, vector<16xi32> -> vector<16xf32>
          %max3A_271 = arith.maximumf %max3A_267, %gather3A_270 : vector<16xf32>
          %reshape3A_272 = vector.shape_cast %xor3A_75 : vector<16xi32> to vector<16x1xi32>
          %gather3A_273 = vector.shape_cast %reshape3A_272 : vector<16x1xi32> to vector<16xi32>
          %gather3A_274 = tpu.dynamic_gather %max3A_271[%gather3A_273] in [0] : vector<16xf32>, vector<16xi32> -> vector<16xf32>
          %max3A_275 = arith.maximumf %max3A_271, %gather3A_274 : vector<16xf32>
          %reshape3A_276 = vector.shape_cast %xor3A_78 : vector<16xi32> to vector<16x1xi32>
          %gather3A_277 = vector.shape_cast %reshape3A_276 : vector<16x1xi32> to vector<16xi32>
          %gather3A_278 = tpu.dynamic_gather %max3A_275[%gather3A_277] in [0] : vector<16xf32>, vector<16xi32> -> vector<16xf32>
          %max3A_279 = arith.maximumf %max3A_275, %gather3A_278 : vector<16xf32>
          %eq3A = arith.cmpf oeq, %get3A_161, %max3A_279 : vector<16xf32>
          %add3A_280 = arith.constant 0 : i32
          %add3A_281 = vector.broadcast %add3A_280 : i32 to vector<16xi32>
          %add3A_282 = arith.addi %iota3A, %add3A_281 : vector<16xi32>
          %jit3A = arith.constant 256 : i32
          %broadcast_in_dim3A = vector.broadcast %jit3A : i32 to vector<16xi32>
          %select_n3A = arith.select %eq3A, %add3A_282, %broadcast_in_dim3A : vector<16xi1>, vector<16xi32>
          %eq3A_283 = arith.cmpf oeq, %get3A_167, %max3A_279 : vector<16xf32>
          %add3A_284 = arith.constant 16 : i32
          %add3A_285 = vector.broadcast %add3A_284 : i32 to vector<16xi32>
          %add3A_286 = arith.addi %iota3A, %add3A_285 : vector<16xi32>
          %jit3A_287 = arith.constant 256 : i32
          %broadcast_in_dim3A_288 = vector.broadcast %jit3A_287 : i32 to vector<16xi32>
          %select_n3A_289 = arith.select %eq3A_283, %add3A_286, %broadcast_in_dim3A_288 : vector<16xi1>, vector<16xi32>
          %eq3A_290 = arith.cmpf oeq, %get3A_173, %max3A_279 : vector<16xf32>
          %add3A_291 = arith.constant 32 : i32
          %add3A_292 = vector.broadcast %add3A_291 : i32 to vector<16xi32>
          %add3A_293 = arith.addi %iota3A, %add3A_292 : vector<16xi32>
          %jit3A_294 = arith.constant 256 : i32
          %broadcast_in_dim3A_295 = vector.broadcast %jit3A_294 : i32 to vector<16xi32>
          %select_n3A_296 = arith.select %eq3A_290, %add3A_293, %broadcast_in_dim3A_295 : vector<16xi1>, vector<16xi32>
          %eq3A_297 = arith.cmpf oeq, %get3A_179, %max3A_279 : vector<16xf32>
          %add3A_298 = arith.constant 48 : i32
          %add3A_299 = vector.broadcast %add3A_298 : i32 to vector<16xi32>
          %add3A_300 = arith.addi %iota3A, %add3A_299 : vector<16xi32>
          %jit3A_301 = arith.constant 256 : i32
          %broadcast_in_dim3A_302 = vector.broadcast %jit3A_301 : i32 to vector<16xi32>
          %select_n3A_303 = arith.select %eq3A_297, %add3A_300, %broadcast_in_dim3A_302 : vector<16xi1>, vector<16xi32>
          %eq3A_304 = arith.cmpf oeq, %get3A_185, %max3A_279 : vector<16xf32>
          %add3A_305 = arith.constant 64 : i32
          %add3A_306 = vector.broadcast %add3A_305 : i32 to vector<16xi32>
          %add3A_307 = arith.addi %iota3A, %add3A_306 : vector<16xi32>
          %jit3A_308 = arith.constant 256 : i32
          %broadcast_in_dim3A_309 = vector.broadcast %jit3A_308 : i32 to vector<16xi32>
          %select_n3A_310 = arith.select %eq3A_304, %add3A_307, %broadcast_in_dim3A_309 : vector<16xi1>, vector<16xi32>
          %eq3A_311 = arith.cmpf oeq, %get3A_191, %max3A_279 : vector<16xf32>
          %add3A_312 = arith.constant 80 : i32
          %add3A_313 = vector.broadcast %add3A_312 : i32 to vector<16xi32>
          %add3A_314 = arith.addi %iota3A, %add3A_313 : vector<16xi32>
          %jit3A_315 = arith.constant 256 : i32
          %broadcast_in_dim3A_316 = vector.broadcast %jit3A_315 : i32 to vector<16xi32>
          %select_n3A_317 = arith.select %eq3A_311, %add3A_314, %broadcast_in_dim3A_316 : vector<16xi1>, vector<16xi32>
          %eq3A_318 = arith.cmpf oeq, %get3A_197, %max3A_279 : vector<16xf32>
          %add3A_319 = arith.constant 96 : i32
          %add3A_320 = vector.broadcast %add3A_319 : i32 to vector<16xi32>
          %add3A_321 = arith.addi %iota3A, %add3A_320 : vector<16xi32>
          %jit3A_322 = arith.constant 256 : i32
          %broadcast_in_dim3A_323 = vector.broadcast %jit3A_322 : i32 to vector<16xi32>
          %select_n3A_324 = arith.select %eq3A_318, %add3A_321, %broadcast_in_dim3A_323 : vector<16xi1>, vector<16xi32>
          %eq3A_325 = arith.cmpf oeq, %get3A_203, %max3A_279 : vector<16xf32>
          %add3A_326 = arith.constant 112 : i32
          %add3A_327 = vector.broadcast %add3A_326 : i32 to vector<16xi32>
          %add3A_328 = arith.addi %iota3A, %add3A_327 : vector<16xi32>
          %jit3A_329 = arith.constant 256 : i32
          %broadcast_in_dim3A_330 = vector.broadcast %jit3A_329 : i32 to vector<16xi32>
          %select_n3A_331 = arith.select %eq3A_325, %add3A_328, %broadcast_in_dim3A_330 : vector<16xi1>, vector<16xi32>
          %eq3A_332 = arith.cmpf oeq, %get3A_209, %max3A_279 : vector<16xf32>
          %add3A_333 = arith.constant 128 : i32
          %add3A_334 = vector.broadcast %add3A_333 : i32 to vector<16xi32>
          %add3A_335 = arith.addi %iota3A, %add3A_334 : vector<16xi32>
          %jit3A_336 = arith.constant 256 : i32
          %broadcast_in_dim3A_337 = vector.broadcast %jit3A_336 : i32 to vector<16xi32>
          %select_n3A_338 = arith.select %eq3A_332, %add3A_335, %broadcast_in_dim3A_337 : vector<16xi1>, vector<16xi32>
          %eq3A_339 = arith.cmpf oeq, %get3A_215, %max3A_279 : vector<16xf32>
          %add3A_340 = arith.constant 144 : i32
          %add3A_341 = vector.broadcast %add3A_340 : i32 to vector<16xi32>
          %add3A_342 = arith.addi %iota3A, %add3A_341 : vector<16xi32>
          %jit3A_343 = arith.constant 256 : i32
          %broadcast_in_dim3A_344 = vector.broadcast %jit3A_343 : i32 to vector<16xi32>
          %select_n3A_345 = arith.select %eq3A_339, %add3A_342, %broadcast_in_dim3A_344 : vector<16xi1>, vector<16xi32>
          %eq3A_346 = arith.cmpf oeq, %get3A_221, %max3A_279 : vector<16xf32>
          %add3A_347 = arith.constant 160 : i32
          %add3A_348 = vector.broadcast %add3A_347 : i32 to vector<16xi32>
          %add3A_349 = arith.addi %iota3A, %add3A_348 : vector<16xi32>
          %jit3A_350 = arith.constant 256 : i32
          %broadcast_in_dim3A_351 = vector.broadcast %jit3A_350 : i32 to vector<16xi32>
          %select_n3A_352 = arith.select %eq3A_346, %add3A_349, %broadcast_in_dim3A_351 : vector<16xi1>, vector<16xi32>
          %eq3A_353 = arith.cmpf oeq, %get3A_227, %max3A_279 : vector<16xf32>
          %add3A_354 = arith.constant 176 : i32
          %add3A_355 = vector.broadcast %add3A_354 : i32 to vector<16xi32>
          %add3A_356 = arith.addi %iota3A, %add3A_355 : vector<16xi32>
          %jit3A_357 = arith.constant 256 : i32
          %broadcast_in_dim3A_358 = vector.broadcast %jit3A_357 : i32 to vector<16xi32>
          %select_n3A_359 = arith.select %eq3A_353, %add3A_356, %broadcast_in_dim3A_358 : vector<16xi1>, vector<16xi32>
          %eq3A_360 = arith.cmpf oeq, %get3A_233, %max3A_279 : vector<16xf32>
          %add3A_361 = arith.constant 192 : i32
          %add3A_362 = vector.broadcast %add3A_361 : i32 to vector<16xi32>
          %add3A_363 = arith.addi %iota3A, %add3A_362 : vector<16xi32>
          %jit3A_364 = arith.constant 256 : i32
          %broadcast_in_dim3A_365 = vector.broadcast %jit3A_364 : i32 to vector<16xi32>
          %select_n3A_366 = arith.select %eq3A_360, %add3A_363, %broadcast_in_dim3A_365 : vector<16xi1>, vector<16xi32>
          %eq3A_367 = arith.cmpf oeq, %get3A_239, %max3A_279 : vector<16xf32>
          %add3A_368 = arith.constant 208 : i32
          %add3A_369 = vector.broadcast %add3A_368 : i32 to vector<16xi32>
          %add3A_370 = arith.addi %iota3A, %add3A_369 : vector<16xi32>
          %jit3A_371 = arith.constant 256 : i32
          %broadcast_in_dim3A_372 = vector.broadcast %jit3A_371 : i32 to vector<16xi32>
          %select_n3A_373 = arith.select %eq3A_367, %add3A_370, %broadcast_in_dim3A_372 : vector<16xi1>, vector<16xi32>
          %eq3A_374 = arith.cmpf oeq, %get3A_245, %max3A_279 : vector<16xf32>
          %add3A_375 = arith.constant 224 : i32
          %add3A_376 = vector.broadcast %add3A_375 : i32 to vector<16xi32>
          %add3A_377 = arith.addi %iota3A, %add3A_376 : vector<16xi32>
          %jit3A_378 = arith.constant 256 : i32
          %broadcast_in_dim3A_379 = vector.broadcast %jit3A_378 : i32 to vector<16xi32>
          %select_n3A_380 = arith.select %eq3A_374, %add3A_377, %broadcast_in_dim3A_379 : vector<16xi1>, vector<16xi32>
          %eq3A_381 = arith.cmpf oeq, %get3A_251, %max3A_279 : vector<16xf32>
          %add3A_382 = arith.constant 240 : i32
          %add3A_383 = vector.broadcast %add3A_382 : i32 to vector<16xi32>
          %add3A_384 = arith.addi %iota3A, %add3A_383 : vector<16xi32>
          %jit3A_385 = arith.constant 256 : i32
          %broadcast_in_dim3A_386 = vector.broadcast %jit3A_385 : i32 to vector<16xi32>
          %select_n3A_387 = arith.select %eq3A_381, %add3A_384, %broadcast_in_dim3A_386 : vector<16xi1>, vector<16xi32>
          %min3A = arith.minsi %select_n3A, %select_n3A_289 : vector<16xi32>
          %min3A_388 = arith.minsi %select_n3A_296, %select_n3A_303 : vector<16xi32>
          %min3A_389 = arith.minsi %select_n3A_310, %select_n3A_317 : vector<16xi32>
          %min3A_390 = arith.minsi %select_n3A_324, %select_n3A_331 : vector<16xi32>
          %min3A_391 = arith.minsi %select_n3A_338, %select_n3A_345 : vector<16xi32>
          %min3A_392 = arith.minsi %select_n3A_352, %select_n3A_359 : vector<16xi32>
          %min3A_393 = arith.minsi %select_n3A_366, %select_n3A_373 : vector<16xi32>
          %min3A_394 = arith.minsi %select_n3A_380, %select_n3A_387 : vector<16xi32>
          %min3A_395 = arith.minsi %min3A, %min3A_388 : vector<16xi32>
          %min3A_396 = arith.minsi %min3A_389, %min3A_390 : vector<16xi32>
          %min3A_397 = arith.minsi %min3A_391, %min3A_392 : vector<16xi32>
          %min3A_398 = arith.minsi %min3A_393, %min3A_394 : vector<16xi32>
          %min3A_399 = arith.minsi %min3A_395, %min3A_396 : vector<16xi32>
          %min3A_400 = arith.minsi %min3A_397, %min3A_398 : vector<16xi32>
          %min3A_401 = arith.minsi %min3A_399, %min3A_400 : vector<16xi32>
          %reshape3A_402 = vector.shape_cast %xor3A_69 : vector<16xi32> to vector<16x1xi32>
          %gather3A_403 = vector.shape_cast %reshape3A_402 : vector<16x1xi32> to vector<16xi32>
          %gather3A_404 = tpu.dynamic_gather %min3A_401[%gather3A_403] in [0] : vector<16xi32>, vector<16xi32> -> vector<16xi32>
          %min3A_405 = arith.minsi %min3A_401, %gather3A_404 : vector<16xi32>
          %reshape3A_406 = vector.shape_cast %xor3A_72 : vector<16xi32> to vector<16x1xi32>
          %gather3A_407 = vector.shape_cast %reshape3A_406 : vector<16x1xi32> to vector<16xi32>
          %gather3A_408 = tpu.dynamic_gather %min3A_405[%gather3A_407] in [0] : vector<16xi32>, vector<16xi32> -> vector<16xi32>
          %min3A_409 = arith.minsi %min3A_405, %gather3A_408 : vector<16xi32>
          %reshape3A_410 = vector.shape_cast %xor3A_75 : vector<16xi32> to vector<16x1xi32>
          %gather3A_411 = vector.shape_cast %reshape3A_410 : vector<16x1xi32> to vector<16xi32>
          %gather3A_412 = tpu.dynamic_gather %min3A_409[%gather3A_411] in [0] : vector<16xi32>, vector<16xi32> -> vector<16xi32>
          %min3A_413 = arith.minsi %min3A_409, %gather3A_412 : vector<16xi32>
          %reshape3A_414 = vector.shape_cast %xor3A_78 : vector<16xi32> to vector<16x1xi32>
          %gather3A_415 = vector.shape_cast %reshape3A_414 : vector<16x1xi32> to vector<16xi32>
          %gather3A_416 = tpu.dynamic_gather %min3A_413[%gather3A_415] in [0] : vector<16xi32>, vector<16xi32> -> vector<16xi32>
          %min3A_417 = arith.minsi %min3A_413, %gather3A_416 : vector<16xi32>
          %gt3A = arith.constant 0.899999976 : f32
          %gt3A_418 = vector.broadcast %gt3A : f32 to vector<16xf32>
          %gt3A_419 = arith.cmpf ogt, %max3A_279, %gt3A_418 : vector<16xf32>
          %jit3A_420 = arith.constant 0.000000e+00 : f32
          %broadcast_in_dim3A_421 = vector.broadcast %jit3A_420 : f32 to vector<16xf32>
          %select_n3A_422 = arith.select %gt3A_419, %max3A_279, %broadcast_in_dim3A_421 : vector<16xi1>, vector<16xf32>
          %slice3A = vector.extract_strided_slice %min3A_417 {offsets = [0], sizes = [1], strides = [1]} : vector<16xi32> to vector<1xi32>
          %squeeze3A = vector.extract %slice3A[0] : i32 from vector<1xi32>
          %get3A_423 = arith.constant 0 : i32
          %get3A_424 = arith.index_cast %get3A_423 : i32 to index
          %get3A_425 = arith.index_cast %add3A_156 : i32 to index
          %get3A_426 = arith.constant 0 : index
          %get3A_427 = tpu.vector_load %arg5[%get3A_424, %get3A_425, %get3A_426] {strides = array<i32>} : memref<2x40x256xf32, #tpu.memory_space<vmem>>, vector<1x1x16xf32>,
          %get3A_428 = vector.shape_cast %get3A_427 : vector<1x1x16xf32> to vector<16xf32>
          %get3A_429 = arith.constant 0 : i32
          %get3A_430 = arith.index_cast %get3A_429 : i32 to index
          %get3A_431 = arith.index_cast %add3A_156 : i32 to index
          %get3A_432 = arith.constant 16 : index
          %get3A_433 = tpu.vector_load %arg5[%get3A_430, %get3A_431, %get3A_432] {strides = array<i32>} : memref<2x40x256xf32, #tpu.memory_space<vmem>>, vector<1x1x16xf32>,
          %get3A_434 = vector.shape_cast %get3A_433 : vector<1x1x16xf32> to vector<16xf32>
          %get3A_435 = arith.constant 0 : i32
          %get3A_436 = arith.index_cast %get3A_435 : i32 to index
          %get3A_437 = arith.index_cast %add3A_156 : i32 to index
          %get3A_438 = arith.constant 32 : index
          %get3A_439 = tpu.vector_load %arg5[%get3A_436, %get3A_437, %get3A_438] {strides = array<i32>} : memref<2x40x256xf32, #tpu.memory_space<vmem>>, vector<1x1x16xf32>,
          %get3A_440 = vector.shape_cast %get3A_439 : vector<1x1x16xf32> to vector<16xf32>
          %get3A_441 = arith.constant 0 : i32
          %get3A_442 = arith.index_cast %get3A_441 : i32 to index
          %get3A_443 = arith.index_cast %add3A_156 : i32 to index
          %get3A_444 = arith.constant 48 : index
          %get3A_445 = tpu.vector_load %arg5[%get3A_442, %get3A_443, %get3A_444] {strides = array<i32>} : memref<2x40x256xf32, #tpu.memory_space<vmem>>, vector<1x1x16xf32>,
          %get3A_446 = vector.shape_cast %get3A_445 : vector<1x1x16xf32> to vector<16xf32>
          %get3A_447 = arith.constant 0 : i32
          %get3A_448 = arith.index_cast %get3A_447 : i32 to index
          %get3A_449 = arith.index_cast %add3A_156 : i32 to index
          %get3A_450 = arith.constant 64 : index
          %get3A_451 = tpu.vector_load %arg5[%get3A_448, %get3A_449, %get3A_450] {strides = array<i32>} : memref<2x40x256xf32, #tpu.memory_space<vmem>>, vector<1x1x16xf32>,
          %get3A_452 = vector.shape_cast %get3A_451 : vector<1x1x16xf32> to vector<16xf32>
          %get3A_453 = arith.constant 0 : i32
          %get3A_454 = arith.index_cast %get3A_453 : i32 to index
          %get3A_455 = arith.index_cast %add3A_156 : i32 to index
          %get3A_456 = arith.constant 80 : index
          %get3A_457 = tpu.vector_load %arg5[%get3A_454, %get3A_455, %get3A_456] {strides = array<i32>} : memref<2x40x256xf32, #tpu.memory_space<vmem>>, vector<1x1x16xf32>,
          %get3A_458 = vector.shape_cast %get3A_457 : vector<1x1x16xf32> to vector<16xf32>
          %get3A_459 = arith.constant 0 : i32
          %get3A_460 = arith.index_cast %get3A_459 : i32 to index
          %get3A_461 = arith.index_cast %add3A_156 : i32 to index
          %get3A_462 = arith.constant 96 : index
          %get3A_463 = tpu.vector_load %arg5[%get3A_460, %get3A_461, %get3A_462] {strides = array<i32>} : memref<2x40x256xf32, #tpu.memory_space<vmem>>, vector<1x1x16xf32>,
          %get3A_464 = vector.shape_cast %get3A_463 : vector<1x1x16xf32> to vector<16xf32>
          %get3A_465 = arith.constant 0 : i32
          %get3A_466 = arith.index_cast %get3A_465 : i32 to index
          %get3A_467 = arith.index_cast %add3A_156 : i32 to index
          %get3A_468 = arith.constant 112 : index
          %get3A_469 = tpu.vector_load %arg5[%get3A_466, %get3A_467, %get3A_468] {strides = array<i32>} : memref<2x40x256xf32, #tpu.memory_space<vmem>>, vector<1x1x16xf32>,
          %get3A_470 = vector.shape_cast %get3A_469 : vector<1x1x16xf32> to vector<16xf32>
          %get3A_471 = arith.constant 0 : i32
          %get3A_472 = arith.index_cast %get3A_471 : i32 to index
          %get3A_473 = arith.index_cast %add3A_156 : i32 to index
          %get3A_474 = arith.constant 128 : index
          %get3A_475 = tpu.vector_load %arg5[%get3A_472, %get3A_473, %get3A_474] {strides = array<i32>} : memref<2x40x256xf32, #tpu.memory_space<vmem>>, vector<1x1x16xf32>,
          %get3A_476 = vector.shape_cast %get3A_475 : vector<1x1x16xf32> to vector<16xf32>
          %get3A_477 = arith.constant 0 : i32
          %get3A_478 = arith.index_cast %get3A_477 : i32 to index
          %get3A_479 = arith.index_cast %add3A_156 : i32 to index
          %get3A_480 = arith.constant 144 : index
          %get3A_481 = tpu.vector_load %arg5[%get3A_478, %get3A_479, %get3A_480] {strides = array<i32>} : memref<2x40x256xf32, #tpu.memory_space<vmem>>, vector<1x1x16xf32>,
          %get3A_482 = vector.shape_cast %get3A_481 : vector<1x1x16xf32> to vector<16xf32>
          %get3A_483 = arith.constant 0 : i32
          %get3A_484 = arith.index_cast %get3A_483 : i32 to index
          %get3A_485 = arith.index_cast %add3A_156 : i32 to index
          %get3A_486 = arith.constant 160 : index
          %get3A_487 = tpu.vector_load %arg5[%get3A_484, %get3A_485, %get3A_486] {strides = array<i32>} : memref<2x40x256xf32, #tpu.memory_space<vmem>>, vector<1x1x16xf32>,
          %get3A_488 = vector.shape_cast %get3A_487 : vector<1x1x16xf32> to vector<16xf32>
          %get3A_489 = arith.constant 0 : i32
          %get3A_490 = arith.index_cast %get3A_489 : i32 to index
          %get3A_491 = arith.index_cast %add3A_156 : i32 to index
          %get3A_492 = arith.constant 176 : index
          %get3A_493 = tpu.vector_load %arg5[%get3A_490, %get3A_491, %get3A_492] {strides = array<i32>} : memref<2x40x256xf32, #tpu.memory_space<vmem>>, vector<1x1x16xf32>,
          %get3A_494 = vector.shape_cast %get3A_493 : vector<1x1x16xf32> to vector<16xf32>
          %get3A_495 = arith.constant 0 : i32
          %get3A_496 = arith.index_cast %get3A_495 : i32 to index
          %get3A_497 = arith.index_cast %add3A_156 : i32 to index
          %get3A_498 = arith.constant 192 : index
          %get3A_499 = tpu.vector_load %arg5[%get3A_496, %get3A_497, %get3A_498] {strides = array<i32>} : memref<2x40x256xf32, #tpu.memory_space<vmem>>, vector<1x1x16xf32>,
          %get3A_500 = vector.shape_cast %get3A_499 : vector<1x1x16xf32> to vector<16xf32>
          %get3A_501 = arith.constant 0 : i32
          %get3A_502 = arith.index_cast %get3A_501 : i32 to index
          %get3A_503 = arith.index_cast %add3A_156 : i32 to index
          %get3A_504 = arith.constant 208 : index
          %get3A_505 = tpu.vector_load %arg5[%get3A_502, %get3A_503, %get3A_504] {strides = array<i32>} : memref<2x40x256xf32, #tpu.memory_space<vmem>>, vector<1x1x16xf32>,
          %get3A_506 = vector.shape_cast %get3A_505 : vector<1x1x16xf32> to vector<16xf32>
          %get3A_507 = arith.constant 0 : i32
          %get3A_508 = arith.index_cast %get3A_507 : i32 to index
          %get3A_509 = arith.index_cast %add3A_156 : i32 to index
          %get3A_510 = arith.constant 224 : index
          %get3A_511 = tpu.vector_load %arg5[%get3A_508, %get3A_509, %get3A_510] {strides = array<i32>} : memref<2x40x256xf32, #tpu.memory_space<vmem>>, vector<1x1x16xf32>,
          %get3A_512 = vector.shape_cast %get3A_511 : vector<1x1x16xf32> to vector<16xf32>
          %get3A_513 = arith.constant 0 : i32
          %get3A_514 = arith.index_cast %get3A_513 : i32 to index
          %get3A_515 = arith.index_cast %add3A_156 : i32 to index
          %get3A_516 = arith.constant 240 : index
          %get3A_517 = tpu.vector_load %arg5[%get3A_514, %get3A_515, %get3A_516] {strides = array<i32>} : memref<2x40x256xf32, #tpu.memory_space<vmem>>, vector<1x1x16xf32>,
          %get3A_518 = vector.shape_cast %get3A_517 : vector<1x1x16xf32> to vector<16xf32>
          %max3A_519 = arith.maximumf %get3A_428, %get3A_434 : vector<16xf32>
          %max3A_520 = arith.maximumf %get3A_440, %get3A_446 : vector<16xf32>
          %max3A_521 = arith.maximumf %get3A_452, %get3A_458 : vector<16xf32>
          %max3A_522 = arith.maximumf %get3A_464, %get3A_470 : vector<16xf32>
          %max3A_523 = arith.maximumf %get3A_476, %get3A_482 : vector<16xf32>
          %max3A_524 = arith.maximumf %get3A_488, %get3A_494 : vector<16xf32>
          %max3A_525 = arith.maximumf %get3A_500, %get3A_506 : vector<16xf32>
          %max3A_526 = arith.maximumf %get3A_512, %get3A_518 : vector<16xf32>
          %max3A_527 = arith.maximumf %max3A_519, %max3A_520 : vector<16xf32>
          %max3A_528 = arith.maximumf %max3A_521, %max3A_522 : vector<16xf32>
          %max3A_529 = arith.maximumf %max3A_523, %max3A_524 : vector<16xf32>
          %max3A_530 = arith.maximumf %max3A_525, %max3A_526 : vector<16xf32>
          %max3A_531 = arith.maximumf %max3A_527, %max3A_528 : vector<16xf32>
          %max3A_532 = arith.maximumf %max3A_529, %max3A_530 : vector<16xf32>
          %max3A_533 = arith.maximumf %max3A_531, %max3A_532 : vector<16xf32>
          %reshape3A_534 = vector.shape_cast %xor3A_69 : vector<16xi32> to vector<16x1xi32>
          %gather3A_535 = vector.shape_cast %reshape3A_534 : vector<16x1xi32> to vector<16xi32>
          %gather3A_536 = tpu.dynamic_gather %max3A_533[%gather3A_535] in [0] : vector<16xf32>, vector<16xi32> -> vector<16xf32>
          %max3A_537 = arith.maximumf %max3A_533, %gather3A_536 : vector<16xf32>
          %reshape3A_538 = vector.shape_cast %xor3A_72 : vector<16xi32> to vector<16x1xi32>
          %gather3A_539 = vector.shape_cast %reshape3A_538 : vector<16x1xi32> to vector<16xi32>
          %gather3A_540 = tpu.dynamic_gather %max3A_537[%gather3A_539] in [0] : vector<16xf32>, vector<16xi32> -> vector<16xf32>
          %max3A_541 = arith.maximumf %max3A_537, %gather3A_540 : vector<16xf32>
          %reshape3A_542 = vector.shape_cast %xor3A_75 : vector<16xi32> to vector<16x1xi32>
          %gather3A_543 = vector.shape_cast %reshape3A_542 : vector<16x1xi32> to vector<16xi32>
          %gather3A_544 = tpu.dynamic_gather %max3A_541[%gather3A_543] in [0] : vector<16xf32>, vector<16xi32> -> vector<16xf32>
          %max3A_545 = arith.maximumf %max3A_541, %gather3A_544 : vector<16xf32>
          %reshape3A_546 = vector.shape_cast %xor3A_78 : vector<16xi32> to vector<16x1xi32>
          %gather3A_547 = vector.shape_cast %reshape3A_546 : vector<16x1xi32> to vector<16xi32>
          %gather3A_548 = tpu.dynamic_gather %max3A_545[%gather3A_547] in [0] : vector<16xf32>, vector<16xi32> -> vector<16xf32>
          %max3A_549 = arith.maximumf %max3A_545, %gather3A_548 : vector<16xf32>
          %eq3A_550 = arith.cmpf oeq, %get3A_428, %max3A_549 : vector<16xf32>
          %add3A_551 = arith.constant 0 : i32
          %add3A_552 = vector.broadcast %add3A_551 : i32 to vector<16xi32>
          %add3A_553 = arith.addi %iota3A, %add3A_552 : vector<16xi32>
          %jit3A_554 = arith.constant 256 : i32
          %broadcast_in_dim3A_555 = vector.broadcast %jit3A_554 : i32 to vector<16xi32>
          %select_n3A_556 = arith.select %eq3A_550, %add3A_553, %broadcast_in_dim3A_555 : vector<16xi1>, vector<16xi32>
          %eq3A_557 = arith.cmpf oeq, %get3A_434, %max3A_549 : vector<16xf32>
          %add3A_558 = arith.constant 16 : i32
          %add3A_559 = vector.broadcast %add3A_558 : i32 to vector<16xi32>
          %add3A_560 = arith.addi %iota3A, %add3A_559 : vector<16xi32>
          %jit3A_561 = arith.constant 256 : i32
          %broadcast_in_dim3A_562 = vector.broadcast %jit3A_561 : i32 to vector<16xi32>
          %select_n3A_563 = arith.select %eq3A_557, %add3A_560, %broadcast_in_dim3A_562 : vector<16xi1>, vector<16xi32>
          %eq3A_564 = arith.cmpf oeq, %get3A_440, %max3A_549 : vector<16xf32>
          %add3A_565 = arith.constant 32 : i32
          %add3A_566 = vector.broadcast %add3A_565 : i32 to vector<16xi32>
          %add3A_567 = arith.addi %iota3A, %add3A_566 : vector<16xi32>
          %jit3A_568 = arith.constant 256 : i32
          %broadcast_in_dim3A_569 = vector.broadcast %jit3A_568 : i32 to vector<16xi32>
          %select_n3A_570 = arith.select %eq3A_564, %add3A_567, %broadcast_in_dim3A_569 : vector<16xi1>, vector<16xi32>
          %eq3A_571 = arith.cmpf oeq, %get3A_446, %max3A_549 : vector<16xf32>
          %add3A_572 = arith.constant 48 : i32
          %add3A_573 = vector.broadcast %add3A_572 : i32 to vector<16xi32>
          %add3A_574 = arith.addi %iota3A, %add3A_573 : vector<16xi32>
          %jit3A_575 = arith.constant 256 : i32
          %broadcast_in_dim3A_576 = vector.broadcast %jit3A_575 : i32 to vector<16xi32>
          %select_n3A_577 = arith.select %eq3A_571, %add3A_574, %broadcast_in_dim3A_576 : vector<16xi1>, vector<16xi32>
          %eq3A_578 = arith.cmpf oeq, %get3A_452, %max3A_549 : vector<16xf32>
          %add3A_579 = arith.constant 64 : i32
          %add3A_580 = vector.broadcast %add3A_579 : i32 to vector<16xi32>
          %add3A_581 = arith.addi %iota3A, %add3A_580 : vector<16xi32>
          %jit3A_582 = arith.constant 256 : i32
          %broadcast_in_dim3A_583 = vector.broadcast %jit3A_582 : i32 to vector<16xi32>
          %select_n3A_584 = arith.select %eq3A_578, %add3A_581, %broadcast_in_dim3A_583 : vector<16xi1>, vector<16xi32>
          %eq3A_585 = arith.cmpf oeq, %get3A_458, %max3A_549 : vector<16xf32>
          %add3A_586 = arith.constant 80 : i32
          %add3A_587 = vector.broadcast %add3A_586 : i32 to vector<16xi32>
          %add3A_588 = arith.addi %iota3A, %add3A_587 : vector<16xi32>
          %jit3A_589 = arith.constant 256 : i32
          %broadcast_in_dim3A_590 = vector.broadcast %jit3A_589 : i32 to vector<16xi32>
          %select_n3A_591 = arith.select %eq3A_585, %add3A_588, %broadcast_in_dim3A_590 : vector<16xi1>, vector<16xi32>
          %eq3A_592 = arith.cmpf oeq, %get3A_464, %max3A_549 : vector<16xf32>
          %add3A_593 = arith.constant 96 : i32
          %add3A_594 = vector.broadcast %add3A_593 : i32 to vector<16xi32>
          %add3A_595 = arith.addi %iota3A, %add3A_594 : vector<16xi32>
          %jit3A_596 = arith.constant 256 : i32
          %broadcast_in_dim3A_597 = vector.broadcast %jit3A_596 : i32 to vector<16xi32>
          %select_n3A_598 = arith.select %eq3A_592, %add3A_595, %broadcast_in_dim3A_597 : vector<16xi1>, vector<16xi32>
          %eq3A_599 = arith.cmpf oeq, %get3A_470, %max3A_549 : vector<16xf32>
          %add3A_600 = arith.constant 112 : i32
          %add3A_601 = vector.broadcast %add3A_600 : i32 to vector<16xi32>
          %add3A_602 = arith.addi %iota3A, %add3A_601 : vector<16xi32>
          %jit3A_603 = arith.constant 256 : i32
          %broadcast_in_dim3A_604 = vector.broadcast %jit3A_603 : i32 to vector<16xi32>
          %select_n3A_605 = arith.select %eq3A_599, %add3A_602, %broadcast_in_dim3A_604 : vector<16xi1>, vector<16xi32>
          %eq3A_606 = arith.cmpf oeq, %get3A_476, %max3A_549 : vector<16xf32>
          %add3A_607 = arith.constant 128 : i32
          %add3A_608 = vector.broadcast %add3A_607 : i32 to vector<16xi32>
          %add3A_609 = arith.addi %iota3A, %add3A_608 : vector<16xi32>
          %jit3A_610 = arith.constant 256 : i32
          %broadcast_in_dim3A_611 = vector.broadcast %jit3A_610 : i32 to vector<16xi32>
          %select_n3A_612 = arith.select %eq3A_606, %add3A_609, %broadcast_in_dim3A_611 : vector<16xi1>, vector<16xi32>
          %eq3A_613 = arith.cmpf oeq, %get3A_482, %max3A_549 : vector<16xf32>
          %add3A_614 = arith.constant 144 : i32
          %add3A_615 = vector.broadcast %add3A_614 : i32 to vector<16xi32>
          %add3A_616 = arith.addi %iota3A, %add3A_615 : vector<16xi32>
          %jit3A_617 = arith.constant 256 : i32
          %broadcast_in_dim3A_618 = vector.broadcast %jit3A_617 : i32 to vector<16xi32>
          %select_n3A_619 = arith.select %eq3A_613, %add3A_616, %broadcast_in_dim3A_618 : vector<16xi1>, vector<16xi32>
          %eq3A_620 = arith.cmpf oeq, %get3A_488, %max3A_549 : vector<16xf32>
          %add3A_621 = arith.constant 160 : i32
          %add3A_622 = vector.broadcast %add3A_621 : i32 to vector<16xi32>
          %add3A_623 = arith.addi %iota3A, %add3A_622 : vector<16xi32>
          %jit3A_624 = arith.constant 256 : i32
          %broadcast_in_dim3A_625 = vector.broadcast %jit3A_624 : i32 to vector<16xi32>
          %select_n3A_626 = arith.select %eq3A_620, %add3A_623, %broadcast_in_dim3A_625 : vector<16xi1>, vector<16xi32>
          %eq3A_627 = arith.cmpf oeq, %get3A_494, %max3A_549 : vector<16xf32>
          %add3A_628 = arith.constant 176 : i32
          %add3A_629 = vector.broadcast %add3A_628 : i32 to vector<16xi32>
          %add3A_630 = arith.addi %iota3A, %add3A_629 : vector<16xi32>
          %jit3A_631 = arith.constant 256 : i32
          %broadcast_in_dim3A_632 = vector.broadcast %jit3A_631 : i32 to vector<16xi32>
          %select_n3A_633 = arith.select %eq3A_627, %add3A_630, %broadcast_in_dim3A_632 : vector<16xi1>, vector<16xi32>
          %eq3A_634 = arith.cmpf oeq, %get3A_500, %max3A_549 : vector<16xf32>
          %add3A_635 = arith.constant 192 : i32
          %add3A_636 = vector.broadcast %add3A_635 : i32 to vector<16xi32>
          %add3A_637 = arith.addi %iota3A, %add3A_636 : vector<16xi32>
          %jit3A_638 = arith.constant 256 : i32
          %broadcast_in_dim3A_639 = vector.broadcast %jit3A_638 : i32 to vector<16xi32>
          %select_n3A_640 = arith.select %eq3A_634, %add3A_637, %broadcast_in_dim3A_639 : vector<16xi1>, vector<16xi32>
          %eq3A_641 = arith.cmpf oeq, %get3A_506, %max3A_549 : vector<16xf32>
          %add3A_642 = arith.constant 208 : i32
          %add3A_643 = vector.broadcast %add3A_642 : i32 to vector<16xi32>
          %add3A_644 = arith.addi %iota3A, %add3A_643 : vector<16xi32>
          %jit3A_645 = arith.constant 256 : i32
          %broadcast_in_dim3A_646 = vector.broadcast %jit3A_645 : i32 to vector<16xi32>
          %select_n3A_647 = arith.select %eq3A_641, %add3A_644, %broadcast_in_dim3A_646 : vector<16xi1>, vector<16xi32>
          %eq3A_648 = arith.cmpf oeq, %get3A_512, %max3A_549 : vector<16xf32>
          %add3A_649 = arith.constant 224 : i32
          %add3A_650 = vector.broadcast %add3A_649 : i32 to vector<16xi32>
          %add3A_651 = arith.addi %iota3A, %add3A_650 : vector<16xi32>
          %jit3A_652 = arith.constant 256 : i32
          %broadcast_in_dim3A_653 = vector.broadcast %jit3A_652 : i32 to vector<16xi32>
          %select_n3A_654 = arith.select %eq3A_648, %add3A_651, %broadcast_in_dim3A_653 : vector<16xi1>, vector<16xi32>
          %eq3A_655 = arith.cmpf oeq, %get3A_518, %max3A_549 : vector<16xf32>
          %add3A_656 = arith.constant 240 : i32
          %add3A_657 = vector.broadcast %add3A_656 : i32 to vector<16xi32>
          %add3A_658 = arith.addi %iota3A, %add3A_657 : vector<16xi32>
          %jit3A_659 = arith.constant 256 : i32
          %broadcast_in_dim3A_660 = vector.broadcast %jit3A_659 : i32 to vector<16xi32>
          %select_n3A_661 = arith.select %eq3A_655, %add3A_658, %broadcast_in_dim3A_660 : vector<16xi1>, vector<16xi32>
          %min3A_662 = arith.minsi %select_n3A_556, %select_n3A_563 : vector<16xi32>
          %min3A_663 = arith.minsi %select_n3A_570, %select_n3A_577 : vector<16xi32>
          %min3A_664 = arith.minsi %select_n3A_584, %select_n3A_591 : vector<16xi32>
          %min3A_665 = arith.minsi %select_n3A_598, %select_n3A_605 : vector<16xi32>
          %min3A_666 = arith.minsi %select_n3A_612, %select_n3A_619 : vector<16xi32>
          %min3A_667 = arith.minsi %select_n3A_626, %select_n3A_633 : vector<16xi32>
          %min3A_668 = arith.minsi %select_n3A_640, %select_n3A_647 : vector<16xi32>
          %min3A_669 = arith.minsi %select_n3A_654, %select_n3A_661 : vector<16xi32>
          %min3A_670 = arith.minsi %min3A_662, %min3A_663 : vector<16xi32>
          %min3A_671 = arith.minsi %min3A_664, %min3A_665 : vector<16xi32>
          %min3A_672 = arith.minsi %min3A_666, %min3A_667 : vector<16xi32>
          %min3A_673 = arith.minsi %min3A_668, %min3A_669 : vector<16xi32>
          %min3A_674 = arith.minsi %min3A_670, %min3A_671 : vector<16xi32>
          %min3A_675 = arith.minsi %min3A_672, %min3A_673 : vector<16xi32>
          %min3A_676 = arith.minsi %min3A_674, %min3A_675 : vector<16xi32>
          %reshape3A_677 = vector.shape_cast %xor3A_69 : vector<16xi32> to vector<16x1xi32>
          %gather3A_678 = vector.shape_cast %reshape3A_677 : vector<16x1xi32> to vector<16xi32>
          %gather3A_679 = tpu.dynamic_gather %min3A_676[%gather3A_678] in [0] : vector<16xi32>, vector<16xi32> -> vector<16xi32>
          %min3A_680 = arith.minsi %min3A_676, %gather3A_679 : vector<16xi32>
          %reshape3A_681 = vector.shape_cast %xor3A_72 : vector<16xi32> to vector<16x1xi32>
          %gather3A_682 = vector.shape_cast %reshape3A_681 : vector<16x1xi32> to vector<16xi32>
          %gather3A_683 = tpu.dynamic_gather %min3A_680[%gather3A_682] in [0] : vector<16xi32>, vector<16xi32> -> vector<16xi32>
          %min3A_684 = arith.minsi %min3A_680, %gather3A_683 : vector<16xi32>
          %reshape3A_685 = vector.shape_cast %xor3A_75 : vector<16xi32> to vector<16x1xi32>
          %gather3A_686 = vector.shape_cast %reshape3A_685 : vector<16x1xi32> to vector<16xi32>
          %gather3A_687 = tpu.dynamic_gather %min3A_684[%gather3A_686] in [0] : vector<16xi32>, vector<16xi32> -> vector<16xi32>
          %min3A_688 = arith.minsi %min3A_684, %gather3A_687 : vector<16xi32>
          %reshape3A_689 = vector.shape_cast %xor3A_78 : vector<16xi32> to vector<16x1xi32>
          %gather3A_690 = vector.shape_cast %reshape3A_689 : vector<16x1xi32> to vector<16xi32>
          %gather3A_691 = tpu.dynamic_gather %min3A_688[%gather3A_690] in [0] : vector<16xi32>, vector<16xi32> -> vector<16xi32>
          %min3A_692 = arith.minsi %min3A_688, %gather3A_691 : vector<16xi32>
          %gt3A_693 = arith.constant 0.899999976 : f32
          %gt3A_694 = vector.broadcast %gt3A_693 : f32 to vector<16xf32>
          %gt3A_695 = arith.cmpf ogt, %max3A_549, %gt3A_694 : vector<16xf32>
          %jit3A_696 = arith.constant 0.000000e+00 : f32
          %broadcast_in_dim3A_697 = vector.broadcast %jit3A_696 : f32 to vector<16xf32>
          %select_n3A_698 = arith.select %gt3A_695, %max3A_549, %broadcast_in_dim3A_697 : vector<16xi1>, vector<16xf32>
          %slice3A_699 = vector.extract_strided_slice %min3A_692 {offsets = [0], sizes = [1], strides = [1]} : vector<16xi32> to vector<1xi32>
          %squeeze3A_700 = vector.extract %slice3A_699[0] : i32 from vector<1xi32>
          %get3A_701 = arith.constant 0 : i32
          %get3A_702 = arith.index_cast %get3A_701 : i32 to index
          %get3A_703 = arith.index_cast %mul3A_152 : i32 to index
          %get3A_704 = arith.constant 0 : index
          %get3A_705 = tpu.vector_load %arg6[%get3A_702, %get3A_703, %get3A_704] {strides = array<i32>} : memref<2x40x256xf32, #tpu.memory_space<vmem>>, vector<1x1x16xf32>,
          %get3A_706 = vector.shape_cast %get3A_705 : vector<1x1x16xf32> to vector<16xf32>
          %get3A_707 = arith.constant 0 : i32
          %get3A_708 = arith.index_cast %get3A_707 : i32 to index
          %get3A_709 = arith.index_cast %mul3A_152 : i32 to index
          %get3A_710 = arith.constant 16 : index
          %get3A_711 = tpu.vector_load %arg6[%get3A_708, %get3A_709, %get3A_710] {strides = array<i32>} : memref<2x40x256xf32, #tpu.memory_space<vmem>>, vector<1x1x16xf32>,
          %get3A_712 = vector.shape_cast %get3A_711 : vector<1x1x16xf32> to vector<16xf32>
          %get3A_713 = arith.constant 0 : i32
          %get3A_714 = arith.index_cast %get3A_713 : i32 to index
          %get3A_715 = arith.index_cast %mul3A_152 : i32 to index
          %get3A_716 = arith.constant 32 : index
          %get3A_717 = tpu.vector_load %arg6[%get3A_714, %get3A_715, %get3A_716] {strides = array<i32>} : memref<2x40x256xf32, #tpu.memory_space<vmem>>, vector<1x1x16xf32>,
          %get3A_718 = vector.shape_cast %get3A_717 : vector<1x1x16xf32> to vector<16xf32>
          %get3A_719 = arith.constant 0 : i32
          %get3A_720 = arith.index_cast %get3A_719 : i32 to index
          %get3A_721 = arith.index_cast %mul3A_152 : i32 to index
          %get3A_722 = arith.constant 48 : index
          %get3A_723 = tpu.vector_load %arg6[%get3A_720, %get3A_721, %get3A_722] {strides = array<i32>} : memref<2x40x256xf32, #tpu.memory_space<vmem>>, vector<1x1x16xf32>,
          %get3A_724 = vector.shape_cast %get3A_723 : vector<1x1x16xf32> to vector<16xf32>
          %get3A_725 = arith.constant 0 : i32
          %get3A_726 = arith.index_cast %get3A_725 : i32 to index
          %get3A_727 = arith.index_cast %mul3A_152 : i32 to index
          %get3A_728 = arith.constant 64 : index
          %get3A_729 = tpu.vector_load %arg6[%get3A_726, %get3A_727, %get3A_728] {strides = array<i32>} : memref<2x40x256xf32, #tpu.memory_space<vmem>>, vector<1x1x16xf32>,
          %get3A_730 = vector.shape_cast %get3A_729 : vector<1x1x16xf32> to vector<16xf32>
          %get3A_731 = arith.constant 0 : i32
          %get3A_732 = arith.index_cast %get3A_731 : i32 to index
          %get3A_733 = arith.index_cast %mul3A_152 : i32 to index
          %get3A_734 = arith.constant 80 : index
          %get3A_735 = tpu.vector_load %arg6[%get3A_732, %get3A_733, %get3A_734] {strides = array<i32>} : memref<2x40x256xf32, #tpu.memory_space<vmem>>, vector<1x1x16xf32>,
          %get3A_736 = vector.shape_cast %get3A_735 : vector<1x1x16xf32> to vector<16xf32>
          %get3A_737 = arith.constant 0 : i32
          %get3A_738 = arith.index_cast %get3A_737 : i32 to index
          %get3A_739 = arith.index_cast %mul3A_152 : i32 to index
          %get3A_740 = arith.constant 96 : index
          %get3A_741 = tpu.vector_load %arg6[%get3A_738, %get3A_739, %get3A_740] {strides = array<i32>} : memref<2x40x256xf32, #tpu.memory_space<vmem>>, vector<1x1x16xf32>,
          %get3A_742 = vector.shape_cast %get3A_741 : vector<1x1x16xf32> to vector<16xf32>
          %get3A_743 = arith.constant 0 : i32
          %get3A_744 = arith.index_cast %get3A_743 : i32 to index
          %get3A_745 = arith.index_cast %mul3A_152 : i32 to index
          %get3A_746 = arith.constant 112 : index
          %get3A_747 = tpu.vector_load %arg6[%get3A_744, %get3A_745, %get3A_746] {strides = array<i32>} : memref<2x40x256xf32, #tpu.memory_space<vmem>>, vector<1x1x16xf32>,
          %get3A_748 = vector.shape_cast %get3A_747 : vector<1x1x16xf32> to vector<16xf32>
          %get3A_749 = arith.constant 0 : i32
          %get3A_750 = arith.index_cast %get3A_749 : i32 to index
          %get3A_751 = arith.index_cast %mul3A_152 : i32 to index
          %get3A_752 = arith.constant 128 : index
          %get3A_753 = tpu.vector_load %arg6[%get3A_750, %get3A_751, %get3A_752] {strides = array<i32>} : memref<2x40x256xf32, #tpu.memory_space<vmem>>, vector<1x1x16xf32>,
          %get3A_754 = vector.shape_cast %get3A_753 : vector<1x1x16xf32> to vector<16xf32>
          %get3A_755 = arith.constant 0 : i32
          %get3A_756 = arith.index_cast %get3A_755 : i32 to index
          %get3A_757 = arith.index_cast %mul3A_152 : i32 to index
          %get3A_758 = arith.constant 144 : index
          %get3A_759 = tpu.vector_load %arg6[%get3A_756, %get3A_757, %get3A_758] {strides = array<i32>} : memref<2x40x256xf32, #tpu.memory_space<vmem>>, vector<1x1x16xf32>,
          %get3A_760 = vector.shape_cast %get3A_759 : vector<1x1x16xf32> to vector<16xf32>
          %get3A_761 = arith.constant 0 : i32
          %get3A_762 = arith.index_cast %get3A_761 : i32 to index
          %get3A_763 = arith.index_cast %mul3A_152 : i32 to index
          %get3A_764 = arith.constant 160 : index
          %get3A_765 = tpu.vector_load %arg6[%get3A_762, %get3A_763, %get3A_764] {strides = array<i32>} : memref<2x40x256xf32, #tpu.memory_space<vmem>>, vector<1x1x16xf32>,
          %get3A_766 = vector.shape_cast %get3A_765 : vector<1x1x16xf32> to vector<16xf32>
          %get3A_767 = arith.constant 0 : i32
          %get3A_768 = arith.index_cast %get3A_767 : i32 to index
          %get3A_769 = arith.index_cast %mul3A_152 : i32 to index
          %get3A_770 = arith.constant 176 : index
          %get3A_771 = tpu.vector_load %arg6[%get3A_768, %get3A_769, %get3A_770] {strides = array<i32>} : memref<2x40x256xf32, #tpu.memory_space<vmem>>, vector<1x1x16xf32>,
          %get3A_772 = vector.shape_cast %get3A_771 : vector<1x1x16xf32> to vector<16xf32>
          %get3A_773 = arith.constant 0 : i32
          %get3A_774 = arith.index_cast %get3A_773 : i32 to index
          %get3A_775 = arith.index_cast %mul3A_152 : i32 to index
          %get3A_776 = arith.constant 192 : index
          %get3A_777 = tpu.vector_load %arg6[%get3A_774, %get3A_775, %get3A_776] {strides = array<i32>} : memref<2x40x256xf32, #tpu.memory_space<vmem>>, vector<1x1x16xf32>,
          %get3A_778 = vector.shape_cast %get3A_777 : vector<1x1x16xf32> to vector<16xf32>
          %get3A_779 = arith.constant 0 : i32
          %get3A_780 = arith.index_cast %get3A_779 : i32 to index
          %get3A_781 = arith.index_cast %mul3A_152 : i32 to index
          %get3A_782 = arith.constant 208 : index
          %get3A_783 = tpu.vector_load %arg6[%get3A_780, %get3A_781, %get3A_782] {strides = array<i32>} : memref<2x40x256xf32, #tpu.memory_space<vmem>>, vector<1x1x16xf32>,
          %get3A_784 = vector.shape_cast %get3A_783 : vector<1x1x16xf32> to vector<16xf32>
          %get3A_785 = arith.constant 0 : i32
          %get3A_786 = arith.index_cast %get3A_785 : i32 to index
          %get3A_787 = arith.index_cast %mul3A_152 : i32 to index
          %get3A_788 = arith.constant 224 : index
          %get3A_789 = tpu.vector_load %arg6[%get3A_786, %get3A_787, %get3A_788] {strides = array<i32>} : memref<2x40x256xf32, #tpu.memory_space<vmem>>, vector<1x1x16xf32>,
          %get3A_790 = vector.shape_cast %get3A_789 : vector<1x1x16xf32> to vector<16xf32>
          %get3A_791 = arith.constant 0 : i32
          %get3A_792 = arith.index_cast %get3A_791 : i32 to index
          %get3A_793 = arith.index_cast %mul3A_152 : i32 to index
          %get3A_794 = arith.constant 240 : index
          %get3A_795 = tpu.vector_load %arg6[%get3A_792, %get3A_793, %get3A_794] {strides = array<i32>} : memref<2x40x256xf32, #tpu.memory_space<vmem>>, vector<1x1x16xf32>,
          %get3A_796 = vector.shape_cast %get3A_795 : vector<1x1x16xf32> to vector<16xf32>
          %mul3A_797 = arith.mulf %get3A_706, %select_n3A_422 : vector<16xf32>
          %mul3A_798 = arith.mulf %get3A_712, %select_n3A_422 : vector<16xf32>
          %mul3A_799 = arith.mulf %get3A_718, %select_n3A_422 : vector<16xf32>
          %mul3A_800 = arith.mulf %get3A_724, %select_n3A_422 : vector<16xf32>
          %mul3A_801 = arith.mulf %get3A_730, %select_n3A_422 : vector<16xf32>
          %mul3A_802 = arith.mulf %get3A_736, %select_n3A_422 : vector<16xf32>
          %mul3A_803 = arith.mulf %get3A_742, %select_n3A_422 : vector<16xf32>
          %mul3A_804 = arith.mulf %get3A_748, %select_n3A_422 : vector<16xf32>
          %mul3A_805 = arith.mulf %get3A_754, %select_n3A_422 : vector<16xf32>
          %mul3A_806 = arith.mulf %get3A_760, %select_n3A_422 : vector<16xf32>
          %mul3A_807 = arith.mulf %get3A_766, %select_n3A_422 : vector<16xf32>
          %mul3A_808 = arith.mulf %get3A_772, %select_n3A_422 : vector<16xf32>
          %mul3A_809 = arith.mulf %get3A_778, %select_n3A_422 : vector<16xf32>
          %mul3A_810 = arith.mulf %get3A_784, %select_n3A_422 : vector<16xf32>
          %mul3A_811 = arith.mulf %get3A_790, %select_n3A_422 : vector<16xf32>
          %mul3A_812 = arith.mulf %get3A_796, %select_n3A_422 : vector<16xf32>
          %swap3A = arith.index_cast %squeeze3A : i32 to index
          %swap3A_813 = arith.constant 0 : index
          %swap3A_814 = tpu.vector_load %arg7[%swap3A, %swap3A_813] {strides = array<i32>} : memref<257x256xf32, #tpu.memory_space<vmem>>, vector<1x16xf32>,
          %swap3A_815 = vector.shape_cast %swap3A_814 : vector<1x16xf32> to vector<16xf32>
          %swap3A_816 = vector.shape_cast %mul3A_797 : vector<16xf32> to vector<1x16xf32>
          tpu.vector_store %arg7[%swap3A, %swap3A_813], %swap3A_816 {add = true, strides = array<i32>} : memref<257x256xf32, #tpu.memory_space<vmem>>, vector<1x16xf32>,
          %swap3A_817 = arith.index_cast %squeeze3A : i32 to index
          %swap3A_818 = arith.constant 16 : index
          %swap3A_819 = tpu.vector_load %arg7[%swap3A_817, %swap3A_818] {strides = array<i32>} : memref<257x256xf32, #tpu.memory_space<vmem>>, vector<1x16xf32>,
          %swap3A_820 = vector.shape_cast %swap3A_819 : vector<1x16xf32> to vector<16xf32>
          %swap3A_821 = vector.shape_cast %mul3A_798 : vector<16xf32> to vector<1x16xf32>
          tpu.vector_store %arg7[%swap3A_817, %swap3A_818], %swap3A_821 {add = true, strides = array<i32>} : memref<257x256xf32, #tpu.memory_space<vmem>>, vector<1x16xf32>,
          %swap3A_822 = arith.index_cast %squeeze3A : i32 to index
          %swap3A_823 = arith.constant 32 : index
          %swap3A_824 = tpu.vector_load %arg7[%swap3A_822, %swap3A_823] {strides = array<i32>} : memref<257x256xf32, #tpu.memory_space<vmem>>, vector<1x16xf32>,
          %swap3A_825 = vector.shape_cast %swap3A_824 : vector<1x16xf32> to vector<16xf32>
          %swap3A_826 = vector.shape_cast %mul3A_799 : vector<16xf32> to vector<1x16xf32>
          tpu.vector_store %arg7[%swap3A_822, %swap3A_823], %swap3A_826 {add = true, strides = array<i32>} : memref<257x256xf32, #tpu.memory_space<vmem>>, vector<1x16xf32>,
          %swap3A_827 = arith.index_cast %squeeze3A : i32 to index
          %swap3A_828 = arith.constant 48 : index
          %swap3A_829 = tpu.vector_load %arg7[%swap3A_827, %swap3A_828] {strides = array<i32>} : memref<257x256xf32, #tpu.memory_space<vmem>>, vector<1x16xf32>,
          %swap3A_830 = vector.shape_cast %swap3A_829 : vector<1x16xf32> to vector<16xf32>
          %swap3A_831 = vector.shape_cast %mul3A_800 : vector<16xf32> to vector<1x16xf32>
          tpu.vector_store %arg7[%swap3A_827, %swap3A_828], %swap3A_831 {add = true, strides = array<i32>} : memref<257x256xf32, #tpu.memory_space<vmem>>, vector<1x16xf32>,
          %swap3A_832 = arith.index_cast %squeeze3A : i32 to index
          %swap3A_833 = arith.constant 64 : index
          %swap3A_834 = tpu.vector_load %arg7[%swap3A_832, %swap3A_833] {strides = array<i32>} : memref<257x256xf32, #tpu.memory_space<vmem>>, vector<1x16xf32>,
          %swap3A_835 = vector.shape_cast %swap3A_834 : vector<1x16xf32> to vector<16xf32>
          %swap3A_836 = vector.shape_cast %mul3A_801 : vector<16xf32> to vector<1x16xf32>
          tpu.vector_store %arg7[%swap3A_832, %swap3A_833], %swap3A_836 {add = true, strides = array<i32>} : memref<257x256xf32, #tpu.memory_space<vmem>>, vector<1x16xf32>,
          %swap3A_837 = arith.index_cast %squeeze3A : i32 to index
          %swap3A_838 = arith.constant 80 : index
          %swap3A_839 = tpu.vector_load %arg7[%swap3A_837, %swap3A_838] {strides = array<i32>} : memref<257x256xf32, #tpu.memory_space<vmem>>, vector<1x16xf32>,
          %swap3A_840 = vector.shape_cast %swap3A_839 : vector<1x16xf32> to vector<16xf32>
          %swap3A_841 = vector.shape_cast %mul3A_802 : vector<16xf32> to vector<1x16xf32>
          tpu.vector_store %arg7[%swap3A_837, %swap3A_838], %swap3A_841 {add = true, strides = array<i32>} : memref<257x256xf32, #tpu.memory_space<vmem>>, vector<1x16xf32>,
          %swap3A_842 = arith.index_cast %squeeze3A : i32 to index
          %swap3A_843 = arith.constant 96 : index
          %swap3A_844 = tpu.vector_load %arg7[%swap3A_842, %swap3A_843] {strides = array<i32>} : memref<257x256xf32, #tpu.memory_space<vmem>>, vector<1x16xf32>,
          %swap3A_845 = vector.shape_cast %swap3A_844 : vector<1x16xf32> to vector<16xf32>
          %swap3A_846 = vector.shape_cast %mul3A_803 : vector<16xf32> to vector<1x16xf32>
          tpu.vector_store %arg7[%swap3A_842, %swap3A_843], %swap3A_846 {add = true, strides = array<i32>} : memref<257x256xf32, #tpu.memory_space<vmem>>, vector<1x16xf32>,
          %swap3A_847 = arith.index_cast %squeeze3A : i32 to index
          %swap3A_848 = arith.constant 112 : index
          %swap3A_849 = tpu.vector_load %arg7[%swap3A_847, %swap3A_848] {strides = array<i32>} : memref<257x256xf32, #tpu.memory_space<vmem>>, vector<1x16xf32>,
          %swap3A_850 = vector.shape_cast %swap3A_849 : vector<1x16xf32> to vector<16xf32>
          %swap3A_851 = vector.shape_cast %mul3A_804 : vector<16xf32> to vector<1x16xf32>
          tpu.vector_store %arg7[%swap3A_847, %swap3A_848], %swap3A_851 {add = true, strides = array<i32>} : memref<257x256xf32, #tpu.memory_space<vmem>>, vector<1x16xf32>,
          %swap3A_852 = arith.index_cast %squeeze3A : i32 to index
          %swap3A_853 = arith.constant 128 : index
          %swap3A_854 = tpu.vector_load %arg7[%swap3A_852, %swap3A_853] {strides = array<i32>} : memref<257x256xf32, #tpu.memory_space<vmem>>, vector<1x16xf32>,
          %swap3A_855 = vector.shape_cast %swap3A_854 : vector<1x16xf32> to vector<16xf32>
          %swap3A_856 = vector.shape_cast %mul3A_805 : vector<16xf32> to vector<1x16xf32>
          tpu.vector_store %arg7[%swap3A_852, %swap3A_853], %swap3A_856 {add = true, strides = array<i32>} : memref<257x256xf32, #tpu.memory_space<vmem>>, vector<1x16xf32>,
          %swap3A_857 = arith.index_cast %squeeze3A : i32 to index
          %swap3A_858 = arith.constant 144 : index
          %swap3A_859 = tpu.vector_load %arg7[%swap3A_857, %swap3A_858] {strides = array<i32>} : memref<257x256xf32, #tpu.memory_space<vmem>>, vector<1x16xf32>,
          %swap3A_860 = vector.shape_cast %swap3A_859 : vector<1x16xf32> to vector<16xf32>
          %swap3A_861 = vector.shape_cast %mul3A_806 : vector<16xf32> to vector<1x16xf32>
          tpu.vector_store %arg7[%swap3A_857, %swap3A_858], %swap3A_861 {add = true, strides = array<i32>} : memref<257x256xf32, #tpu.memory_space<vmem>>, vector<1x16xf32>,
          %swap3A_862 = arith.index_cast %squeeze3A : i32 to index
          %swap3A_863 = arith.constant 160 : index
          %swap3A_864 = tpu.vector_load %arg7[%swap3A_862, %swap3A_863] {strides = array<i32>} : memref<257x256xf32, #tpu.memory_space<vmem>>, vector<1x16xf32>,
          %swap3A_865 = vector.shape_cast %swap3A_864 : vector<1x16xf32> to vector<16xf32>
          %swap3A_866 = vector.shape_cast %mul3A_807 : vector<16xf32> to vector<1x16xf32>
          tpu.vector_store %arg7[%swap3A_862, %swap3A_863], %swap3A_866 {add = true, strides = array<i32>} : memref<257x256xf32, #tpu.memory_space<vmem>>, vector<1x16xf32>,
          %swap3A_867 = arith.index_cast %squeeze3A : i32 to index
          %swap3A_868 = arith.constant 176 : index
          %swap3A_869 = tpu.vector_load %arg7[%swap3A_867, %swap3A_868] {strides = array<i32>} : memref<257x256xf32, #tpu.memory_space<vmem>>, vector<1x16xf32>,
          %swap3A_870 = vector.shape_cast %swap3A_869 : vector<1x16xf32> to vector<16xf32>
          %swap3A_871 = vector.shape_cast %mul3A_808 : vector<16xf32> to vector<1x16xf32>
          tpu.vector_store %arg7[%swap3A_867, %swap3A_868], %swap3A_871 {add = true, strides = array<i32>} : memref<257x256xf32, #tpu.memory_space<vmem>>, vector<1x16xf32>,
          %swap3A_872 = arith.index_cast %squeeze3A : i32 to index
          %swap3A_873 = arith.constant 192 : index
          %swap3A_874 = tpu.vector_load %arg7[%swap3A_872, %swap3A_873] {strides = array<i32>} : memref<257x256xf32, #tpu.memory_space<vmem>>, vector<1x16xf32>,
          %swap3A_875 = vector.shape_cast %swap3A_874 : vector<1x16xf32> to vector<16xf32>
          %swap3A_876 = vector.shape_cast %mul3A_809 : vector<16xf32> to vector<1x16xf32>
          tpu.vector_store %arg7[%swap3A_872, %swap3A_873], %swap3A_876 {add = true, strides = array<i32>} : memref<257x256xf32, #tpu.memory_space<vmem>>, vector<1x16xf32>,
          %swap3A_877 = arith.index_cast %squeeze3A : i32 to index
          %swap3A_878 = arith.constant 208 : index
          %swap3A_879 = tpu.vector_load %arg7[%swap3A_877, %swap3A_878] {strides = array<i32>} : memref<257x256xf32, #tpu.memory_space<vmem>>, vector<1x16xf32>,
          %swap3A_880 = vector.shape_cast %swap3A_879 : vector<1x16xf32> to vector<16xf32>
          %swap3A_881 = vector.shape_cast %mul3A_810 : vector<16xf32> to vector<1x16xf32>
          tpu.vector_store %arg7[%swap3A_877, %swap3A_878], %swap3A_881 {add = true, strides = array<i32>} : memref<257x256xf32, #tpu.memory_space<vmem>>, vector<1x16xf32>,
          %swap3A_882 = arith.index_cast %squeeze3A : i32 to index
          %swap3A_883 = arith.constant 224 : index
          %swap3A_884 = tpu.vector_load %arg7[%swap3A_882, %swap3A_883] {strides = array<i32>} : memref<257x256xf32, #tpu.memory_space<vmem>>, vector<1x16xf32>,
          %swap3A_885 = vector.shape_cast %swap3A_884 : vector<1x16xf32> to vector<16xf32>
          %swap3A_886 = vector.shape_cast %mul3A_811 : vector<16xf32> to vector<1x16xf32>
          tpu.vector_store %arg7[%swap3A_882, %swap3A_883], %swap3A_886 {add = true, strides = array<i32>} : memref<257x256xf32, #tpu.memory_space<vmem>>, vector<1x16xf32>,
          %swap3A_887 = arith.index_cast %squeeze3A : i32 to index
          %swap3A_888 = arith.constant 240 : index
          %swap3A_889 = tpu.vector_load %arg7[%swap3A_887, %swap3A_888] {strides = array<i32>} : memref<257x256xf32, #tpu.memory_space<vmem>>, vector<1x16xf32>,
          %swap3A_890 = vector.shape_cast %swap3A_889 : vector<1x16xf32> to vector<16xf32>
          %swap3A_891 = vector.shape_cast %mul3A_812 : vector<16xf32> to vector<1x16xf32>
          tpu.vector_store %arg7[%swap3A_887, %swap3A_888], %swap3A_891 {add = true, strides = array<i32>} : memref<257x256xf32, #tpu.memory_space<vmem>>, vector<1x16xf32>,
          %and3A = arith.constant 15 : i32
          %and3A_892 = arith.andi %squeeze3A, %and3A : i32
          %eq3A_893 = vector.broadcast %and3A_892 : i32 to vector<16xi32>
          %eq3A_894 = arith.cmpi eq, %iota3A, %eq3A_893 : vector<16xi32>
          %jit3A_895 = arith.constant 1.000000e+00 : f32
          %jit3A_896 = arith.constant 0.000000e+00 : f32
          %broadcast_in_dim3A_897 = vector.broadcast %jit3A_895 : f32 to vector<16xf32>
          %broadcast_in_dim3A_898 = vector.broadcast %jit3A_896 : f32 to vector<16xf32>
          %select_n3A_899 = arith.select %eq3A_894, %broadcast_in_dim3A_897, %broadcast_in_dim3A_898 : vector<16xi1>, vector<16xf32>
          %shift_right_arithmetic3A = arith.constant 4 : i32
          %shift_right_arithmetic3A_900 = arith.shrsi %squeeze3A, %shift_right_arithmetic3A : i32
          %mul3A_901 = arith.constant 16 : i32
          %mul3A_902 = arith.muli %shift_right_arithmetic3A_900, %mul3A_901 : i32
          %swap3A_903 = arith.constant 256 : i32
          %swap3A_904 = arith.index_cast %swap3A_903 : i32 to index
          %swap3A_905 = arith.index_cast %mul3A_902 : i32 to index
          %swap3A_906 = tpu.vector_load %arg7[%swap3A_904, %swap3A_905] {strides = array<i32>} : memref<257x256xf32, #tpu.memory_space<vmem>>, vector<1x16xf32>,
          %swap3A_907 = vector.shape_cast %swap3A_906 : vector<1x16xf32> to vector<16xf32>
          %swap3A_908 = vector.shape_cast %select_n3A_899 : vector<16xf32> to vector<1x16xf32>
          tpu.vector_store %arg7[%swap3A_904, %swap3A_905], %swap3A_908 {add = true, strides = array<i32>} : memref<257x256xf32, #tpu.memory_space<vmem>>, vector<1x16xf32>,
          %get3A_909 = arith.constant 0 : i32
          %get3A_910 = arith.index_cast %get3A_909 : i32 to index
          %get3A_911 = arith.index_cast %add3A_156 : i32 to index
          %get3A_912 = arith.constant 0 : index
          %get3A_913 = tpu.vector_load %arg6[%get3A_910, %get3A_911, %get3A_912] {strides = array<i32>} : memref<2x40x256xf32, #tpu.memory_space<vmem>>, vector<1x1x16xf32>,
          %get3A_914 = vector.shape_cast %get3A_913 : vector<1x1x16xf32> to vector<16xf32>
          %get3A_915 = arith.constant 0 : i32
          %get3A_916 = arith.index_cast %get3A_915 : i32 to index
          %get3A_917 = arith.index_cast %add3A_156 : i32 to index
          %get3A_918 = arith.constant 16 : index
          %get3A_919 = tpu.vector_load %arg6[%get3A_916, %get3A_917, %get3A_918] {strides = array<i32>} : memref<2x40x256xf32, #tpu.memory_space<vmem>>, vector<1x1x16xf32>,
          %get3A_920 = vector.shape_cast %get3A_919 : vector<1x1x16xf32> to vector<16xf32>
          %get3A_921 = arith.constant 0 : i32
          %get3A_922 = arith.index_cast %get3A_921 : i32 to index
          %get3A_923 = arith.index_cast %add3A_156 : i32 to index
          %get3A_924 = arith.constant 32 : index
          %get3A_925 = tpu.vector_load %arg6[%get3A_922, %get3A_923, %get3A_924] {strides = array<i32>} : memref<2x40x256xf32, #tpu.memory_space<vmem>>, vector<1x1x16xf32>,
          %get3A_926 = vector.shape_cast %get3A_925 : vector<1x1x16xf32> to vector<16xf32>
          %get3A_927 = arith.constant 0 : i32
          %get3A_928 = arith.index_cast %get3A_927 : i32 to index
          %get3A_929 = arith.index_cast %add3A_156 : i32 to index
          %get3A_930 = arith.constant 48 : index
          %get3A_931 = tpu.vector_load %arg6[%get3A_928, %get3A_929, %get3A_930] {strides = array<i32>} : memref<2x40x256xf32, #tpu.memory_space<vmem>>, vector<1x1x16xf32>,
          %get3A_932 = vector.shape_cast %get3A_931 : vector<1x1x16xf32> to vector<16xf32>
          %get3A_933 = arith.constant 0 : i32
          %get3A_934 = arith.index_cast %get3A_933 : i32 to index
          %get3A_935 = arith.index_cast %add3A_156 : i32 to index
          %get3A_936 = arith.constant 64 : index
          %get3A_937 = tpu.vector_load %arg6[%get3A_934, %get3A_935, %get3A_936] {strides = array<i32>} : memref<2x40x256xf32, #tpu.memory_space<vmem>>, vector<1x1x16xf32>,
          %get3A_938 = vector.shape_cast %get3A_937 : vector<1x1x16xf32> to vector<16xf32>
          %get3A_939 = arith.constant 0 : i32
          %get3A_940 = arith.index_cast %get3A_939 : i32 to index
          %get3A_941 = arith.index_cast %add3A_156 : i32 to index
          %get3A_942 = arith.constant 80 : index
          %get3A_943 = tpu.vector_load %arg6[%get3A_940, %get3A_941, %get3A_942] {strides = array<i32>} : memref<2x40x256xf32, #tpu.memory_space<vmem>>, vector<1x1x16xf32>,
          %get3A_944 = vector.shape_cast %get3A_943 : vector<1x1x16xf32> to vector<16xf32>
          %get3A_945 = arith.constant 0 : i32
          %get3A_946 = arith.index_cast %get3A_945 : i32 to index
          %get3A_947 = arith.index_cast %add3A_156 : i32 to index
          %get3A_948 = arith.constant 96 : index
          %get3A_949 = tpu.vector_load %arg6[%get3A_946, %get3A_947, %get3A_948] {strides = array<i32>} : memref<2x40x256xf32, #tpu.memory_space<vmem>>, vector<1x1x16xf32>,
          %get3A_950 = vector.shape_cast %get3A_949 : vector<1x1x16xf32> to vector<16xf32>
          %get3A_951 = arith.constant 0 : i32
          %get3A_952 = arith.index_cast %get3A_951 : i32 to index
          %get3A_953 = arith.index_cast %add3A_156 : i32 to index
          %get3A_954 = arith.constant 112 : index
          %get3A_955 = tpu.vector_load %arg6[%get3A_952, %get3A_953, %get3A_954] {strides = array<i32>} : memref<2x40x256xf32, #tpu.memory_space<vmem>>, vector<1x1x16xf32>,
          %get3A_956 = vector.shape_cast %get3A_955 : vector<1x1x16xf32> to vector<16xf32>
          %get3A_957 = arith.constant 0 : i32
          %get3A_958 = arith.index_cast %get3A_957 : i32 to index
          %get3A_959 = arith.index_cast %add3A_156 : i32 to index
          %get3A_960 = arith.constant 128 : index
          %get3A_961 = tpu.vector_load %arg6[%get3A_958, %get3A_959, %get3A_960] {strides = array<i32>} : memref<2x40x256xf32, #tpu.memory_space<vmem>>, vector<1x1x16xf32>,
          %get3A_962 = vector.shape_cast %get3A_961 : vector<1x1x16xf32> to vector<16xf32>
          %get3A_963 = arith.constant 0 : i32
          %get3A_964 = arith.index_cast %get3A_963 : i32 to index
          %get3A_965 = arith.index_cast %add3A_156 : i32 to index
          %get3A_966 = arith.constant 144 : index
          %get3A_967 = tpu.vector_load %arg6[%get3A_964, %get3A_965, %get3A_966] {strides = array<i32>} : memref<2x40x256xf32, #tpu.memory_space<vmem>>, vector<1x1x16xf32>,
          %get3A_968 = vector.shape_cast %get3A_967 : vector<1x1x16xf32> to vector<16xf32>
          %get3A_969 = arith.constant 0 : i32
          %get3A_970 = arith.index_cast %get3A_969 : i32 to index
          %get3A_971 = arith.index_cast %add3A_156 : i32 to index
          %get3A_972 = arith.constant 160 : index
          %get3A_973 = tpu.vector_load %arg6[%get3A_970, %get3A_971, %get3A_972] {strides = array<i32>} : memref<2x40x256xf32, #tpu.memory_space<vmem>>, vector<1x1x16xf32>,
          %get3A_974 = vector.shape_cast %get3A_973 : vector<1x1x16xf32> to vector<16xf32>
          %get3A_975 = arith.constant 0 : i32
          %get3A_976 = arith.index_cast %get3A_975 : i32 to index
          %get3A_977 = arith.index_cast %add3A_156 : i32 to index
          %get3A_978 = arith.constant 176 : index
          %get3A_979 = tpu.vector_load %arg6[%get3A_976, %get3A_977, %get3A_978] {strides = array<i32>} : memref<2x40x256xf32, #tpu.memory_space<vmem>>, vector<1x1x16xf32>,
          %get3A_980 = vector.shape_cast %get3A_979 : vector<1x1x16xf32> to vector<16xf32>
          %get3A_981 = arith.constant 0 : i32
          %get3A_982 = arith.index_cast %get3A_981 : i32 to index
          %get3A_983 = arith.index_cast %add3A_156 : i32 to index
          %get3A_984 = arith.constant 192 : index
          %get3A_985 = tpu.vector_load %arg6[%get3A_982, %get3A_983, %get3A_984] {strides = array<i32>} : memref<2x40x256xf32, #tpu.memory_space<vmem>>, vector<1x1x16xf32>,
          %get3A_986 = vector.shape_cast %get3A_985 : vector<1x1x16xf32> to vector<16xf32>
          %get3A_987 = arith.constant 0 : i32
          %get3A_988 = arith.index_cast %get3A_987 : i32 to index
          %get3A_989 = arith.index_cast %add3A_156 : i32 to index
          %get3A_990 = arith.constant 208 : index
          %get3A_991 = tpu.vector_load %arg6[%get3A_988, %get3A_989, %get3A_990] {strides = array<i32>} : memref<2x40x256xf32, #tpu.memory_space<vmem>>, vector<1x1x16xf32>,
          %get3A_992 = vector.shape_cast %get3A_991 : vector<1x1x16xf32> to vector<16xf32>
          %get3A_993 = arith.constant 0 : i32
          %get3A_994 = arith.index_cast %get3A_993 : i32 to index
          %get3A_995 = arith.index_cast %add3A_156 : i32 to index
          %get3A_996 = arith.constant 224 : index
          %get3A_997 = tpu.vector_load %arg6[%get3A_994, %get3A_995, %get3A_996] {strides = array<i32>} : memref<2x40x256xf32, #tpu.memory_space<vmem>>, vector<1x1x16xf32>,
          %get3A_998 = vector.shape_cast %get3A_997 : vector<1x1x16xf32> to vector<16xf32>
          %get3A_999 = arith.constant 0 : i32
          %get3A_1000 = arith.index_cast %get3A_999 : i32 to index
          %get3A_1001 = arith.index_cast %add3A_156 : i32 to index
          %get3A_1002 = arith.constant 240 : index
          %get3A_1003 = tpu.vector_load %arg6[%get3A_1000, %get3A_1001, %get3A_1002] {strides = array<i32>} : memref<2x40x256xf32, #tpu.memory_space<vmem>>, vector<1x1x16xf32>,
          %get3A_1004 = vector.shape_cast %get3A_1003 : vector<1x1x16xf32> to vector<16xf32>
          %mul3A_1005 = arith.mulf %get3A_914, %select_n3A_698 : vector<16xf32>
          %mul3A_1006 = arith.mulf %get3A_920, %select_n3A_698 : vector<16xf32>
          %mul3A_1007 = arith.mulf %get3A_926, %select_n3A_698 : vector<16xf32>
          %mul3A_1008 = arith.mulf %get3A_932, %select_n3A_698 : vector<16xf32>
          %mul3A_1009 = arith.mulf %get3A_938, %select_n3A_698 : vector<16xf32>
          %mul3A_1010 = arith.mulf %get3A_944, %select_n3A_698 : vector<16xf32>
          %mul3A_1011 = arith.mulf %get3A_950, %select_n3A_698 : vector<16xf32>
          %mul3A_1012 = arith.mulf %get3A_956, %select_n3A_698 : vector<16xf32>
          %mul3A_1013 = arith.mulf %get3A_962, %select_n3A_698 : vector<16xf32>
          %mul3A_1014 = arith.mulf %get3A_968, %select_n3A_698 : vector<16xf32>
          %mul3A_1015 = arith.mulf %get3A_974, %select_n3A_698 : vector<16xf32>
          %mul3A_1016 = arith.mulf %get3A_980, %select_n3A_698 : vector<16xf32>
          %mul3A_1017 = arith.mulf %get3A_986, %select_n3A_698 : vector<16xf32>
          %mul3A_1018 = arith.mulf %get3A_992, %select_n3A_698 : vector<16xf32>
          %mul3A_1019 = arith.mulf %get3A_998, %select_n3A_698 : vector<16xf32>
          %mul3A_1020 = arith.mulf %get3A_1004, %select_n3A_698 : vector<16xf32>
          %swap3A_1021 = arith.index_cast %squeeze3A_700 : i32 to index
          %swap3A_1022 = arith.constant 0 : index
          %swap3A_1023 = tpu.vector_load %arg7[%swap3A_1021, %swap3A_1022] {strides = array<i32>} : memref<257x256xf32, #tpu.memory_space<vmem>>, vector<1x16xf32>,
          %swap3A_1024 = vector.shape_cast %swap3A_1023 : vector<1x16xf32> to vector<16xf32>
          %swap3A_1025 = vector.shape_cast %mul3A_1005 : vector<16xf32> to vector<1x16xf32>
          tpu.vector_store %arg7[%swap3A_1021, %swap3A_1022], %swap3A_1025 {add = true, strides = array<i32>} : memref<257x256xf32, #tpu.memory_space<vmem>>, vector<1x16xf32>,
          %swap3A_1026 = arith.index_cast %squeeze3A_700 : i32 to index
          %swap3A_1027 = arith.constant 16 : index
          %swap3A_1028 = tpu.vector_load %arg7[%swap3A_1026, %swap3A_1027] {strides = array<i32>} : memref<257x256xf32, #tpu.memory_space<vmem>>, vector<1x16xf32>,
          %swap3A_1029 = vector.shape_cast %swap3A_1028 : vector<1x16xf32> to vector<16xf32>
          %swap3A_1030 = vector.shape_cast %mul3A_1006 : vector<16xf32> to vector<1x16xf32>
          tpu.vector_store %arg7[%swap3A_1026, %swap3A_1027], %swap3A_1030 {add = true, strides = array<i32>} : memref<257x256xf32, #tpu.memory_space<vmem>>, vector<1x16xf32>,
          %swap3A_1031 = arith.index_cast %squeeze3A_700 : i32 to index
          %swap3A_1032 = arith.constant 32 : index
          %swap3A_1033 = tpu.vector_load %arg7[%swap3A_1031, %swap3A_1032] {strides = array<i32>} : memref<257x256xf32, #tpu.memory_space<vmem>>, vector<1x16xf32>,
          %swap3A_1034 = vector.shape_cast %swap3A_1033 : vector<1x16xf32> to vector<16xf32>
          %swap3A_1035 = vector.shape_cast %mul3A_1007 : vector<16xf32> to vector<1x16xf32>
          tpu.vector_store %arg7[%swap3A_1031, %swap3A_1032], %swap3A_1035 {add = true, strides = array<i32>} : memref<257x256xf32, #tpu.memory_space<vmem>>, vector<1x16xf32>,
          %swap3A_1036 = arith.index_cast %squeeze3A_700 : i32 to index
          %swap3A_1037 = arith.constant 48 : index
          %swap3A_1038 = tpu.vector_load %arg7[%swap3A_1036, %swap3A_1037] {strides = array<i32>} : memref<257x256xf32, #tpu.memory_space<vmem>>, vector<1x16xf32>,
          %swap3A_1039 = vector.shape_cast %swap3A_1038 : vector<1x16xf32> to vector<16xf32>
          %swap3A_1040 = vector.shape_cast %mul3A_1008 : vector<16xf32> to vector<1x16xf32>
          tpu.vector_store %arg7[%swap3A_1036, %swap3A_1037], %swap3A_1040 {add = true, strides = array<i32>} : memref<257x256xf32, #tpu.memory_space<vmem>>, vector<1x16xf32>,
          %swap3A_1041 = arith.index_cast %squeeze3A_700 : i32 to index
          %swap3A_1042 = arith.constant 64 : index
          %swap3A_1043 = tpu.vector_load %arg7[%swap3A_1041, %swap3A_1042] {strides = array<i32>} : memref<257x256xf32, #tpu.memory_space<vmem>>, vector<1x16xf32>,
          %swap3A_1044 = vector.shape_cast %swap3A_1043 : vector<1x16xf32> to vector<16xf32>
          %swap3A_1045 = vector.shape_cast %mul3A_1009 : vector<16xf32> to vector<1x16xf32>
          tpu.vector_store %arg7[%swap3A_1041, %swap3A_1042], %swap3A_1045 {add = true, strides = array<i32>} : memref<257x256xf32, #tpu.memory_space<vmem>>, vector<1x16xf32>,
          %swap3A_1046 = arith.index_cast %squeeze3A_700 : i32 to index
          %swap3A_1047 = arith.constant 80 : index
          %swap3A_1048 = tpu.vector_load %arg7[%swap3A_1046, %swap3A_1047] {strides = array<i32>} : memref<257x256xf32, #tpu.memory_space<vmem>>, vector<1x16xf32>,
          %swap3A_1049 = vector.shape_cast %swap3A_1048 : vector<1x16xf32> to vector<16xf32>
          %swap3A_1050 = vector.shape_cast %mul3A_1010 : vector<16xf32> to vector<1x16xf32>
          tpu.vector_store %arg7[%swap3A_1046, %swap3A_1047], %swap3A_1050 {add = true, strides = array<i32>} : memref<257x256xf32, #tpu.memory_space<vmem>>, vector<1x16xf32>,
          %swap3A_1051 = arith.index_cast %squeeze3A_700 : i32 to index
          %swap3A_1052 = arith.constant 96 : index
          %swap3A_1053 = tpu.vector_load %arg7[%swap3A_1051, %swap3A_1052] {strides = array<i32>} : memref<257x256xf32, #tpu.memory_space<vmem>>, vector<1x16xf32>,
          %swap3A_1054 = vector.shape_cast %swap3A_1053 : vector<1x16xf32> to vector<16xf32>
          %swap3A_1055 = vector.shape_cast %mul3A_1011 : vector<16xf32> to vector<1x16xf32>
          tpu.vector_store %arg7[%swap3A_1051, %swap3A_1052], %swap3A_1055 {add = true, strides = array<i32>} : memref<257x256xf32, #tpu.memory_space<vmem>>, vector<1x16xf32>,
          %swap3A_1056 = arith.index_cast %squeeze3A_700 : i32 to index
          %swap3A_1057 = arith.constant 112 : index
          %swap3A_1058 = tpu.vector_load %arg7[%swap3A_1056, %swap3A_1057] {strides = array<i32>} : memref<257x256xf32, #tpu.memory_space<vmem>>, vector<1x16xf32>,
          %swap3A_1059 = vector.shape_cast %swap3A_1058 : vector<1x16xf32> to vector<16xf32>
          %swap3A_1060 = vector.shape_cast %mul3A_1012 : vector<16xf32> to vector<1x16xf32>
          tpu.vector_store %arg7[%swap3A_1056, %swap3A_1057], %swap3A_1060 {add = true, strides = array<i32>} : memref<257x256xf32, #tpu.memory_space<vmem>>, vector<1x16xf32>,
          %swap3A_1061 = arith.index_cast %squeeze3A_700 : i32 to index
          %swap3A_1062 = arith.constant 128 : index
          %swap3A_1063 = tpu.vector_load %arg7[%swap3A_1061, %swap3A_1062] {strides = array<i32>} : memref<257x256xf32, #tpu.memory_space<vmem>>, vector<1x16xf32>,
          %swap3A_1064 = vector.shape_cast %swap3A_1063 : vector<1x16xf32> to vector<16xf32>
          %swap3A_1065 = vector.shape_cast %mul3A_1013 : vector<16xf32> to vector<1x16xf32>
          tpu.vector_store %arg7[%swap3A_1061, %swap3A_1062], %swap3A_1065 {add = true, strides = array<i32>} : memref<257x256xf32, #tpu.memory_space<vmem>>, vector<1x16xf32>,
          %swap3A_1066 = arith.index_cast %squeeze3A_700 : i32 to index
          %swap3A_1067 = arith.constant 144 : index
          %swap3A_1068 = tpu.vector_load %arg7[%swap3A_1066, %swap3A_1067] {strides = array<i32>} : memref<257x256xf32, #tpu.memory_space<vmem>>, vector<1x16xf32>,
          %swap3A_1069 = vector.shape_cast %swap3A_1068 : vector<1x16xf32> to vector<16xf32>
          %swap3A_1070 = vector.shape_cast %mul3A_1014 : vector<16xf32> to vector<1x16xf32>
          tpu.vector_store %arg7[%swap3A_1066, %swap3A_1067], %swap3A_1070 {add = true, strides = array<i32>} : memref<257x256xf32, #tpu.memory_space<vmem>>, vector<1x16xf32>,
          %swap3A_1071 = arith.index_cast %squeeze3A_700 : i32 to index
          %swap3A_1072 = arith.constant 160 : index
          %swap3A_1073 = tpu.vector_load %arg7[%swap3A_1071, %swap3A_1072] {strides = array<i32>} : memref<257x256xf32, #tpu.memory_space<vmem>>, vector<1x16xf32>,
          %swap3A_1074 = vector.shape_cast %swap3A_1073 : vector<1x16xf32> to vector<16xf32>
          %swap3A_1075 = vector.shape_cast %mul3A_1015 : vector<16xf32> to vector<1x16xf32>
          tpu.vector_store %arg7[%swap3A_1071, %swap3A_1072], %swap3A_1075 {add = true, strides = array<i32>} : memref<257x256xf32, #tpu.memory_space<vmem>>, vector<1x16xf32>,
          %swap3A_1076 = arith.index_cast %squeeze3A_700 : i32 to index
          %swap3A_1077 = arith.constant 176 : index
          %swap3A_1078 = tpu.vector_load %arg7[%swap3A_1076, %swap3A_1077] {strides = array<i32>} : memref<257x256xf32, #tpu.memory_space<vmem>>, vector<1x16xf32>,
          %swap3A_1079 = vector.shape_cast %swap3A_1078 : vector<1x16xf32> to vector<16xf32>
          %swap3A_1080 = vector.shape_cast %mul3A_1016 : vector<16xf32> to vector<1x16xf32>
          tpu.vector_store %arg7[%swap3A_1076, %swap3A_1077], %swap3A_1080 {add = true, strides = array<i32>} : memref<257x256xf32, #tpu.memory_space<vmem>>, vector<1x16xf32>,
          %swap3A_1081 = arith.index_cast %squeeze3A_700 : i32 to index
          %swap3A_1082 = arith.constant 192 : index
          %swap3A_1083 = tpu.vector_load %arg7[%swap3A_1081, %swap3A_1082] {strides = array<i32>} : memref<257x256xf32, #tpu.memory_space<vmem>>, vector<1x16xf32>,
          %swap3A_1084 = vector.shape_cast %swap3A_1083 : vector<1x16xf32> to vector<16xf32>
          %swap3A_1085 = vector.shape_cast %mul3A_1017 : vector<16xf32> to vector<1x16xf32>
          tpu.vector_store %arg7[%swap3A_1081, %swap3A_1082], %swap3A_1085 {add = true, strides = array<i32>} : memref<257x256xf32, #tpu.memory_space<vmem>>, vector<1x16xf32>,
          %swap3A_1086 = arith.index_cast %squeeze3A_700 : i32 to index
          %swap3A_1087 = arith.constant 208 : index
          %swap3A_1088 = tpu.vector_load %arg7[%swap3A_1086, %swap3A_1087] {strides = array<i32>} : memref<257x256xf32, #tpu.memory_space<vmem>>, vector<1x16xf32>,
          %swap3A_1089 = vector.shape_cast %swap3A_1088 : vector<1x16xf32> to vector<16xf32>
          %swap3A_1090 = vector.shape_cast %mul3A_1018 : vector<16xf32> to vector<1x16xf32>
          tpu.vector_store %arg7[%swap3A_1086, %swap3A_1087], %swap3A_1090 {add = true, strides = array<i32>} : memref<257x256xf32, #tpu.memory_space<vmem>>, vector<1x16xf32>,
          %swap3A_1091 = arith.index_cast %squeeze3A_700 : i32 to index
          %swap3A_1092 = arith.constant 224 : index
          %swap3A_1093 = tpu.vector_load %arg7[%swap3A_1091, %swap3A_1092] {strides = array<i32>} : memref<257x256xf32, #tpu.memory_space<vmem>>, vector<1x16xf32>,
          %swap3A_1094 = vector.shape_cast %swap3A_1093 : vector<1x16xf32> to vector<16xf32>
          %swap3A_1095 = vector.shape_cast %mul3A_1019 : vector<16xf32> to vector<1x16xf32>
          tpu.vector_store %arg7[%swap3A_1091, %swap3A_1092], %swap3A_1095 {add = true, strides = array<i32>} : memref<257x256xf32, #tpu.memory_space<vmem>>, vector<1x16xf32>,
          %swap3A_1096 = arith.index_cast %squeeze3A_700 : i32 to index
          %swap3A_1097 = arith.constant 240 : index
          %swap3A_1098 = tpu.vector_load %arg7[%swap3A_1096, %swap3A_1097] {strides = array<i32>} : memref<257x256xf32, #tpu.memory_space<vmem>>, vector<1x16xf32>,
          %swap3A_1099 = vector.shape_cast %swap3A_1098 : vector<1x16xf32> to vector<16xf32>
          %swap3A_1100 = vector.shape_cast %mul3A_1020 : vector<16xf32> to vector<1x16xf32>
          tpu.vector_store %arg7[%swap3A_1096, %swap3A_1097], %swap3A_1100 {add = true, strides = array<i32>} : memref<257x256xf32, #tpu.memory_space<vmem>>, vector<1x16xf32>,
          %and3A_1101 = arith.constant 15 : i32
          %and3A_1102 = arith.andi %squeeze3A_700, %and3A_1101 : i32
          %eq3A_1103 = vector.broadcast %and3A_1102 : i32 to vector<16xi32>
          %eq3A_1104 = arith.cmpi eq, %iota3A, %eq3A_1103 : vector<16xi32>
          %jit3A_1105 = arith.constant 1.000000e+00 : f32
          %jit3A_1106 = arith.constant 0.000000e+00 : f32
          %broadcast_in_dim3A_1107 = vector.broadcast %jit3A_1105 : f32 to vector<16xf32>
          %broadcast_in_dim3A_1108 = vector.broadcast %jit3A_1106 : f32 to vector<16xf32>
          %select_n3A_1109 = arith.select %eq3A_1104, %broadcast_in_dim3A_1107, %broadcast_in_dim3A_1108 : vector<16xi1>, vector<16xf32>
          %shift_right_arithmetic3A_1110 = arith.constant 4 : i32
          %shift_right_arithmetic3A_1111 = arith.shrsi %squeeze3A_700, %shift_right_arithmetic3A_1110 : i32
          %mul3A_1112 = arith.constant 16 : i32
          %mul3A_1113 = arith.muli %shift_right_arithmetic3A_1111, %mul3A_1112 : i32
          %swap3A_1114 = arith.constant 256 : i32
          %swap3A_1115 = arith.index_cast %swap3A_1114 : i32 to index
          %swap3A_1116 = arith.index_cast %mul3A_1113 : i32 to index
          %swap3A_1117 = tpu.vector_load %arg7[%swap3A_1115, %swap3A_1116] {strides = array<i32>} : memref<257x256xf32, #tpu.memory_space<vmem>>, vector<1x16xf32>,
          %swap3A_1118 = vector.shape_cast %swap3A_1117 : vector<1x16xf32> to vector<16xf32>
          %swap3A_1119 = vector.shape_cast %select_n3A_1109 : vector<16xf32> to vector<1x16xf32>
          tpu.vector_store %arg7[%swap3A_1115, %swap3A_1116], %swap3A_1119 {add = true, strides = array<i32>} : memref<257x256xf32, #tpu.memory_space<vmem>>, vector<1x16xf32>,
          %scan3A_1120 = arith.constant 0 : i32
          scf.yield %scan3A_1120 : i32
        }
        %scan3A_141 = arith.constant 20 : i32
        %add3A_142 = arith.constant 2 : i32
        %add3A_143 = arith.addi %add3A_91, %add3A_142 : i32
        %lt3A_144 = arith.constant 109 : i32
        %lt3A_145 = arith.cmpi slt, %add3A_143, %lt3A_144 : i32
        %convert_element_type3A_146 = arith.extui %lt3A_145 : i1 to i32
        %cond3A_147 = arith.constant 0 : i32
        %cond3A_148 = arith.cmpi ne, %convert_element_type3A_146, %cond3A_147 : i32
        scf.if %cond3A_148 {
          %add3A_149 = arith.constant 2 : i32
          %add3A_150 = arith.addi %add3A_91, %add3A_149 : i32
          %mul3A_151 = arith.constant 40 : i32
          %mul3A_152 = arith.muli %add3A_150, %mul3A_151 : i32
          %add3A_153 = arith.addi %mul3A_2, %mul3A_152 : i32
          %dma_start3A_154 = arith.constant 0 : i32
          %dma_start3A_155 = arith.constant 0 : i32
          %dma_start3A_156 = arith.constant 0 : i32
          %dma_start3A_157 = tpu.memref_slice %arg5[%dma_start3A_154, %dma_start3A_155, %dma_start3A_156] : memref<2x40x256xf32, #tpu.memory_space<vmem>> -> memref<1x40x256xf32, #tpu.memory_space<vmem>>
          %dma_start3A_158 = tpu.memref_squeeze %dma_start3A_157 : memref<1x40x256xf32, #tpu.memory_space<vmem>> -> memref<40x256xf32, #tpu.memory_space<vmem>>
          %dma_start3A_159 = arith.constant 0 : i32
          %dma_start3A_160 = tpu.memref_slice %arg2[%add3A_153, %dma_start3A_159] : memref<160000x256xf32, #tpu.memory_space<hbm>> -> memref<40x256xf32, #tpu.memory_space<hbm>>
          %dma_start3A_161 = arith.constant 0 : i32
          %dma_start3A_162 = arith.constant 0 : i32
          %dma_start3A_163 = tpu.memref_slice %arg5[%dma_start3A_154, %dma_start3A_161, %dma_start3A_162] : memref<2x40x256xf32, #tpu.memory_space<vmem>> -> memref<1x40x256xf32, #tpu.memory_space<vmem>>
          %dma_start3A_164 = tpu.memref_squeeze %dma_start3A_163 : memref<1x40x256xf32, #tpu.memory_space<vmem>> -> memref<40x256xf32, #tpu.memory_space<vmem>>
          %dma_start3A_165 = arith.constant 0 : i32
          %dma_start3A_166 = tpu.memref_slice %arg2[%add3A_153, %dma_start3A_165] : memref<160000x256xf32, #tpu.memory_space<hbm>> -> memref<40x256xf32, #tpu.memory_space<hbm>>
          tpu.enqueue_dma source(%dma_start3A_166 : memref<40x256xf32, #tpu.memory_space<hbm>>) target(%dma_start3A_164 : memref<40x256xf32, #tpu.memory_space<vmem>>) target_semaphore(%arg8 : memref<!tpu.dma_semaphore, #tpu.memory_space<semaphore_mem>>)
          %add3A_167 = arith.constant 2 : i32
          %add3A_168 = arith.addi %add3A_91, %add3A_167 : i32
          %mul3A_169 = arith.constant 40 : i32
          %mul3A_170 = arith.muli %add3A_168, %mul3A_169 : i32
          %add3A_171 = arith.addi %mul3A_2, %mul3A_170 : i32
          %dma_start3A_172 = arith.constant 0 : i32
          %dma_start3A_173 = arith.constant 0 : i32
          %dma_start3A_174 = arith.constant 0 : i32
          %dma_start3A_175 = tpu.memref_slice %arg6[%dma_start3A_172, %dma_start3A_173, %dma_start3A_174] : memref<2x40x256xf32, #tpu.memory_space<vmem>> -> memref<1x40x256xf32, #tpu.memory_space<vmem>>
          %dma_start3A_176 = tpu.memref_squeeze %dma_start3A_175 : memref<1x40x256xf32, #tpu.memory_space<vmem>> -> memref<40x256xf32, #tpu.memory_space<vmem>>
          %dma_start3A_177 = arith.constant 0 : i32
          %dma_start3A_178 = tpu.memref_slice %arg3[%add3A_171, %dma_start3A_177] : memref<160000x256xf32, #tpu.memory_space<hbm>> -> memref<40x256xf32, #tpu.memory_space<hbm>>
          %dma_start3A_179 = arith.constant 0 : i32
          %dma_start3A_180 = arith.constant 0 : i32
          %dma_start3A_181 = tpu.memref_slice %arg6[%dma_start3A_172, %dma_start3A_179, %dma_start3A_180] : memref<2x40x256xf32, #tpu.memory_space<vmem>> -> memref<1x40x256xf32, #tpu.memory_space<vmem>>
          %dma_start3A_182 = tpu.memref_squeeze %dma_start3A_181 : memref<1x40x256xf32, #tpu.memory_space<vmem>> -> memref<40x256xf32, #tpu.memory_space<vmem>>
          %dma_start3A_183 = arith.constant 0 : i32
          %dma_start3A_184 = tpu.memref_slice %arg3[%add3A_171, %dma_start3A_183] : memref<160000x256xf32, #tpu.memory_space<hbm>> -> memref<40x256xf32, #tpu.memory_space<hbm>>
          tpu.enqueue_dma source(%dma_start3A_184 : memref<40x256xf32, #tpu.memory_space<hbm>>) target(%dma_start3A_182 : memref<40x256xf32, #tpu.memory_space<vmem>>) target_semaphore(%arg8 : memref<!tpu.dma_semaphore, #tpu.memory_space<semaphore_mem>>)
        } else {
        }
      } else {
      }
      %mul3A_94 = arith.constant 2 : i32
      %mul3A_95 = arith.muli %scan3A_86, %mul3A_94 : i32
      %add3A_96 = arith.constant 1 : i32
      %add3A_97 = arith.addi %mul3A_95, %add3A_96 : i32
      %lt3A_98 = arith.constant 109 : i32
      %lt3A_99 = arith.cmpi slt, %add3A_97, %lt3A_98 : i32
      %convert_element_type3A_100 = arith.extui %lt3A_99 : i1 to i32
      %cond3A_101 = arith.constant 0 : i32
      %cond3A_102 = arith.cmpi ne, %convert_element_type3A_100, %cond3A_101 : i32
      scf.if %cond3A_102 {
        %mul3A_104 = arith.constant 40 : i32
        %mul3A_105 = arith.muli %add3A_97, %mul3A_104 : i32
        %add3A_106 = arith.addi %mul3A_2, %mul3A_105 : i32
        %dma_wait3A = arith.constant 1 : i32
        %dma_wait3A_107 = arith.constant 0 : i32
        %dma_wait3A_108 = arith.constant 0 : i32
        %dma_wait3A_109 = tpu.memref_slice %arg5[%dma_wait3A, %dma_wait3A_107, %dma_wait3A_108] : memref<2x40x256xf32, #tpu.memory_space<vmem>> -> memref<1x40x256xf32, #tpu.memory_space<vmem>>
        %dma_wait3A_110 = tpu.memref_squeeze %dma_wait3A_109 : memref<1x40x256xf32, #tpu.memory_space<vmem>> -> memref<40x256xf32, #tpu.memory_space<vmem>>
        %dma_wait3A_111 = arith.constant 0 : i32
        %dma_wait3A_112 = tpu.memref_slice %arg2[%add3A_106, %dma_wait3A_111] : memref<160000x256xf32, #tpu.memory_space<hbm>> -> memref<40x256xf32, #tpu.memory_space<hbm>>
        %dma_wait3A_113 = arith.constant 0 : i32
        %dma_wait3A_114 = arith.constant 0 : i32
        %dma_wait3A_115 = tpu.memref_slice %arg5[%dma_wait3A, %dma_wait3A_113, %dma_wait3A_114] : memref<2x40x256xf32, #tpu.memory_space<vmem>> -> memref<1x40x256xf32, #tpu.memory_space<vmem>>
        %dma_wait3A_116 = tpu.memref_squeeze %dma_wait3A_115 : memref<1x40x256xf32, #tpu.memory_space<vmem>> -> memref<40x256xf32, #tpu.memory_space<vmem>>
        %dma_wait3A_117 = arith.constant 0 : i32
        %dma_wait3A_118 = tpu.memref_slice %arg2[%add3A_106, %dma_wait3A_117] : memref<160000x256xf32, #tpu.memory_space<hbm>> -> memref<40x256xf32, #tpu.memory_space<hbm>>
        tpu.wait_dma2 semaphore(%arg9 : memref<!tpu.dma_semaphore, #tpu.memory_space<semaphore_mem>>) src(%dma_wait3A_118 : memref<40x256xf32, #tpu.memory_space<hbm>>) dst(%dma_wait3A_116 : memref<40x256xf32, #tpu.memory_space<vmem>>)
        %mul3A_119 = arith.constant 40 : i32
        %mul3A_120 = arith.muli %add3A_97, %mul3A_119 : i32
        %add3A_121 = arith.addi %mul3A_2, %mul3A_120 : i32
        %dma_wait3A_122 = arith.constant 1 : i32
        %dma_wait3A_123 = arith.constant 0 : i32
        %dma_wait3A_124 = arith.constant 0 : i32
        %dma_wait3A_125 = tpu.memref_slice %arg6[%dma_wait3A_122, %dma_wait3A_123, %dma_wait3A_124] : memref<2x40x256xf32, #tpu.memory_space<vmem>> -> memref<1x40x256xf32, #tpu.memory_space<vmem>>
        %dma_wait3A_126 = tpu.memref_squeeze %dma_wait3A_125 : memref<1x40x256xf32, #tpu.memory_space<vmem>> -> memref<40x256xf32, #tpu.memory_space<vmem>>
        %dma_wait3A_127 = arith.constant 0 : i32
        %dma_wait3A_128 = tpu.memref_slice %arg3[%add3A_121, %dma_wait3A_127] : memref<160000x256xf32, #tpu.memory_space<hbm>> -> memref<40x256xf32, #tpu.memory_space<hbm>>
        %dma_wait3A_129 = arith.constant 0 : i32
        %dma_wait3A_130 = arith.constant 0 : i32
        %dma_wait3A_131 = tpu.memref_slice %arg6[%dma_wait3A_122, %dma_wait3A_129, %dma_wait3A_130] : memref<2x40x256xf32, #tpu.memory_space<vmem>> -> memref<1x40x256xf32, #tpu.memory_space<vmem>>
        %dma_wait3A_132 = tpu.memref_squeeze %dma_wait3A_131 : memref<1x40x256xf32, #tpu.memory_space<vmem>> -> memref<40x256xf32, #tpu.memory_space<vmem>>
        %dma_wait3A_133 = arith.constant 0 : i32
        %dma_wait3A_134 = tpu.memref_slice %arg3[%add3A_121, %dma_wait3A_133] : memref<160000x256xf32, #tpu.memory_space<hbm>> -> memref<40x256xf32, #tpu.memory_space<hbm>>
        tpu.wait_dma2 semaphore(%arg9 : memref<!tpu.dma_semaphore, #tpu.memory_space<semaphore_mem>>) src(%dma_wait3A_134 : memref<40x256xf32, #tpu.memory_space<hbm>>) dst(%dma_wait3A_132 : memref<40x256xf32, #tpu.memory_space<vmem>>)
        %scan3A_135 = arith.constant 0 : i32
        %scan3A_136 = arith.constant 0 : i32
        %scan3A_137 = arith.constant 20 : i32
        %scan3A_138 = arith.addi %scan3A_136, %scan3A_137 : i32
        %scan3A_139 = arith.constant 1 : i32
        %scan3A_140 = scf.for %scan3A_149 = %scan3A_136 to %scan3A_138 step %scan3A_139 iter_args(%scan3A_150 = %scan3A_135) -> (i32)  : i32 {
          %mul3A_151 = arith.constant 2 : i32
          %mul3A_152 = arith.muli %scan3A_149, %mul3A_151 : i32
          %mul3A_153 = arith.constant 2 : i32
          %mul3A_154 = arith.muli %scan3A_149, %mul3A_153 : i32
          %add3A_155 = arith.constant 1 : i32
          %add3A_156 = arith.addi %mul3A_154, %add3A_155 : i32
          %get3A = arith.constant 1 : i32
          %get3A_157 = arith.index_cast %get3A : i32 to index
          %get3A_158 = arith.index_cast %mul3A_152 : i32 to index
          %get3A_159 = arith.constant 0 : index
          %get3A_160 = tpu.vector_load %arg5[%get3A_157, %get3A_158, %get3A_159] {strides = array<i32>} : memref<2x40x256xf32, #tpu.memory_space<vmem>>, vector<1x1x16xf32>,
          %get3A_161 = vector.shape_cast %get3A_160 : vector<1x1x16xf32> to vector<16xf32>
          %get3A_162 = arith.constant 1 : i32
          %get3A_163 = arith.index_cast %get3A_162 : i32 to index
          %get3A_164 = arith.index_cast %mul3A_152 : i32 to index
          %get3A_165 = arith.constant 16 : index
          %get3A_166 = tpu.vector_load %arg5[%get3A_163, %get3A_164, %get3A_165] {strides = array<i32>} : memref<2x40x256xf32, #tpu.memory_space<vmem>>, vector<1x1x16xf32>,
          %get3A_167 = vector.shape_cast %get3A_166 : vector<1x1x16xf32> to vector<16xf32>
          %get3A_168 = arith.constant 1 : i32
          %get3A_169 = arith.index_cast %get3A_168 : i32 to index
          %get3A_170 = arith.index_cast %mul3A_152 : i32 to index
          %get3A_171 = arith.constant 32 : index
          %get3A_172 = tpu.vector_load %arg5[%get3A_169, %get3A_170, %get3A_171] {strides = array<i32>} : memref<2x40x256xf32, #tpu.memory_space<vmem>>, vector<1x1x16xf32>,
          %get3A_173 = vector.shape_cast %get3A_172 : vector<1x1x16xf32> to vector<16xf32>
          %get3A_174 = arith.constant 1 : i32
          %get3A_175 = arith.index_cast %get3A_174 : i32 to index
          %get3A_176 = arith.index_cast %mul3A_152 : i32 to index
          %get3A_177 = arith.constant 48 : index
          %get3A_178 = tpu.vector_load %arg5[%get3A_175, %get3A_176, %get3A_177] {strides = array<i32>} : memref<2x40x256xf32, #tpu.memory_space<vmem>>, vector<1x1x16xf32>,
          %get3A_179 = vector.shape_cast %get3A_178 : vector<1x1x16xf32> to vector<16xf32>
          %get3A_180 = arith.constant 1 : i32
          %get3A_181 = arith.index_cast %get3A_180 : i32 to index
          %get3A_182 = arith.index_cast %mul3A_152 : i32 to index
          %get3A_183 = arith.constant 64 : index
          %get3A_184 = tpu.vector_load %arg5[%get3A_181, %get3A_182, %get3A_183] {strides = array<i32>} : memref<2x40x256xf32, #tpu.memory_space<vmem>>, vector<1x1x16xf32>,
          %get3A_185 = vector.shape_cast %get3A_184 : vector<1x1x16xf32> to vector<16xf32>
          %get3A_186 = arith.constant 1 : i32
          %get3A_187 = arith.index_cast %get3A_186 : i32 to index
          %get3A_188 = arith.index_cast %mul3A_152 : i32 to index
          %get3A_189 = arith.constant 80 : index
          %get3A_190 = tpu.vector_load %arg5[%get3A_187, %get3A_188, %get3A_189] {strides = array<i32>} : memref<2x40x256xf32, #tpu.memory_space<vmem>>, vector<1x1x16xf32>,
          %get3A_191 = vector.shape_cast %get3A_190 : vector<1x1x16xf32> to vector<16xf32>
          %get3A_192 = arith.constant 1 : i32
          %get3A_193 = arith.index_cast %get3A_192 : i32 to index
          %get3A_194 = arith.index_cast %mul3A_152 : i32 to index
          %get3A_195 = arith.constant 96 : index
          %get3A_196 = tpu.vector_load %arg5[%get3A_193, %get3A_194, %get3A_195] {strides = array<i32>} : memref<2x40x256xf32, #tpu.memory_space<vmem>>, vector<1x1x16xf32>,
          %get3A_197 = vector.shape_cast %get3A_196 : vector<1x1x16xf32> to vector<16xf32>
          %get3A_198 = arith.constant 1 : i32
          %get3A_199 = arith.index_cast %get3A_198 : i32 to index
          %get3A_200 = arith.index_cast %mul3A_152 : i32 to index
          %get3A_201 = arith.constant 112 : index
          %get3A_202 = tpu.vector_load %arg5[%get3A_199, %get3A_200, %get3A_201] {strides = array<i32>} : memref<2x40x256xf32, #tpu.memory_space<vmem>>, vector<1x1x16xf32>,
          %get3A_203 = vector.shape_cast %get3A_202 : vector<1x1x16xf32> to vector<16xf32>
          %get3A_204 = arith.constant 1 : i32
          %get3A_205 = arith.index_cast %get3A_204 : i32 to index
          %get3A_206 = arith.index_cast %mul3A_152 : i32 to index
          %get3A_207 = arith.constant 128 : index
          %get3A_208 = tpu.vector_load %arg5[%get3A_205, %get3A_206, %get3A_207] {strides = array<i32>} : memref<2x40x256xf32, #tpu.memory_space<vmem>>, vector<1x1x16xf32>,
          %get3A_209 = vector.shape_cast %get3A_208 : vector<1x1x16xf32> to vector<16xf32>
          %get3A_210 = arith.constant 1 : i32
          %get3A_211 = arith.index_cast %get3A_210 : i32 to index
          %get3A_212 = arith.index_cast %mul3A_152 : i32 to index
          %get3A_213 = arith.constant 144 : index
          %get3A_214 = tpu.vector_load %arg5[%get3A_211, %get3A_212, %get3A_213] {strides = array<i32>} : memref<2x40x256xf32, #tpu.memory_space<vmem>>, vector<1x1x16xf32>,
          %get3A_215 = vector.shape_cast %get3A_214 : vector<1x1x16xf32> to vector<16xf32>
          %get3A_216 = arith.constant 1 : i32
          %get3A_217 = arith.index_cast %get3A_216 : i32 to index
          %get3A_218 = arith.index_cast %mul3A_152 : i32 to index
          %get3A_219 = arith.constant 160 : index
          %get3A_220 = tpu.vector_load %arg5[%get3A_217, %get3A_218, %get3A_219] {strides = array<i32>} : memref<2x40x256xf32, #tpu.memory_space<vmem>>, vector<1x1x16xf32>,
          %get3A_221 = vector.shape_cast %get3A_220 : vector<1x1x16xf32> to vector<16xf32>
          %get3A_222 = arith.constant 1 : i32
          %get3A_223 = arith.index_cast %get3A_222 : i32 to index
          %get3A_224 = arith.index_cast %mul3A_152 : i32 to index
          %get3A_225 = arith.constant 176 : index
          %get3A_226 = tpu.vector_load %arg5[%get3A_223, %get3A_224, %get3A_225] {strides = array<i32>} : memref<2x40x256xf32, #tpu.memory_space<vmem>>, vector<1x1x16xf32>,
          %get3A_227 = vector.shape_cast %get3A_226 : vector<1x1x16xf32> to vector<16xf32>
          %get3A_228 = arith.constant 1 : i32
          %get3A_229 = arith.index_cast %get3A_228 : i32 to index
          %get3A_230 = arith.index_cast %mul3A_152 : i32 to index
          %get3A_231 = arith.constant 192 : index
          %get3A_232 = tpu.vector_load %arg5[%get3A_229, %get3A_230, %get3A_231] {strides = array<i32>} : memref<2x40x256xf32, #tpu.memory_space<vmem>>, vector<1x1x16xf32>,
          %get3A_233 = vector.shape_cast %get3A_232 : vector<1x1x16xf32> to vector<16xf32>
          %get3A_234 = arith.constant 1 : i32
          %get3A_235 = arith.index_cast %get3A_234 : i32 to index
          %get3A_236 = arith.index_cast %mul3A_152 : i32 to index
          %get3A_237 = arith.constant 208 : index
          %get3A_238 = tpu.vector_load %arg5[%get3A_235, %get3A_236, %get3A_237] {strides = array<i32>} : memref<2x40x256xf32, #tpu.memory_space<vmem>>, vector<1x1x16xf32>,
          %get3A_239 = vector.shape_cast %get3A_238 : vector<1x1x16xf32> to vector<16xf32>
          %get3A_240 = arith.constant 1 : i32
          %get3A_241 = arith.index_cast %get3A_240 : i32 to index
          %get3A_242 = arith.index_cast %mul3A_152 : i32 to index
          %get3A_243 = arith.constant 224 : index
          %get3A_244 = tpu.vector_load %arg5[%get3A_241, %get3A_242, %get3A_243] {strides = array<i32>} : memref<2x40x256xf32, #tpu.memory_space<vmem>>, vector<1x1x16xf32>,
          %get3A_245 = vector.shape_cast %get3A_244 : vector<1x1x16xf32> to vector<16xf32>
          %get3A_246 = arith.constant 1 : i32
          %get3A_247 = arith.index_cast %get3A_246 : i32 to index
          %get3A_248 = arith.index_cast %mul3A_152 : i32 to index
          %get3A_249 = arith.constant 240 : index
          %get3A_250 = tpu.vector_load %arg5[%get3A_247, %get3A_248, %get3A_249] {strides = array<i32>} : memref<2x40x256xf32, #tpu.memory_space<vmem>>, vector<1x1x16xf32>,
          %get3A_251 = vector.shape_cast %get3A_250 : vector<1x1x16xf32> to vector<16xf32>
          %max3A = arith.maximumf %get3A_161, %get3A_167 : vector<16xf32>
          %max3A_252 = arith.maximumf %get3A_173, %get3A_179 : vector<16xf32>
          %max3A_253 = arith.maximumf %get3A_185, %get3A_191 : vector<16xf32>
          %max3A_254 = arith.maximumf %get3A_197, %get3A_203 : vector<16xf32>
          %max3A_255 = arith.maximumf %get3A_209, %get3A_215 : vector<16xf32>
          %max3A_256 = arith.maximumf %get3A_221, %get3A_227 : vector<16xf32>
          %max3A_257 = arith.maximumf %get3A_233, %get3A_239 : vector<16xf32>
          %max3A_258 = arith.maximumf %get3A_245, %get3A_251 : vector<16xf32>
          %max3A_259 = arith.maximumf %max3A, %max3A_252 : vector<16xf32>
          %max3A_260 = arith.maximumf %max3A_253, %max3A_254 : vector<16xf32>
          %max3A_261 = arith.maximumf %max3A_255, %max3A_256 : vector<16xf32>
          %max3A_262 = arith.maximumf %max3A_257, %max3A_258 : vector<16xf32>
          %max3A_263 = arith.maximumf %max3A_259, %max3A_260 : vector<16xf32>
          %max3A_264 = arith.maximumf %max3A_261, %max3A_262 : vector<16xf32>
          %max3A_265 = arith.maximumf %max3A_263, %max3A_264 : vector<16xf32>
          %reshape3A = vector.shape_cast %xor3A_69 : vector<16xi32> to vector<16x1xi32>
          %gather3A = vector.shape_cast %reshape3A : vector<16x1xi32> to vector<16xi32>
          %gather3A_266 = tpu.dynamic_gather %max3A_265[%gather3A] in [0] : vector<16xf32>, vector<16xi32> -> vector<16xf32>
          %max3A_267 = arith.maximumf %max3A_265, %gather3A_266 : vector<16xf32>
          %reshape3A_268 = vector.shape_cast %xor3A_72 : vector<16xi32> to vector<16x1xi32>
          %gather3A_269 = vector.shape_cast %reshape3A_268 : vector<16x1xi32> to vector<16xi32>
          %gather3A_270 = tpu.dynamic_gather %max3A_267[%gather3A_269] in [0] : vector<16xf32>, vector<16xi32> -> vector<16xf32>
          %max3A_271 = arith.maximumf %max3A_267, %gather3A_270 : vector<16xf32>
          %reshape3A_272 = vector.shape_cast %xor3A_75 : vector<16xi32> to vector<16x1xi32>
          %gather3A_273 = vector.shape_cast %reshape3A_272 : vector<16x1xi32> to vector<16xi32>
          %gather3A_274 = tpu.dynamic_gather %max3A_271[%gather3A_273] in [0] : vector<16xf32>, vector<16xi32> -> vector<16xf32>
          %max3A_275 = arith.maximumf %max3A_271, %gather3A_274 : vector<16xf32>
          %reshape3A_276 = vector.shape_cast %xor3A_78 : vector<16xi32> to vector<16x1xi32>
          %gather3A_277 = vector.shape_cast %reshape3A_276 : vector<16x1xi32> to vector<16xi32>
          %gather3A_278 = tpu.dynamic_gather %max3A_275[%gather3A_277] in [0] : vector<16xf32>, vector<16xi32> -> vector<16xf32>
          %max3A_279 = arith.maximumf %max3A_275, %gather3A_278 : vector<16xf32>
          %eq3A = arith.cmpf oeq, %get3A_161, %max3A_279 : vector<16xf32>
          %add3A_280 = arith.constant 0 : i32
          %add3A_281 = vector.broadcast %add3A_280 : i32 to vector<16xi32>
          %add3A_282 = arith.addi %iota3A, %add3A_281 : vector<16xi32>
          %jit3A = arith.constant 256 : i32
          %broadcast_in_dim3A = vector.broadcast %jit3A : i32 to vector<16xi32>
          %select_n3A = arith.select %eq3A, %add3A_282, %broadcast_in_dim3A : vector<16xi1>, vector<16xi32>
          %eq3A_283 = arith.cmpf oeq, %get3A_167, %max3A_279 : vector<16xf32>
          %add3A_284 = arith.constant 16 : i32
          %add3A_285 = vector.broadcast %add3A_284 : i32 to vector<16xi32>
          %add3A_286 = arith.addi %iota3A, %add3A_285 : vector<16xi32>
          %jit3A_287 = arith.constant 256 : i32
          %broadcast_in_dim3A_288 = vector.broadcast %jit3A_287 : i32 to vector<16xi32>
          %select_n3A_289 = arith.select %eq3A_283, %add3A_286, %broadcast_in_dim3A_288 : vector<16xi1>, vector<16xi32>
          %eq3A_290 = arith.cmpf oeq, %get3A_173, %max3A_279 : vector<16xf32>
          %add3A_291 = arith.constant 32 : i32
          %add3A_292 = vector.broadcast %add3A_291 : i32 to vector<16xi32>
          %add3A_293 = arith.addi %iota3A, %add3A_292 : vector<16xi32>
          %jit3A_294 = arith.constant 256 : i32
          %broadcast_in_dim3A_295 = vector.broadcast %jit3A_294 : i32 to vector<16xi32>
          %select_n3A_296 = arith.select %eq3A_290, %add3A_293, %broadcast_in_dim3A_295 : vector<16xi1>, vector<16xi32>
          %eq3A_297 = arith.cmpf oeq, %get3A_179, %max3A_279 : vector<16xf32>
          %add3A_298 = arith.constant 48 : i32
          %add3A_299 = vector.broadcast %add3A_298 : i32 to vector<16xi32>
          %add3A_300 = arith.addi %iota3A, %add3A_299 : vector<16xi32>
          %jit3A_301 = arith.constant 256 : i32
          %broadcast_in_dim3A_302 = vector.broadcast %jit3A_301 : i32 to vector<16xi32>
          %select_n3A_303 = arith.select %eq3A_297, %add3A_300, %broadcast_in_dim3A_302 : vector<16xi1>, vector<16xi32>
          %eq3A_304 = arith.cmpf oeq, %get3A_185, %max3A_279 : vector<16xf32>
          %add3A_305 = arith.constant 64 : i32
          %add3A_306 = vector.broadcast %add3A_305 : i32 to vector<16xi32>
          %add3A_307 = arith.addi %iota3A, %add3A_306 : vector<16xi32>
          %jit3A_308 = arith.constant 256 : i32
          %broadcast_in_dim3A_309 = vector.broadcast %jit3A_308 : i32 to vector<16xi32>
          %select_n3A_310 = arith.select %eq3A_304, %add3A_307, %broadcast_in_dim3A_309 : vector<16xi1>, vector<16xi32>
          %eq3A_311 = arith.cmpf oeq, %get3A_191, %max3A_279 : vector<16xf32>
          %add3A_312 = arith.constant 80 : i32
          %add3A_313 = vector.broadcast %add3A_312 : i32 to vector<16xi32>
          %add3A_314 = arith.addi %iota3A, %add3A_313 : vector<16xi32>
          %jit3A_315 = arith.constant 256 : i32
          %broadcast_in_dim3A_316 = vector.broadcast %jit3A_315 : i32 to vector<16xi32>
          %select_n3A_317 = arith.select %eq3A_311, %add3A_314, %broadcast_in_dim3A_316 : vector<16xi1>, vector<16xi32>
          %eq3A_318 = arith.cmpf oeq, %get3A_197, %max3A_279 : vector<16xf32>
          %add3A_319 = arith.constant 96 : i32
          %add3A_320 = vector.broadcast %add3A_319 : i32 to vector<16xi32>
          %add3A_321 = arith.addi %iota3A, %add3A_320 : vector<16xi32>
          %jit3A_322 = arith.constant 256 : i32
          %broadcast_in_dim3A_323 = vector.broadcast %jit3A_322 : i32 to vector<16xi32>
          %select_n3A_324 = arith.select %eq3A_318, %add3A_321, %broadcast_in_dim3A_323 : vector<16xi1>, vector<16xi32>
          %eq3A_325 = arith.cmpf oeq, %get3A_203, %max3A_279 : vector<16xf32>
          %add3A_326 = arith.constant 112 : i32
          %add3A_327 = vector.broadcast %add3A_326 : i32 to vector<16xi32>
          %add3A_328 = arith.addi %iota3A, %add3A_327 : vector<16xi32>
          %jit3A_329 = arith.constant 256 : i32
          %broadcast_in_dim3A_330 = vector.broadcast %jit3A_329 : i32 to vector<16xi32>
          %select_n3A_331 = arith.select %eq3A_325, %add3A_328, %broadcast_in_dim3A_330 : vector<16xi1>, vector<16xi32>
          %eq3A_332 = arith.cmpf oeq, %get3A_209, %max3A_279 : vector<16xf32>
          %add3A_333 = arith.constant 128 : i32
          %add3A_334 = vector.broadcast %add3A_333 : i32 to vector<16xi32>
          %add3A_335 = arith.addi %iota3A, %add3A_334 : vector<16xi32>
          %jit3A_336 = arith.constant 256 : i32
          %broadcast_in_dim3A_337 = vector.broadcast %jit3A_336 : i32 to vector<16xi32>
          %select_n3A_338 = arith.select %eq3A_332, %add3A_335, %broadcast_in_dim3A_337 : vector<16xi1>, vector<16xi32>
          %eq3A_339 = arith.cmpf oeq, %get3A_215, %max3A_279 : vector<16xf32>
          %add3A_340 = arith.constant 144 : i32
          %add3A_341 = vector.broadcast %add3A_340 : i32 to vector<16xi32>
          %add3A_342 = arith.addi %iota3A, %add3A_341 : vector<16xi32>
          %jit3A_343 = arith.constant 256 : i32
          %broadcast_in_dim3A_344 = vector.broadcast %jit3A_343 : i32 to vector<16xi32>
          %select_n3A_345 = arith.select %eq3A_339, %add3A_342, %broadcast_in_dim3A_344 : vector<16xi1>, vector<16xi32>
          %eq3A_346 = arith.cmpf oeq, %get3A_221, %max3A_279 : vector<16xf32>
          %add3A_347 = arith.constant 160 : i32
          %add3A_348 = vector.broadcast %add3A_347 : i32 to vector<16xi32>
          %add3A_349 = arith.addi %iota3A, %add3A_348 : vector<16xi32>
          %jit3A_350 = arith.constant 256 : i32
          %broadcast_in_dim3A_351 = vector.broadcast %jit3A_350 : i32 to vector<16xi32>
          %select_n3A_352 = arith.select %eq3A_346, %add3A_349, %broadcast_in_dim3A_351 : vector<16xi1>, vector<16xi32>
          %eq3A_353 = arith.cmpf oeq, %get3A_227, %max3A_279 : vector<16xf32>
          %add3A_354 = arith.constant 176 : i32
          %add3A_355 = vector.broadcast %add3A_354 : i32 to vector<16xi32>
          %add3A_356 = arith.addi %iota3A, %add3A_355 : vector<16xi32>
          %jit3A_357 = arith.constant 256 : i32
          %broadcast_in_dim3A_358 = vector.broadcast %jit3A_357 : i32 to vector<16xi32>
          %select_n3A_359 = arith.select %eq3A_353, %add3A_356, %broadcast_in_dim3A_358 : vector<16xi1>, vector<16xi32>
          %eq3A_360 = arith.cmpf oeq, %get3A_233, %max3A_279 : vector<16xf32>
          %add3A_361 = arith.constant 192 : i32
          %add3A_362 = vector.broadcast %add3A_361 : i32 to vector<16xi32>
          %add3A_363 = arith.addi %iota3A, %add3A_362 : vector<16xi32>
          %jit3A_364 = arith.constant 256 : i32
          %broadcast_in_dim3A_365 = vector.broadcast %jit3A_364 : i32 to vector<16xi32>
          %select_n3A_366 = arith.select %eq3A_360, %add3A_363, %broadcast_in_dim3A_365 : vector<16xi1>, vector<16xi32>
          %eq3A_367 = arith.cmpf oeq, %get3A_239, %max3A_279 : vector<16xf32>
          %add3A_368 = arith.constant 208 : i32
          %add3A_369 = vector.broadcast %add3A_368 : i32 to vector<16xi32>
          %add3A_370 = arith.addi %iota3A, %add3A_369 : vector<16xi32>
          %jit3A_371 = arith.constant 256 : i32
          %broadcast_in_dim3A_372 = vector.broadcast %jit3A_371 : i32 to vector<16xi32>
          %select_n3A_373 = arith.select %eq3A_367, %add3A_370, %broadcast_in_dim3A_372 : vector<16xi1>, vector<16xi32>
          %eq3A_374 = arith.cmpf oeq, %get3A_245, %max3A_279 : vector<16xf32>
          %add3A_375 = arith.constant 224 : i32
          %add3A_376 = vector.broadcast %add3A_375 : i32 to vector<16xi32>
          %add3A_377 = arith.addi %iota3A, %add3A_376 : vector<16xi32>
          %jit3A_378 = arith.constant 256 : i32
          %broadcast_in_dim3A_379 = vector.broadcast %jit3A_378 : i32 to vector<16xi32>
          %select_n3A_380 = arith.select %eq3A_374, %add3A_377, %broadcast_in_dim3A_379 : vector<16xi1>, vector<16xi32>
          %eq3A_381 = arith.cmpf oeq, %get3A_251, %max3A_279 : vector<16xf32>
          %add3A_382 = arith.constant 240 : i32
          %add3A_383 = vector.broadcast %add3A_382 : i32 to vector<16xi32>
          %add3A_384 = arith.addi %iota3A, %add3A_383 : vector<16xi32>
          %jit3A_385 = arith.constant 256 : i32
          %broadcast_in_dim3A_386 = vector.broadcast %jit3A_385 : i32 to vector<16xi32>
          %select_n3A_387 = arith.select %eq3A_381, %add3A_384, %broadcast_in_dim3A_386 : vector<16xi1>, vector<16xi32>
          %min3A = arith.minsi %select_n3A, %select_n3A_289 : vector<16xi32>
          %min3A_388 = arith.minsi %select_n3A_296, %select_n3A_303 : vector<16xi32>
          %min3A_389 = arith.minsi %select_n3A_310, %select_n3A_317 : vector<16xi32>
          %min3A_390 = arith.minsi %select_n3A_324, %select_n3A_331 : vector<16xi32>
          %min3A_391 = arith.minsi %select_n3A_338, %select_n3A_345 : vector<16xi32>
          %min3A_392 = arith.minsi %select_n3A_352, %select_n3A_359 : vector<16xi32>
          %min3A_393 = arith.minsi %select_n3A_366, %select_n3A_373 : vector<16xi32>
          %min3A_394 = arith.minsi %select_n3A_380, %select_n3A_387 : vector<16xi32>
          %min3A_395 = arith.minsi %min3A, %min3A_388 : vector<16xi32>
          %min3A_396 = arith.minsi %min3A_389, %min3A_390 : vector<16xi32>
          %min3A_397 = arith.minsi %min3A_391, %min3A_392 : vector<16xi32>
          %min3A_398 = arith.minsi %min3A_393, %min3A_394 : vector<16xi32>
          %min3A_399 = arith.minsi %min3A_395, %min3A_396 : vector<16xi32>
          %min3A_400 = arith.minsi %min3A_397, %min3A_398 : vector<16xi32>
          %min3A_401 = arith.minsi %min3A_399, %min3A_400 : vector<16xi32>
          %reshape3A_402 = vector.shape_cast %xor3A_69 : vector<16xi32> to vector<16x1xi32>
          %gather3A_403 = vector.shape_cast %reshape3A_402 : vector<16x1xi32> to vector<16xi32>
          %gather3A_404 = tpu.dynamic_gather %min3A_401[%gather3A_403] in [0] : vector<16xi32>, vector<16xi32> -> vector<16xi32>
          %min3A_405 = arith.minsi %min3A_401, %gather3A_404 : vector<16xi32>
          %reshape3A_406 = vector.shape_cast %xor3A_72 : vector<16xi32> to vector<16x1xi32>
          %gather3A_407 = vector.shape_cast %reshape3A_406 : vector<16x1xi32> to vector<16xi32>
          %gather3A_408 = tpu.dynamic_gather %min3A_405[%gather3A_407] in [0] : vector<16xi32>, vector<16xi32> -> vector<16xi32>
          %min3A_409 = arith.minsi %min3A_405, %gather3A_408 : vector<16xi32>
          %reshape3A_410 = vector.shape_cast %xor3A_75 : vector<16xi32> to vector<16x1xi32>
          %gather3A_411 = vector.shape_cast %reshape3A_410 : vector<16x1xi32> to vector<16xi32>
          %gather3A_412 = tpu.dynamic_gather %min3A_409[%gather3A_411] in [0] : vector<16xi32>, vector<16xi32> -> vector<16xi32>
          %min3A_413 = arith.minsi %min3A_409, %gather3A_412 : vector<16xi32>
          %reshape3A_414 = vector.shape_cast %xor3A_78 : vector<16xi32> to vector<16x1xi32>
          %gather3A_415 = vector.shape_cast %reshape3A_414 : vector<16x1xi32> to vector<16xi32>
          %gather3A_416 = tpu.dynamic_gather %min3A_413[%gather3A_415] in [0] : vector<16xi32>, vector<16xi32> -> vector<16xi32>
          %min3A_417 = arith.minsi %min3A_413, %gather3A_416 : vector<16xi32>
          %gt3A = arith.constant 0.899999976 : f32
          %gt3A_418 = vector.broadcast %gt3A : f32 to vector<16xf32>
          %gt3A_419 = arith.cmpf ogt, %max3A_279, %gt3A_418 : vector<16xf32>
          %jit3A_420 = arith.constant 0.000000e+00 : f32
          %broadcast_in_dim3A_421 = vector.broadcast %jit3A_420 : f32 to vector<16xf32>
          %select_n3A_422 = arith.select %gt3A_419, %max3A_279, %broadcast_in_dim3A_421 : vector<16xi1>, vector<16xf32>
          %slice3A = vector.extract_strided_slice %min3A_417 {offsets = [0], sizes = [1], strides = [1]} : vector<16xi32> to vector<1xi32>
          %squeeze3A = vector.extract %slice3A[0] : i32 from vector<1xi32>
          %get3A_423 = arith.constant 1 : i32
          %get3A_424 = arith.index_cast %get3A_423 : i32 to index
          %get3A_425 = arith.index_cast %add3A_156 : i32 to index
          %get3A_426 = arith.constant 0 : index
          %get3A_427 = tpu.vector_load %arg5[%get3A_424, %get3A_425, %get3A_426] {strides = array<i32>} : memref<2x40x256xf32, #tpu.memory_space<vmem>>, vector<1x1x16xf32>,
          %get3A_428 = vector.shape_cast %get3A_427 : vector<1x1x16xf32> to vector<16xf32>
          %get3A_429 = arith.constant 1 : i32
          %get3A_430 = arith.index_cast %get3A_429 : i32 to index
          %get3A_431 = arith.index_cast %add3A_156 : i32 to index
          %get3A_432 = arith.constant 16 : index
          %get3A_433 = tpu.vector_load %arg5[%get3A_430, %get3A_431, %get3A_432] {strides = array<i32>} : memref<2x40x256xf32, #tpu.memory_space<vmem>>, vector<1x1x16xf32>,
          %get3A_434 = vector.shape_cast %get3A_433 : vector<1x1x16xf32> to vector<16xf32>
          %get3A_435 = arith.constant 1 : i32
          %get3A_436 = arith.index_cast %get3A_435 : i32 to index
          %get3A_437 = arith.index_cast %add3A_156 : i32 to index
          %get3A_438 = arith.constant 32 : index
          %get3A_439 = tpu.vector_load %arg5[%get3A_436, %get3A_437, %get3A_438] {strides = array<i32>} : memref<2x40x256xf32, #tpu.memory_space<vmem>>, vector<1x1x16xf32>,
          %get3A_440 = vector.shape_cast %get3A_439 : vector<1x1x16xf32> to vector<16xf32>
          %get3A_441 = arith.constant 1 : i32
          %get3A_442 = arith.index_cast %get3A_441 : i32 to index
          %get3A_443 = arith.index_cast %add3A_156 : i32 to index
          %get3A_444 = arith.constant 48 : index
          %get3A_445 = tpu.vector_load %arg5[%get3A_442, %get3A_443, %get3A_444] {strides = array<i32>} : memref<2x40x256xf32, #tpu.memory_space<vmem>>, vector<1x1x16xf32>,
          %get3A_446 = vector.shape_cast %get3A_445 : vector<1x1x16xf32> to vector<16xf32>
          %get3A_447 = arith.constant 1 : i32
          %get3A_448 = arith.index_cast %get3A_447 : i32 to index
          %get3A_449 = arith.index_cast %add3A_156 : i32 to index
          %get3A_450 = arith.constant 64 : index
          %get3A_451 = tpu.vector_load %arg5[%get3A_448, %get3A_449, %get3A_450] {strides = array<i32>} : memref<2x40x256xf32, #tpu.memory_space<vmem>>, vector<1x1x16xf32>,
          %get3A_452 = vector.shape_cast %get3A_451 : vector<1x1x16xf32> to vector<16xf32>
          %get3A_453 = arith.constant 1 : i32
          %get3A_454 = arith.index_cast %get3A_453 : i32 to index
          %get3A_455 = arith.index_cast %add3A_156 : i32 to index
          %get3A_456 = arith.constant 80 : index
          %get3A_457 = tpu.vector_load %arg5[%get3A_454, %get3A_455, %get3A_456] {strides = array<i32>} : memref<2x40x256xf32, #tpu.memory_space<vmem>>, vector<1x1x16xf32>,
          %get3A_458 = vector.shape_cast %get3A_457 : vector<1x1x16xf32> to vector<16xf32>
          %get3A_459 = arith.constant 1 : i32
          %get3A_460 = arith.index_cast %get3A_459 : i32 to index
          %get3A_461 = arith.index_cast %add3A_156 : i32 to index
          %get3A_462 = arith.constant 96 : index
          %get3A_463 = tpu.vector_load %arg5[%get3A_460, %get3A_461, %get3A_462] {strides = array<i32>} : memref<2x40x256xf32, #tpu.memory_space<vmem>>, vector<1x1x16xf32>,
          %get3A_464 = vector.shape_cast %get3A_463 : vector<1x1x16xf32> to vector<16xf32>
          %get3A_465 = arith.constant 1 : i32
          %get3A_466 = arith.index_cast %get3A_465 : i32 to index
          %get3A_467 = arith.index_cast %add3A_156 : i32 to index
          %get3A_468 = arith.constant 112 : index
          %get3A_469 = tpu.vector_load %arg5[%get3A_466, %get3A_467, %get3A_468] {strides = array<i32>} : memref<2x40x256xf32, #tpu.memory_space<vmem>>, vector<1x1x16xf32>,
          %get3A_470 = vector.shape_cast %get3A_469 : vector<1x1x16xf32> to vector<16xf32>
          %get3A_471 = arith.constant 1 : i32
          %get3A_472 = arith.index_cast %get3A_471 : i32 to index
          %get3A_473 = arith.index_cast %add3A_156 : i32 to index
          %get3A_474 = arith.constant 128 : index
          %get3A_475 = tpu.vector_load %arg5[%get3A_472, %get3A_473, %get3A_474] {strides = array<i32>} : memref<2x40x256xf32, #tpu.memory_space<vmem>>, vector<1x1x16xf32>,
          %get3A_476 = vector.shape_cast %get3A_475 : vector<1x1x16xf32> to vector<16xf32>
          %get3A_477 = arith.constant 1 : i32
          %get3A_478 = arith.index_cast %get3A_477 : i32 to index
          %get3A_479 = arith.index_cast %add3A_156 : i32 to index
          %get3A_480 = arith.constant 144 : index
          %get3A_481 = tpu.vector_load %arg5[%get3A_478, %get3A_479, %get3A_480] {strides = array<i32>} : memref<2x40x256xf32, #tpu.memory_space<vmem>>, vector<1x1x16xf32>,
          %get3A_482 = vector.shape_cast %get3A_481 : vector<1x1x16xf32> to vector<16xf32>
          %get3A_483 = arith.constant 1 : i32
          %get3A_484 = arith.index_cast %get3A_483 : i32 to index
          %get3A_485 = arith.index_cast %add3A_156 : i32 to index
          %get3A_486 = arith.constant 160 : index
          %get3A_487 = tpu.vector_load %arg5[%get3A_484, %get3A_485, %get3A_486] {strides = array<i32>} : memref<2x40x256xf32, #tpu.memory_space<vmem>>, vector<1x1x16xf32>,
          %get3A_488 = vector.shape_cast %get3A_487 : vector<1x1x16xf32> to vector<16xf32>
          %get3A_489 = arith.constant 1 : i32
          %get3A_490 = arith.index_cast %get3A_489 : i32 to index
          %get3A_491 = arith.index_cast %add3A_156 : i32 to index
          %get3A_492 = arith.constant 176 : index
          %get3A_493 = tpu.vector_load %arg5[%get3A_490, %get3A_491, %get3A_492] {strides = array<i32>} : memref<2x40x256xf32, #tpu.memory_space<vmem>>, vector<1x1x16xf32>,
          %get3A_494 = vector.shape_cast %get3A_493 : vector<1x1x16xf32> to vector<16xf32>
          %get3A_495 = arith.constant 1 : i32
          %get3A_496 = arith.index_cast %get3A_495 : i32 to index
          %get3A_497 = arith.index_cast %add3A_156 : i32 to index
          %get3A_498 = arith.constant 192 : index
          %get3A_499 = tpu.vector_load %arg5[%get3A_496, %get3A_497, %get3A_498] {strides = array<i32>} : memref<2x40x256xf32, #tpu.memory_space<vmem>>, vector<1x1x16xf32>,
          %get3A_500 = vector.shape_cast %get3A_499 : vector<1x1x16xf32> to vector<16xf32>
          %get3A_501 = arith.constant 1 : i32
          %get3A_502 = arith.index_cast %get3A_501 : i32 to index
          %get3A_503 = arith.index_cast %add3A_156 : i32 to index
          %get3A_504 = arith.constant 208 : index
          %get3A_505 = tpu.vector_load %arg5[%get3A_502, %get3A_503, %get3A_504] {strides = array<i32>} : memref<2x40x256xf32, #tpu.memory_space<vmem>>, vector<1x1x16xf32>,
          %get3A_506 = vector.shape_cast %get3A_505 : vector<1x1x16xf32> to vector<16xf32>
          %get3A_507 = arith.constant 1 : i32
          %get3A_508 = arith.index_cast %get3A_507 : i32 to index
          %get3A_509 = arith.index_cast %add3A_156 : i32 to index
          %get3A_510 = arith.constant 224 : index
          %get3A_511 = tpu.vector_load %arg5[%get3A_508, %get3A_509, %get3A_510] {strides = array<i32>} : memref<2x40x256xf32, #tpu.memory_space<vmem>>, vector<1x1x16xf32>,
          %get3A_512 = vector.shape_cast %get3A_511 : vector<1x1x16xf32> to vector<16xf32>
          %get3A_513 = arith.constant 1 : i32
          %get3A_514 = arith.index_cast %get3A_513 : i32 to index
          %get3A_515 = arith.index_cast %add3A_156 : i32 to index
          %get3A_516 = arith.constant 240 : index
          %get3A_517 = tpu.vector_load %arg5[%get3A_514, %get3A_515, %get3A_516] {strides = array<i32>} : memref<2x40x256xf32, #tpu.memory_space<vmem>>, vector<1x1x16xf32>,
          %get3A_518 = vector.shape_cast %get3A_517 : vector<1x1x16xf32> to vector<16xf32>
          %max3A_519 = arith.maximumf %get3A_428, %get3A_434 : vector<16xf32>
          %max3A_520 = arith.maximumf %get3A_440, %get3A_446 : vector<16xf32>
          %max3A_521 = arith.maximumf %get3A_452, %get3A_458 : vector<16xf32>
          %max3A_522 = arith.maximumf %get3A_464, %get3A_470 : vector<16xf32>
          %max3A_523 = arith.maximumf %get3A_476, %get3A_482 : vector<16xf32>
          %max3A_524 = arith.maximumf %get3A_488, %get3A_494 : vector<16xf32>
          %max3A_525 = arith.maximumf %get3A_500, %get3A_506 : vector<16xf32>
          %max3A_526 = arith.maximumf %get3A_512, %get3A_518 : vector<16xf32>
          %max3A_527 = arith.maximumf %max3A_519, %max3A_520 : vector<16xf32>
          %max3A_528 = arith.maximumf %max3A_521, %max3A_522 : vector<16xf32>
          %max3A_529 = arith.maximumf %max3A_523, %max3A_524 : vector<16xf32>
          %max3A_530 = arith.maximumf %max3A_525, %max3A_526 : vector<16xf32>
          %max3A_531 = arith.maximumf %max3A_527, %max3A_528 : vector<16xf32>
          %max3A_532 = arith.maximumf %max3A_529, %max3A_530 : vector<16xf32>
          %max3A_533 = arith.maximumf %max3A_531, %max3A_532 : vector<16xf32>
          %reshape3A_534 = vector.shape_cast %xor3A_69 : vector<16xi32> to vector<16x1xi32>
          %gather3A_535 = vector.shape_cast %reshape3A_534 : vector<16x1xi32> to vector<16xi32>
          %gather3A_536 = tpu.dynamic_gather %max3A_533[%gather3A_535] in [0] : vector<16xf32>, vector<16xi32> -> vector<16xf32>
          %max3A_537 = arith.maximumf %max3A_533, %gather3A_536 : vector<16xf32>
          %reshape3A_538 = vector.shape_cast %xor3A_72 : vector<16xi32> to vector<16x1xi32>
          %gather3A_539 = vector.shape_cast %reshape3A_538 : vector<16x1xi32> to vector<16xi32>
          %gather3A_540 = tpu.dynamic_gather %max3A_537[%gather3A_539] in [0] : vector<16xf32>, vector<16xi32> -> vector<16xf32>
          %max3A_541 = arith.maximumf %max3A_537, %gather3A_540 : vector<16xf32>
          %reshape3A_542 = vector.shape_cast %xor3A_75 : vector<16xi32> to vector<16x1xi32>
          %gather3A_543 = vector.shape_cast %reshape3A_542 : vector<16x1xi32> to vector<16xi32>
          %gather3A_544 = tpu.dynamic_gather %max3A_541[%gather3A_543] in [0] : vector<16xf32>, vector<16xi32> -> vector<16xf32>
          %max3A_545 = arith.maximumf %max3A_541, %gather3A_544 : vector<16xf32>
          %reshape3A_546 = vector.shape_cast %xor3A_78 : vector<16xi32> to vector<16x1xi32>
          %gather3A_547 = vector.shape_cast %reshape3A_546 : vector<16x1xi32> to vector<16xi32>
          %gather3A_548 = tpu.dynamic_gather %max3A_545[%gather3A_547] in [0] : vector<16xf32>, vector<16xi32> -> vector<16xf32>
          %max3A_549 = arith.maximumf %max3A_545, %gather3A_548 : vector<16xf32>
          %eq3A_550 = arith.cmpf oeq, %get3A_428, %max3A_549 : vector<16xf32>
          %add3A_551 = arith.constant 0 : i32
          %add3A_552 = vector.broadcast %add3A_551 : i32 to vector<16xi32>
          %add3A_553 = arith.addi %iota3A, %add3A_552 : vector<16xi32>
          %jit3A_554 = arith.constant 256 : i32
          %broadcast_in_dim3A_555 = vector.broadcast %jit3A_554 : i32 to vector<16xi32>
          %select_n3A_556 = arith.select %eq3A_550, %add3A_553, %broadcast_in_dim3A_555 : vector<16xi1>, vector<16xi32>
          %eq3A_557 = arith.cmpf oeq, %get3A_434, %max3A_549 : vector<16xf32>
          %add3A_558 = arith.constant 16 : i32
          %add3A_559 = vector.broadcast %add3A_558 : i32 to vector<16xi32>
          %add3A_560 = arith.addi %iota3A, %add3A_559 : vector<16xi32>
          %jit3A_561 = arith.constant 256 : i32
          %broadcast_in_dim3A_562 = vector.broadcast %jit3A_561 : i32 to vector<16xi32>
          %select_n3A_563 = arith.select %eq3A_557, %add3A_560, %broadcast_in_dim3A_562 : vector<16xi1>, vector<16xi32>
          %eq3A_564 = arith.cmpf oeq, %get3A_440, %max3A_549 : vector<16xf32>
          %add3A_565 = arith.constant 32 : i32
          %add3A_566 = vector.broadcast %add3A_565 : i32 to vector<16xi32>
          %add3A_567 = arith.addi %iota3A, %add3A_566 : vector<16xi32>
          %jit3A_568 = arith.constant 256 : i32
          %broadcast_in_dim3A_569 = vector.broadcast %jit3A_568 : i32 to vector<16xi32>
          %select_n3A_570 = arith.select %eq3A_564, %add3A_567, %broadcast_in_dim3A_569 : vector<16xi1>, vector<16xi32>
          %eq3A_571 = arith.cmpf oeq, %get3A_446, %max3A_549 : vector<16xf32>
          %add3A_572 = arith.constant 48 : i32
          %add3A_573 = vector.broadcast %add3A_572 : i32 to vector<16xi32>
          %add3A_574 = arith.addi %iota3A, %add3A_573 : vector<16xi32>
          %jit3A_575 = arith.constant 256 : i32
          %broadcast_in_dim3A_576 = vector.broadcast %jit3A_575 : i32 to vector<16xi32>
          %select_n3A_577 = arith.select %eq3A_571, %add3A_574, %broadcast_in_dim3A_576 : vector<16xi1>, vector<16xi32>
          %eq3A_578 = arith.cmpf oeq, %get3A_452, %max3A_549 : vector<16xf32>
          %add3A_579 = arith.constant 64 : i32
          %add3A_580 = vector.broadcast %add3A_579 : i32 to vector<16xi32>
          %add3A_581 = arith.addi %iota3A, %add3A_580 : vector<16xi32>
          %jit3A_582 = arith.constant 256 : i32
          %broadcast_in_dim3A_583 = vector.broadcast %jit3A_582 : i32 to vector<16xi32>
          %select_n3A_584 = arith.select %eq3A_578, %add3A_581, %broadcast_in_dim3A_583 : vector<16xi1>, vector<16xi32>
          %eq3A_585 = arith.cmpf oeq, %get3A_458, %max3A_549 : vector<16xf32>
          %add3A_586 = arith.constant 80 : i32
          %add3A_587 = vector.broadcast %add3A_586 : i32 to vector<16xi32>
          %add3A_588 = arith.addi %iota3A, %add3A_587 : vector<16xi32>
          %jit3A_589 = arith.constant 256 : i32
          %broadcast_in_dim3A_590 = vector.broadcast %jit3A_589 : i32 to vector<16xi32>
          %select_n3A_591 = arith.select %eq3A_585, %add3A_588, %broadcast_in_dim3A_590 : vector<16xi1>, vector<16xi32>
          %eq3A_592 = arith.cmpf oeq, %get3A_464, %max3A_549 : vector<16xf32>
          %add3A_593 = arith.constant 96 : i32
          %add3A_594 = vector.broadcast %add3A_593 : i32 to vector<16xi32>
          %add3A_595 = arith.addi %iota3A, %add3A_594 : vector<16xi32>
          %jit3A_596 = arith.constant 256 : i32
          %broadcast_in_dim3A_597 = vector.broadcast %jit3A_596 : i32 to vector<16xi32>
          %select_n3A_598 = arith.select %eq3A_592, %add3A_595, %broadcast_in_dim3A_597 : vector<16xi1>, vector<16xi32>
          %eq3A_599 = arith.cmpf oeq, %get3A_470, %max3A_549 : vector<16xf32>
          %add3A_600 = arith.constant 112 : i32
          %add3A_601 = vector.broadcast %add3A_600 : i32 to vector<16xi32>
          %add3A_602 = arith.addi %iota3A, %add3A_601 : vector<16xi32>
          %jit3A_603 = arith.constant 256 : i32
          %broadcast_in_dim3A_604 = vector.broadcast %jit3A_603 : i32 to vector<16xi32>
          %select_n3A_605 = arith.select %eq3A_599, %add3A_602, %broadcast_in_dim3A_604 : vector<16xi1>, vector<16xi32>
          %eq3A_606 = arith.cmpf oeq, %get3A_476, %max3A_549 : vector<16xf32>
          %add3A_607 = arith.constant 128 : i32
          %add3A_608 = vector.broadcast %add3A_607 : i32 to vector<16xi32>
          %add3A_609 = arith.addi %iota3A, %add3A_608 : vector<16xi32>
          %jit3A_610 = arith.constant 256 : i32
          %broadcast_in_dim3A_611 = vector.broadcast %jit3A_610 : i32 to vector<16xi32>
          %select_n3A_612 = arith.select %eq3A_606, %add3A_609, %broadcast_in_dim3A_611 : vector<16xi1>, vector<16xi32>
          %eq3A_613 = arith.cmpf oeq, %get3A_482, %max3A_549 : vector<16xf32>
          %add3A_614 = arith.constant 144 : i32
          %add3A_615 = vector.broadcast %add3A_614 : i32 to vector<16xi32>
          %add3A_616 = arith.addi %iota3A, %add3A_615 : vector<16xi32>
          %jit3A_617 = arith.constant 256 : i32
          %broadcast_in_dim3A_618 = vector.broadcast %jit3A_617 : i32 to vector<16xi32>
          %select_n3A_619 = arith.select %eq3A_613, %add3A_616, %broadcast_in_dim3A_618 : vector<16xi1>, vector<16xi32>
          %eq3A_620 = arith.cmpf oeq, %get3A_488, %max3A_549 : vector<16xf32>
          %add3A_621 = arith.constant 160 : i32
          %add3A_622 = vector.broadcast %add3A_621 : i32 to vector<16xi32>
          %add3A_623 = arith.addi %iota3A, %add3A_622 : vector<16xi32>
          %jit3A_624 = arith.constant 256 : i32
          %broadcast_in_dim3A_625 = vector.broadcast %jit3A_624 : i32 to vector<16xi32>
          %select_n3A_626 = arith.select %eq3A_620, %add3A_623, %broadcast_in_dim3A_625 : vector<16xi1>, vector<16xi32>
          %eq3A_627 = arith.cmpf oeq, %get3A_494, %max3A_549 : vector<16xf32>
          %add3A_628 = arith.constant 176 : i32
          %add3A_629 = vector.broadcast %add3A_628 : i32 to vector<16xi32>
          %add3A_630 = arith.addi %iota3A, %add3A_629 : vector<16xi32>
          %jit3A_631 = arith.constant 256 : i32
          %broadcast_in_dim3A_632 = vector.broadcast %jit3A_631 : i32 to vector<16xi32>
          %select_n3A_633 = arith.select %eq3A_627, %add3A_630, %broadcast_in_dim3A_632 : vector<16xi1>, vector<16xi32>
          %eq3A_634 = arith.cmpf oeq, %get3A_500, %max3A_549 : vector<16xf32>
          %add3A_635 = arith.constant 192 : i32
          %add3A_636 = vector.broadcast %add3A_635 : i32 to vector<16xi32>
          %add3A_637 = arith.addi %iota3A, %add3A_636 : vector<16xi32>
          %jit3A_638 = arith.constant 256 : i32
          %broadcast_in_dim3A_639 = vector.broadcast %jit3A_638 : i32 to vector<16xi32>
          %select_n3A_640 = arith.select %eq3A_634, %add3A_637, %broadcast_in_dim3A_639 : vector<16xi1>, vector<16xi32>
          %eq3A_641 = arith.cmpf oeq, %get3A_506, %max3A_549 : vector<16xf32>
          %add3A_642 = arith.constant 208 : i32
          %add3A_643 = vector.broadcast %add3A_642 : i32 to vector<16xi32>
          %add3A_644 = arith.addi %iota3A, %add3A_643 : vector<16xi32>
          %jit3A_645 = arith.constant 256 : i32
          %broadcast_in_dim3A_646 = vector.broadcast %jit3A_645 : i32 to vector<16xi32>
          %select_n3A_647 = arith.select %eq3A_641, %add3A_644, %broadcast_in_dim3A_646 : vector<16xi1>, vector<16xi32>
          %eq3A_648 = arith.cmpf oeq, %get3A_512, %max3A_549 : vector<16xf32>
          %add3A_649 = arith.constant 224 : i32
          %add3A_650 = vector.broadcast %add3A_649 : i32 to vector<16xi32>
          %add3A_651 = arith.addi %iota3A, %add3A_650 : vector<16xi32>
          %jit3A_652 = arith.constant 256 : i32
          %broadcast_in_dim3A_653 = vector.broadcast %jit3A_652 : i32 to vector<16xi32>
          %select_n3A_654 = arith.select %eq3A_648, %add3A_651, %broadcast_in_dim3A_653 : vector<16xi1>, vector<16xi32>
          %eq3A_655 = arith.cmpf oeq, %get3A_518, %max3A_549 : vector<16xf32>
          %add3A_656 = arith.constant 240 : i32
          %add3A_657 = vector.broadcast %add3A_656 : i32 to vector<16xi32>
          %add3A_658 = arith.addi %iota3A, %add3A_657 : vector<16xi32>
          %jit3A_659 = arith.constant 256 : i32
          %broadcast_in_dim3A_660 = vector.broadcast %jit3A_659 : i32 to vector<16xi32>
          %select_n3A_661 = arith.select %eq3A_655, %add3A_658, %broadcast_in_dim3A_660 : vector<16xi1>, vector<16xi32>
          %min3A_662 = arith.minsi %select_n3A_556, %select_n3A_563 : vector<16xi32>
          %min3A_663 = arith.minsi %select_n3A_570, %select_n3A_577 : vector<16xi32>
          %min3A_664 = arith.minsi %select_n3A_584, %select_n3A_591 : vector<16xi32>
          %min3A_665 = arith.minsi %select_n3A_598, %select_n3A_605 : vector<16xi32>
          %min3A_666 = arith.minsi %select_n3A_612, %select_n3A_619 : vector<16xi32>
          %min3A_667 = arith.minsi %select_n3A_626, %select_n3A_633 : vector<16xi32>
          %min3A_668 = arith.minsi %select_n3A_640, %select_n3A_647 : vector<16xi32>
          %min3A_669 = arith.minsi %select_n3A_654, %select_n3A_661 : vector<16xi32>
          %min3A_670 = arith.minsi %min3A_662, %min3A_663 : vector<16xi32>
          %min3A_671 = arith.minsi %min3A_664, %min3A_665 : vector<16xi32>
          %min3A_672 = arith.minsi %min3A_666, %min3A_667 : vector<16xi32>
          %min3A_673 = arith.minsi %min3A_668, %min3A_669 : vector<16xi32>
          %min3A_674 = arith.minsi %min3A_670, %min3A_671 : vector<16xi32>
          %min3A_675 = arith.minsi %min3A_672, %min3A_673 : vector<16xi32>
          %min3A_676 = arith.minsi %min3A_674, %min3A_675 : vector<16xi32>
          %reshape3A_677 = vector.shape_cast %xor3A_69 : vector<16xi32> to vector<16x1xi32>
          %gather3A_678 = vector.shape_cast %reshape3A_677 : vector<16x1xi32> to vector<16xi32>
          %gather3A_679 = tpu.dynamic_gather %min3A_676[%gather3A_678] in [0] : vector<16xi32>, vector<16xi32> -> vector<16xi32>
          %min3A_680 = arith.minsi %min3A_676, %gather3A_679 : vector<16xi32>
          %reshape3A_681 = vector.shape_cast %xor3A_72 : vector<16xi32> to vector<16x1xi32>
          %gather3A_682 = vector.shape_cast %reshape3A_681 : vector<16x1xi32> to vector<16xi32>
          %gather3A_683 = tpu.dynamic_gather %min3A_680[%gather3A_682] in [0] : vector<16xi32>, vector<16xi32> -> vector<16xi32>
          %min3A_684 = arith.minsi %min3A_680, %gather3A_683 : vector<16xi32>
          %reshape3A_685 = vector.shape_cast %xor3A_75 : vector<16xi32> to vector<16x1xi32>
          %gather3A_686 = vector.shape_cast %reshape3A_685 : vector<16x1xi32> to vector<16xi32>
          %gather3A_687 = tpu.dynamic_gather %min3A_684[%gather3A_686] in [0] : vector<16xi32>, vector<16xi32> -> vector<16xi32>
          %min3A_688 = arith.minsi %min3A_684, %gather3A_687 : vector<16xi32>
          %reshape3A_689 = vector.shape_cast %xor3A_78 : vector<16xi32> to vector<16x1xi32>
          %gather3A_690 = vector.shape_cast %reshape3A_689 : vector<16x1xi32> to vector<16xi32>
          %gather3A_691 = tpu.dynamic_gather %min3A_688[%gather3A_690] in [0] : vector<16xi32>, vector<16xi32> -> vector<16xi32>
          %min3A_692 = arith.minsi %min3A_688, %gather3A_691 : vector<16xi32>
          %gt3A_693 = arith.constant 0.899999976 : f32
          %gt3A_694 = vector.broadcast %gt3A_693 : f32 to vector<16xf32>
          %gt3A_695 = arith.cmpf ogt, %max3A_549, %gt3A_694 : vector<16xf32>
          %jit3A_696 = arith.constant 0.000000e+00 : f32
          %broadcast_in_dim3A_697 = vector.broadcast %jit3A_696 : f32 to vector<16xf32>
          %select_n3A_698 = arith.select %gt3A_695, %max3A_549, %broadcast_in_dim3A_697 : vector<16xi1>, vector<16xf32>
          %slice3A_699 = vector.extract_strided_slice %min3A_692 {offsets = [0], sizes = [1], strides = [1]} : vector<16xi32> to vector<1xi32>
          %squeeze3A_700 = vector.extract %slice3A_699[0] : i32 from vector<1xi32>
          %get3A_701 = arith.constant 1 : i32
          %get3A_702 = arith.index_cast %get3A_701 : i32 to index
          %get3A_703 = arith.index_cast %mul3A_152 : i32 to index
          %get3A_704 = arith.constant 0 : index
          %get3A_705 = tpu.vector_load %arg6[%get3A_702, %get3A_703, %get3A_704] {strides = array<i32>} : memref<2x40x256xf32, #tpu.memory_space<vmem>>, vector<1x1x16xf32>,
          %get3A_706 = vector.shape_cast %get3A_705 : vector<1x1x16xf32> to vector<16xf32>
          %get3A_707 = arith.constant 1 : i32
          %get3A_708 = arith.index_cast %get3A_707 : i32 to index
          %get3A_709 = arith.index_cast %mul3A_152 : i32 to index
          %get3A_710 = arith.constant 16 : index
          %get3A_711 = tpu.vector_load %arg6[%get3A_708, %get3A_709, %get3A_710] {strides = array<i32>} : memref<2x40x256xf32, #tpu.memory_space<vmem>>, vector<1x1x16xf32>,
          %get3A_712 = vector.shape_cast %get3A_711 : vector<1x1x16xf32> to vector<16xf32>
          %get3A_713 = arith.constant 1 : i32
          %get3A_714 = arith.index_cast %get3A_713 : i32 to index
          %get3A_715 = arith.index_cast %mul3A_152 : i32 to index
          %get3A_716 = arith.constant 32 : index
          %get3A_717 = tpu.vector_load %arg6[%get3A_714, %get3A_715, %get3A_716] {strides = array<i32>} : memref<2x40x256xf32, #tpu.memory_space<vmem>>, vector<1x1x16xf32>,
          %get3A_718 = vector.shape_cast %get3A_717 : vector<1x1x16xf32> to vector<16xf32>
          %get3A_719 = arith.constant 1 : i32
          %get3A_720 = arith.index_cast %get3A_719 : i32 to index
          %get3A_721 = arith.index_cast %mul3A_152 : i32 to index
          %get3A_722 = arith.constant 48 : index
          %get3A_723 = tpu.vector_load %arg6[%get3A_720, %get3A_721, %get3A_722] {strides = array<i32>} : memref<2x40x256xf32, #tpu.memory_space<vmem>>, vector<1x1x16xf32>,
          %get3A_724 = vector.shape_cast %get3A_723 : vector<1x1x16xf32> to vector<16xf32>
          %get3A_725 = arith.constant 1 : i32
          %get3A_726 = arith.index_cast %get3A_725 : i32 to index
          %get3A_727 = arith.index_cast %mul3A_152 : i32 to index
          %get3A_728 = arith.constant 64 : index
          %get3A_729 = tpu.vector_load %arg6[%get3A_726, %get3A_727, %get3A_728] {strides = array<i32>} : memref<2x40x256xf32, #tpu.memory_space<vmem>>, vector<1x1x16xf32>,
          %get3A_730 = vector.shape_cast %get3A_729 : vector<1x1x16xf32> to vector<16xf32>
          %get3A_731 = arith.constant 1 : i32
          %get3A_732 = arith.index_cast %get3A_731 : i32 to index
          %get3A_733 = arith.index_cast %mul3A_152 : i32 to index
          %get3A_734 = arith.constant 80 : index
          %get3A_735 = tpu.vector_load %arg6[%get3A_732, %get3A_733, %get3A_734] {strides = array<i32>} : memref<2x40x256xf32, #tpu.memory_space<vmem>>, vector<1x1x16xf32>,
          %get3A_736 = vector.shape_cast %get3A_735 : vector<1x1x16xf32> to vector<16xf32>
          %get3A_737 = arith.constant 1 : i32
          %get3A_738 = arith.index_cast %get3A_737 : i32 to index
          %get3A_739 = arith.index_cast %mul3A_152 : i32 to index
          %get3A_740 = arith.constant 96 : index
          %get3A_741 = tpu.vector_load %arg6[%get3A_738, %get3A_739, %get3A_740] {strides = array<i32>} : memref<2x40x256xf32, #tpu.memory_space<vmem>>, vector<1x1x16xf32>,
          %get3A_742 = vector.shape_cast %get3A_741 : vector<1x1x16xf32> to vector<16xf32>
          %get3A_743 = arith.constant 1 : i32
          %get3A_744 = arith.index_cast %get3A_743 : i32 to index
          %get3A_745 = arith.index_cast %mul3A_152 : i32 to index
          %get3A_746 = arith.constant 112 : index
          %get3A_747 = tpu.vector_load %arg6[%get3A_744, %get3A_745, %get3A_746] {strides = array<i32>} : memref<2x40x256xf32, #tpu.memory_space<vmem>>, vector<1x1x16xf32>,
          %get3A_748 = vector.shape_cast %get3A_747 : vector<1x1x16xf32> to vector<16xf32>
          %get3A_749 = arith.constant 1 : i32
          %get3A_750 = arith.index_cast %get3A_749 : i32 to index
          %get3A_751 = arith.index_cast %mul3A_152 : i32 to index
          %get3A_752 = arith.constant 128 : index
          %get3A_753 = tpu.vector_load %arg6[%get3A_750, %get3A_751, %get3A_752] {strides = array<i32>} : memref<2x40x256xf32, #tpu.memory_space<vmem>>, vector<1x1x16xf32>,
          %get3A_754 = vector.shape_cast %get3A_753 : vector<1x1x16xf32> to vector<16xf32>
          %get3A_755 = arith.constant 1 : i32
          %get3A_756 = arith.index_cast %get3A_755 : i32 to index
          %get3A_757 = arith.index_cast %mul3A_152 : i32 to index
          %get3A_758 = arith.constant 144 : index
          %get3A_759 = tpu.vector_load %arg6[%get3A_756, %get3A_757, %get3A_758] {strides = array<i32>} : memref<2x40x256xf32, #tpu.memory_space<vmem>>, vector<1x1x16xf32>,
          %get3A_760 = vector.shape_cast %get3A_759 : vector<1x1x16xf32> to vector<16xf32>
          %get3A_761 = arith.constant 1 : i32
          %get3A_762 = arith.index_cast %get3A_761 : i32 to index
          %get3A_763 = arith.index_cast %mul3A_152 : i32 to index
          %get3A_764 = arith.constant 160 : index
          %get3A_765 = tpu.vector_load %arg6[%get3A_762, %get3A_763, %get3A_764] {strides = array<i32>} : memref<2x40x256xf32, #tpu.memory_space<vmem>>, vector<1x1x16xf32>,
          %get3A_766 = vector.shape_cast %get3A_765 : vector<1x1x16xf32> to vector<16xf32>
          %get3A_767 = arith.constant 1 : i32
          %get3A_768 = arith.index_cast %get3A_767 : i32 to index
          %get3A_769 = arith.index_cast %mul3A_152 : i32 to index
          %get3A_770 = arith.constant 176 : index
          %get3A_771 = tpu.vector_load %arg6[%get3A_768, %get3A_769, %get3A_770] {strides = array<i32>} : memref<2x40x256xf32, #tpu.memory_space<vmem>>, vector<1x1x16xf32>,
          %get3A_772 = vector.shape_cast %get3A_771 : vector<1x1x16xf32> to vector<16xf32>
          %get3A_773 = arith.constant 1 : i32
          %get3A_774 = arith.index_cast %get3A_773 : i32 to index
          %get3A_775 = arith.index_cast %mul3A_152 : i32 to index
          %get3A_776 = arith.constant 192 : index
          %get3A_777 = tpu.vector_load %arg6[%get3A_774, %get3A_775, %get3A_776] {strides = array<i32>} : memref<2x40x256xf32, #tpu.memory_space<vmem>>, vector<1x1x16xf32>,
          %get3A_778 = vector.shape_cast %get3A_777 : vector<1x1x16xf32> to vector<16xf32>
          %get3A_779 = arith.constant 1 : i32
          %get3A_780 = arith.index_cast %get3A_779 : i32 to index
          %get3A_781 = arith.index_cast %mul3A_152 : i32 to index
          %get3A_782 = arith.constant 208 : index
          %get3A_783 = tpu.vector_load %arg6[%get3A_780, %get3A_781, %get3A_782] {strides = array<i32>} : memref<2x40x256xf32, #tpu.memory_space<vmem>>, vector<1x1x16xf32>,
          %get3A_784 = vector.shape_cast %get3A_783 : vector<1x1x16xf32> to vector<16xf32>
          %get3A_785 = arith.constant 1 : i32
          %get3A_786 = arith.index_cast %get3A_785 : i32 to index
          %get3A_787 = arith.index_cast %mul3A_152 : i32 to index
          %get3A_788 = arith.constant 224 : index
          %get3A_789 = tpu.vector_load %arg6[%get3A_786, %get3A_787, %get3A_788] {strides = array<i32>} : memref<2x40x256xf32, #tpu.memory_space<vmem>>, vector<1x1x16xf32>,
          %get3A_790 = vector.shape_cast %get3A_789 : vector<1x1x16xf32> to vector<16xf32>
          %get3A_791 = arith.constant 1 : i32
          %get3A_792 = arith.index_cast %get3A_791 : i32 to index
          %get3A_793 = arith.index_cast %mul3A_152 : i32 to index
          %get3A_794 = arith.constant 240 : index
          %get3A_795 = tpu.vector_load %arg6[%get3A_792, %get3A_793, %get3A_794] {strides = array<i32>} : memref<2x40x256xf32, #tpu.memory_space<vmem>>, vector<1x1x16xf32>,
          %get3A_796 = vector.shape_cast %get3A_795 : vector<1x1x16xf32> to vector<16xf32>
          %mul3A_797 = arith.mulf %get3A_706, %select_n3A_422 : vector<16xf32>
          %mul3A_798 = arith.mulf %get3A_712, %select_n3A_422 : vector<16xf32>
          %mul3A_799 = arith.mulf %get3A_718, %select_n3A_422 : vector<16xf32>
          %mul3A_800 = arith.mulf %get3A_724, %select_n3A_422 : vector<16xf32>
          %mul3A_801 = arith.mulf %get3A_730, %select_n3A_422 : vector<16xf32>
          %mul3A_802 = arith.mulf %get3A_736, %select_n3A_422 : vector<16xf32>
          %mul3A_803 = arith.mulf %get3A_742, %select_n3A_422 : vector<16xf32>
          %mul3A_804 = arith.mulf %get3A_748, %select_n3A_422 : vector<16xf32>
          %mul3A_805 = arith.mulf %get3A_754, %select_n3A_422 : vector<16xf32>
          %mul3A_806 = arith.mulf %get3A_760, %select_n3A_422 : vector<16xf32>
          %mul3A_807 = arith.mulf %get3A_766, %select_n3A_422 : vector<16xf32>
          %mul3A_808 = arith.mulf %get3A_772, %select_n3A_422 : vector<16xf32>
          %mul3A_809 = arith.mulf %get3A_778, %select_n3A_422 : vector<16xf32>
          %mul3A_810 = arith.mulf %get3A_784, %select_n3A_422 : vector<16xf32>
          %mul3A_811 = arith.mulf %get3A_790, %select_n3A_422 : vector<16xf32>
          %mul3A_812 = arith.mulf %get3A_796, %select_n3A_422 : vector<16xf32>
          %swap3A = arith.index_cast %squeeze3A : i32 to index
          %swap3A_813 = arith.constant 0 : index
          %swap3A_814 = tpu.vector_load %arg7[%swap3A, %swap3A_813] {strides = array<i32>} : memref<257x256xf32, #tpu.memory_space<vmem>>, vector<1x16xf32>,
          %swap3A_815 = vector.shape_cast %swap3A_814 : vector<1x16xf32> to vector<16xf32>
          %swap3A_816 = vector.shape_cast %mul3A_797 : vector<16xf32> to vector<1x16xf32>
          tpu.vector_store %arg7[%swap3A, %swap3A_813], %swap3A_816 {add = true, strides = array<i32>} : memref<257x256xf32, #tpu.memory_space<vmem>>, vector<1x16xf32>,
          %swap3A_817 = arith.index_cast %squeeze3A : i32 to index
          %swap3A_818 = arith.constant 16 : index
          %swap3A_819 = tpu.vector_load %arg7[%swap3A_817, %swap3A_818] {strides = array<i32>} : memref<257x256xf32, #tpu.memory_space<vmem>>, vector<1x16xf32>,
          %swap3A_820 = vector.shape_cast %swap3A_819 : vector<1x16xf32> to vector<16xf32>
          %swap3A_821 = vector.shape_cast %mul3A_798 : vector<16xf32> to vector<1x16xf32>
          tpu.vector_store %arg7[%swap3A_817, %swap3A_818], %swap3A_821 {add = true, strides = array<i32>} : memref<257x256xf32, #tpu.memory_space<vmem>>, vector<1x16xf32>,
          %swap3A_822 = arith.index_cast %squeeze3A : i32 to index
          %swap3A_823 = arith.constant 32 : index
          %swap3A_824 = tpu.vector_load %arg7[%swap3A_822, %swap3A_823] {strides = array<i32>} : memref<257x256xf32, #tpu.memory_space<vmem>>, vector<1x16xf32>,
          %swap3A_825 = vector.shape_cast %swap3A_824 : vector<1x16xf32> to vector<16xf32>
          %swap3A_826 = vector.shape_cast %mul3A_799 : vector<16xf32> to vector<1x16xf32>
          tpu.vector_store %arg7[%swap3A_822, %swap3A_823], %swap3A_826 {add = true, strides = array<i32>} : memref<257x256xf32, #tpu.memory_space<vmem>>, vector<1x16xf32>,
          %swap3A_827 = arith.index_cast %squeeze3A : i32 to index
          %swap3A_828 = arith.constant 48 : index
          %swap3A_829 = tpu.vector_load %arg7[%swap3A_827, %swap3A_828] {strides = array<i32>} : memref<257x256xf32, #tpu.memory_space<vmem>>, vector<1x16xf32>,
          %swap3A_830 = vector.shape_cast %swap3A_829 : vector<1x16xf32> to vector<16xf32>
          %swap3A_831 = vector.shape_cast %mul3A_800 : vector<16xf32> to vector<1x16xf32>
          tpu.vector_store %arg7[%swap3A_827, %swap3A_828], %swap3A_831 {add = true, strides = array<i32>} : memref<257x256xf32, #tpu.memory_space<vmem>>, vector<1x16xf32>,
          %swap3A_832 = arith.index_cast %squeeze3A : i32 to index
          %swap3A_833 = arith.constant 64 : index
          %swap3A_834 = tpu.vector_load %arg7[%swap3A_832, %swap3A_833] {strides = array<i32>} : memref<257x256xf32, #tpu.memory_space<vmem>>, vector<1x16xf32>,
          %swap3A_835 = vector.shape_cast %swap3A_834 : vector<1x16xf32> to vector<16xf32>
          %swap3A_836 = vector.shape_cast %mul3A_801 : vector<16xf32> to vector<1x16xf32>
          tpu.vector_store %arg7[%swap3A_832, %swap3A_833], %swap3A_836 {add = true, strides = array<i32>} : memref<257x256xf32, #tpu.memory_space<vmem>>, vector<1x16xf32>,
          %swap3A_837 = arith.index_cast %squeeze3A : i32 to index
          %swap3A_838 = arith.constant 80 : index
          %swap3A_839 = tpu.vector_load %arg7[%swap3A_837, %swap3A_838] {strides = array<i32>} : memref<257x256xf32, #tpu.memory_space<vmem>>, vector<1x16xf32>,
          %swap3A_840 = vector.shape_cast %swap3A_839 : vector<1x16xf32> to vector<16xf32>
          %swap3A_841 = vector.shape_cast %mul3A_802 : vector<16xf32> to vector<1x16xf32>
          tpu.vector_store %arg7[%swap3A_837, %swap3A_838], %swap3A_841 {add = true, strides = array<i32>} : memref<257x256xf32, #tpu.memory_space<vmem>>, vector<1x16xf32>,
          %swap3A_842 = arith.index_cast %squeeze3A : i32 to index
          %swap3A_843 = arith.constant 96 : index
          %swap3A_844 = tpu.vector_load %arg7[%swap3A_842, %swap3A_843] {strides = array<i32>} : memref<257x256xf32, #tpu.memory_space<vmem>>, vector<1x16xf32>,
          %swap3A_845 = vector.shape_cast %swap3A_844 : vector<1x16xf32> to vector<16xf32>
          %swap3A_846 = vector.shape_cast %mul3A_803 : vector<16xf32> to vector<1x16xf32>
          tpu.vector_store %arg7[%swap3A_842, %swap3A_843], %swap3A_846 {add = true, strides = array<i32>} : memref<257x256xf32, #tpu.memory_space<vmem>>, vector<1x16xf32>,
          %swap3A_847 = arith.index_cast %squeeze3A : i32 to index
          %swap3A_848 = arith.constant 112 : index
          %swap3A_849 = tpu.vector_load %arg7[%swap3A_847, %swap3A_848] {strides = array<i32>} : memref<257x256xf32, #tpu.memory_space<vmem>>, vector<1x16xf32>,
          %swap3A_850 = vector.shape_cast %swap3A_849 : vector<1x16xf32> to vector<16xf32>
          %swap3A_851 = vector.shape_cast %mul3A_804 : vector<16xf32> to vector<1x16xf32>
          tpu.vector_store %arg7[%swap3A_847, %swap3A_848], %swap3A_851 {add = true, strides = array<i32>} : memref<257x256xf32, #tpu.memory_space<vmem>>, vector<1x16xf32>,
          %swap3A_852 = arith.index_cast %squeeze3A : i32 to index
          %swap3A_853 = arith.constant 128 : index
          %swap3A_854 = tpu.vector_load %arg7[%swap3A_852, %swap3A_853] {strides = array<i32>} : memref<257x256xf32, #tpu.memory_space<vmem>>, vector<1x16xf32>,
          %swap3A_855 = vector.shape_cast %swap3A_854 : vector<1x16xf32> to vector<16xf32>
          %swap3A_856 = vector.shape_cast %mul3A_805 : vector<16xf32> to vector<1x16xf32>
          tpu.vector_store %arg7[%swap3A_852, %swap3A_853], %swap3A_856 {add = true, strides = array<i32>} : memref<257x256xf32, #tpu.memory_space<vmem>>, vector<1x16xf32>,
          %swap3A_857 = arith.index_cast %squeeze3A : i32 to index
          %swap3A_858 = arith.constant 144 : index
          %swap3A_859 = tpu.vector_load %arg7[%swap3A_857, %swap3A_858] {strides = array<i32>} : memref<257x256xf32, #tpu.memory_space<vmem>>, vector<1x16xf32>,
          %swap3A_860 = vector.shape_cast %swap3A_859 : vector<1x16xf32> to vector<16xf32>
          %swap3A_861 = vector.shape_cast %mul3A_806 : vector<16xf32> to vector<1x16xf32>
          tpu.vector_store %arg7[%swap3A_857, %swap3A_858], %swap3A_861 {add = true, strides = array<i32>} : memref<257x256xf32, #tpu.memory_space<vmem>>, vector<1x16xf32>,
          %swap3A_862 = arith.index_cast %squeeze3A : i32 to index
          %swap3A_863 = arith.constant 160 : index
          %swap3A_864 = tpu.vector_load %arg7[%swap3A_862, %swap3A_863] {strides = array<i32>} : memref<257x256xf32, #tpu.memory_space<vmem>>, vector<1x16xf32>,
          %swap3A_865 = vector.shape_cast %swap3A_864 : vector<1x16xf32> to vector<16xf32>
          %swap3A_866 = vector.shape_cast %mul3A_807 : vector<16xf32> to vector<1x16xf32>
          tpu.vector_store %arg7[%swap3A_862, %swap3A_863], %swap3A_866 {add = true, strides = array<i32>} : memref<257x256xf32, #tpu.memory_space<vmem>>, vector<1x16xf32>,
          %swap3A_867 = arith.index_cast %squeeze3A : i32 to index
          %swap3A_868 = arith.constant 176 : index
          %swap3A_869 = tpu.vector_load %arg7[%swap3A_867, %swap3A_868] {strides = array<i32>} : memref<257x256xf32, #tpu.memory_space<vmem>>, vector<1x16xf32>,
          %swap3A_870 = vector.shape_cast %swap3A_869 : vector<1x16xf32> to vector<16xf32>
          %swap3A_871 = vector.shape_cast %mul3A_808 : vector<16xf32> to vector<1x16xf32>
          tpu.vector_store %arg7[%swap3A_867, %swap3A_868], %swap3A_871 {add = true, strides = array<i32>} : memref<257x256xf32, #tpu.memory_space<vmem>>, vector<1x16xf32>,
          %swap3A_872 = arith.index_cast %squeeze3A : i32 to index
          %swap3A_873 = arith.constant 192 : index
          %swap3A_874 = tpu.vector_load %arg7[%swap3A_872, %swap3A_873] {strides = array<i32>} : memref<257x256xf32, #tpu.memory_space<vmem>>, vector<1x16xf32>,
          %swap3A_875 = vector.shape_cast %swap3A_874 : vector<1x16xf32> to vector<16xf32>
          %swap3A_876 = vector.shape_cast %mul3A_809 : vector<16xf32> to vector<1x16xf32>
          tpu.vector_store %arg7[%swap3A_872, %swap3A_873], %swap3A_876 {add = true, strides = array<i32>} : memref<257x256xf32, #tpu.memory_space<vmem>>, vector<1x16xf32>,
          %swap3A_877 = arith.index_cast %squeeze3A : i32 to index
          %swap3A_878 = arith.constant 208 : index
          %swap3A_879 = tpu.vector_load %arg7[%swap3A_877, %swap3A_878] {strides = array<i32>} : memref<257x256xf32, #tpu.memory_space<vmem>>, vector<1x16xf32>,
          %swap3A_880 = vector.shape_cast %swap3A_879 : vector<1x16xf32> to vector<16xf32>
          %swap3A_881 = vector.shape_cast %mul3A_810 : vector<16xf32> to vector<1x16xf32>
          tpu.vector_store %arg7[%swap3A_877, %swap3A_878], %swap3A_881 {add = true, strides = array<i32>} : memref<257x256xf32, #tpu.memory_space<vmem>>, vector<1x16xf32>,
          %swap3A_882 = arith.index_cast %squeeze3A : i32 to index
          %swap3A_883 = arith.constant 224 : index
          %swap3A_884 = tpu.vector_load %arg7[%swap3A_882, %swap3A_883] {strides = array<i32>} : memref<257x256xf32, #tpu.memory_space<vmem>>, vector<1x16xf32>,
          %swap3A_885 = vector.shape_cast %swap3A_884 : vector<1x16xf32> to vector<16xf32>
          %swap3A_886 = vector.shape_cast %mul3A_811 : vector<16xf32> to vector<1x16xf32>
          tpu.vector_store %arg7[%swap3A_882, %swap3A_883], %swap3A_886 {add = true, strides = array<i32>} : memref<257x256xf32, #tpu.memory_space<vmem>>, vector<1x16xf32>,
          %swap3A_887 = arith.index_cast %squeeze3A : i32 to index
          %swap3A_888 = arith.constant 240 : index
          %swap3A_889 = tpu.vector_load %arg7[%swap3A_887, %swap3A_888] {strides = array<i32>} : memref<257x256xf32, #tpu.memory_space<vmem>>, vector<1x16xf32>,
          %swap3A_890 = vector.shape_cast %swap3A_889 : vector<1x16xf32> to vector<16xf32>
          %swap3A_891 = vector.shape_cast %mul3A_812 : vector<16xf32> to vector<1x16xf32>
          tpu.vector_store %arg7[%swap3A_887, %swap3A_888], %swap3A_891 {add = true, strides = array<i32>} : memref<257x256xf32, #tpu.memory_space<vmem>>, vector<1x16xf32>,
          %and3A = arith.constant 15 : i32
          %and3A_892 = arith.andi %squeeze3A, %and3A : i32
          %eq3A_893 = vector.broadcast %and3A_892 : i32 to vector<16xi32>
          %eq3A_894 = arith.cmpi eq, %iota3A, %eq3A_893 : vector<16xi32>
          %jit3A_895 = arith.constant 1.000000e+00 : f32
          %jit3A_896 = arith.constant 0.000000e+00 : f32
          %broadcast_in_dim3A_897 = vector.broadcast %jit3A_895 : f32 to vector<16xf32>
          %broadcast_in_dim3A_898 = vector.broadcast %jit3A_896 : f32 to vector<16xf32>
          %select_n3A_899 = arith.select %eq3A_894, %broadcast_in_dim3A_897, %broadcast_in_dim3A_898 : vector<16xi1>, vector<16xf32>
          %shift_right_arithmetic3A = arith.constant 4 : i32
          %shift_right_arithmetic3A_900 = arith.shrsi %squeeze3A, %shift_right_arithmetic3A : i32
          %mul3A_901 = arith.constant 16 : i32
          %mul3A_902 = arith.muli %shift_right_arithmetic3A_900, %mul3A_901 : i32
          %swap3A_903 = arith.constant 256 : i32
          %swap3A_904 = arith.index_cast %swap3A_903 : i32 to index
          %swap3A_905 = arith.index_cast %mul3A_902 : i32 to index
          %swap3A_906 = tpu.vector_load %arg7[%swap3A_904, %swap3A_905] {strides = array<i32>} : memref<257x256xf32, #tpu.memory_space<vmem>>, vector<1x16xf32>,
          %swap3A_907 = vector.shape_cast %swap3A_906 : vector<1x16xf32> to vector<16xf32>
          %swap3A_908 = vector.shape_cast %select_n3A_899 : vector<16xf32> to vector<1x16xf32>
          tpu.vector_store %arg7[%swap3A_904, %swap3A_905], %swap3A_908 {add = true, strides = array<i32>} : memref<257x256xf32, #tpu.memory_space<vmem>>, vector<1x16xf32>,
          %get3A_909 = arith.constant 1 : i32
          %get3A_910 = arith.index_cast %get3A_909 : i32 to index
          %get3A_911 = arith.index_cast %add3A_156 : i32 to index
          %get3A_912 = arith.constant 0 : index
          %get3A_913 = tpu.vector_load %arg6[%get3A_910, %get3A_911, %get3A_912] {strides = array<i32>} : memref<2x40x256xf32, #tpu.memory_space<vmem>>, vector<1x1x16xf32>,
          %get3A_914 = vector.shape_cast %get3A_913 : vector<1x1x16xf32> to vector<16xf32>
          %get3A_915 = arith.constant 1 : i32
          %get3A_916 = arith.index_cast %get3A_915 : i32 to index
          %get3A_917 = arith.index_cast %add3A_156 : i32 to index
          %get3A_918 = arith.constant 16 : index
          %get3A_919 = tpu.vector_load %arg6[%get3A_916, %get3A_917, %get3A_918] {strides = array<i32>} : memref<2x40x256xf32, #tpu.memory_space<vmem>>, vector<1x1x16xf32>,
          %get3A_920 = vector.shape_cast %get3A_919 : vector<1x1x16xf32> to vector<16xf32>
          %get3A_921 = arith.constant 1 : i32
          %get3A_922 = arith.index_cast %get3A_921 : i32 to index
          %get3A_923 = arith.index_cast %add3A_156 : i32 to index
          %get3A_924 = arith.constant 32 : index
          %get3A_925 = tpu.vector_load %arg6[%get3A_922, %get3A_923, %get3A_924] {strides = array<i32>} : memref<2x40x256xf32, #tpu.memory_space<vmem>>, vector<1x1x16xf32>,
          %get3A_926 = vector.shape_cast %get3A_925 : vector<1x1x16xf32> to vector<16xf32>
          %get3A_927 = arith.constant 1 : i32
          %get3A_928 = arith.index_cast %get3A_927 : i32 to index
          %get3A_929 = arith.index_cast %add3A_156 : i32 to index
          %get3A_930 = arith.constant 48 : index
          %get3A_931 = tpu.vector_load %arg6[%get3A_928, %get3A_929, %get3A_930] {strides = array<i32>} : memref<2x40x256xf32, #tpu.memory_space<vmem>>, vector<1x1x16xf32>,
          %get3A_932 = vector.shape_cast %get3A_931 : vector<1x1x16xf32> to vector<16xf32>
          %get3A_933 = arith.constant 1 : i32
          %get3A_934 = arith.index_cast %get3A_933 : i32 to index
          %get3A_935 = arith.index_cast %add3A_156 : i32 to index
          %get3A_936 = arith.constant 64 : index
          %get3A_937 = tpu.vector_load %arg6[%get3A_934, %get3A_935, %get3A_936] {strides = array<i32>} : memref<2x40x256xf32, #tpu.memory_space<vmem>>, vector<1x1x16xf32>,
          %get3A_938 = vector.shape_cast %get3A_937 : vector<1x1x16xf32> to vector<16xf32>
          %get3A_939 = arith.constant 1 : i32
          %get3A_940 = arith.index_cast %get3A_939 : i32 to index
          %get3A_941 = arith.index_cast %add3A_156 : i32 to index
          %get3A_942 = arith.constant 80 : index
          %get3A_943 = tpu.vector_load %arg6[%get3A_940, %get3A_941, %get3A_942] {strides = array<i32>} : memref<2x40x256xf32, #tpu.memory_space<vmem>>, vector<1x1x16xf32>,
          %get3A_944 = vector.shape_cast %get3A_943 : vector<1x1x16xf32> to vector<16xf32>
          %get3A_945 = arith.constant 1 : i32
          %get3A_946 = arith.index_cast %get3A_945 : i32 to index
          %get3A_947 = arith.index_cast %add3A_156 : i32 to index
          %get3A_948 = arith.constant 96 : index
          %get3A_949 = tpu.vector_load %arg6[%get3A_946, %get3A_947, %get3A_948] {strides = array<i32>} : memref<2x40x256xf32, #tpu.memory_space<vmem>>, vector<1x1x16xf32>,
          %get3A_950 = vector.shape_cast %get3A_949 : vector<1x1x16xf32> to vector<16xf32>
          %get3A_951 = arith.constant 1 : i32
          %get3A_952 = arith.index_cast %get3A_951 : i32 to index
          %get3A_953 = arith.index_cast %add3A_156 : i32 to index
          %get3A_954 = arith.constant 112 : index
          %get3A_955 = tpu.vector_load %arg6[%get3A_952, %get3A_953, %get3A_954] {strides = array<i32>} : memref<2x40x256xf32, #tpu.memory_space<vmem>>, vector<1x1x16xf32>,
          %get3A_956 = vector.shape_cast %get3A_955 : vector<1x1x16xf32> to vector<16xf32>
          %get3A_957 = arith.constant 1 : i32
          %get3A_958 = arith.index_cast %get3A_957 : i32 to index
          %get3A_959 = arith.index_cast %add3A_156 : i32 to index
          %get3A_960 = arith.constant 128 : index
          %get3A_961 = tpu.vector_load %arg6[%get3A_958, %get3A_959, %get3A_960] {strides = array<i32>} : memref<2x40x256xf32, #tpu.memory_space<vmem>>, vector<1x1x16xf32>,
          %get3A_962 = vector.shape_cast %get3A_961 : vector<1x1x16xf32> to vector<16xf32>
          %get3A_963 = arith.constant 1 : i32
          %get3A_964 = arith.index_cast %get3A_963 : i32 to index
          %get3A_965 = arith.index_cast %add3A_156 : i32 to index
          %get3A_966 = arith.constant 144 : index
          %get3A_967 = tpu.vector_load %arg6[%get3A_964, %get3A_965, %get3A_966] {strides = array<i32>} : memref<2x40x256xf32, #tpu.memory_space<vmem>>, vector<1x1x16xf32>,
          %get3A_968 = vector.shape_cast %get3A_967 : vector<1x1x16xf32> to vector<16xf32>
          %get3A_969 = arith.constant 1 : i32
          %get3A_970 = arith.index_cast %get3A_969 : i32 to index
          %get3A_971 = arith.index_cast %add3A_156 : i32 to index
          %get3A_972 = arith.constant 160 : index
          %get3A_973 = tpu.vector_load %arg6[%get3A_970, %get3A_971, %get3A_972] {strides = array<i32>} : memref<2x40x256xf32, #tpu.memory_space<vmem>>, vector<1x1x16xf32>,
          %get3A_974 = vector.shape_cast %get3A_973 : vector<1x1x16xf32> to vector<16xf32>
          %get3A_975 = arith.constant 1 : i32
          %get3A_976 = arith.index_cast %get3A_975 : i32 to index
          %get3A_977 = arith.index_cast %add3A_156 : i32 to index
          %get3A_978 = arith.constant 176 : index
          %get3A_979 = tpu.vector_load %arg6[%get3A_976, %get3A_977, %get3A_978] {strides = array<i32>} : memref<2x40x256xf32, #tpu.memory_space<vmem>>, vector<1x1x16xf32>,
          %get3A_980 = vector.shape_cast %get3A_979 : vector<1x1x16xf32> to vector<16xf32>
          %get3A_981 = arith.constant 1 : i32
          %get3A_982 = arith.index_cast %get3A_981 : i32 to index
          %get3A_983 = arith.index_cast %add3A_156 : i32 to index
          %get3A_984 = arith.constant 192 : index
          %get3A_985 = tpu.vector_load %arg6[%get3A_982, %get3A_983, %get3A_984] {strides = array<i32>} : memref<2x40x256xf32, #tpu.memory_space<vmem>>, vector<1x1x16xf32>,
          %get3A_986 = vector.shape_cast %get3A_985 : vector<1x1x16xf32> to vector<16xf32>
          %get3A_987 = arith.constant 1 : i32
          %get3A_988 = arith.index_cast %get3A_987 : i32 to index
          %get3A_989 = arith.index_cast %add3A_156 : i32 to index
          %get3A_990 = arith.constant 208 : index
          %get3A_991 = tpu.vector_load %arg6[%get3A_988, %get3A_989, %get3A_990] {strides = array<i32>} : memref<2x40x256xf32, #tpu.memory_space<vmem>>, vector<1x1x16xf32>,
          %get3A_992 = vector.shape_cast %get3A_991 : vector<1x1x16xf32> to vector<16xf32>
          %get3A_993 = arith.constant 1 : i32
          %get3A_994 = arith.index_cast %get3A_993 : i32 to index
          %get3A_995 = arith.index_cast %add3A_156 : i32 to index
          %get3A_996 = arith.constant 224 : index
          %get3A_997 = tpu.vector_load %arg6[%get3A_994, %get3A_995, %get3A_996] {strides = array<i32>} : memref<2x40x256xf32, #tpu.memory_space<vmem>>, vector<1x1x16xf32>,
          %get3A_998 = vector.shape_cast %get3A_997 : vector<1x1x16xf32> to vector<16xf32>
          %get3A_999 = arith.constant 1 : i32
          %get3A_1000 = arith.index_cast %get3A_999 : i32 to index
          %get3A_1001 = arith.index_cast %add3A_156 : i32 to index
          %get3A_1002 = arith.constant 240 : index
          %get3A_1003 = tpu.vector_load %arg6[%get3A_1000, %get3A_1001, %get3A_1002] {strides = array<i32>} : memref<2x40x256xf32, #tpu.memory_space<vmem>>, vector<1x1x16xf32>,
          %get3A_1004 = vector.shape_cast %get3A_1003 : vector<1x1x16xf32> to vector<16xf32>
          %mul3A_1005 = arith.mulf %get3A_914, %select_n3A_698 : vector<16xf32>
          %mul3A_1006 = arith.mulf %get3A_920, %select_n3A_698 : vector<16xf32>
          %mul3A_1007 = arith.mulf %get3A_926, %select_n3A_698 : vector<16xf32>
          %mul3A_1008 = arith.mulf %get3A_932, %select_n3A_698 : vector<16xf32>
          %mul3A_1009 = arith.mulf %get3A_938, %select_n3A_698 : vector<16xf32>
          %mul3A_1010 = arith.mulf %get3A_944, %select_n3A_698 : vector<16xf32>
          %mul3A_1011 = arith.mulf %get3A_950, %select_n3A_698 : vector<16xf32>
          %mul3A_1012 = arith.mulf %get3A_956, %select_n3A_698 : vector<16xf32>
          %mul3A_1013 = arith.mulf %get3A_962, %select_n3A_698 : vector<16xf32>
          %mul3A_1014 = arith.mulf %get3A_968, %select_n3A_698 : vector<16xf32>
          %mul3A_1015 = arith.mulf %get3A_974, %select_n3A_698 : vector<16xf32>
          %mul3A_1016 = arith.mulf %get3A_980, %select_n3A_698 : vector<16xf32>
          %mul3A_1017 = arith.mulf %get3A_986, %select_n3A_698 : vector<16xf32>
          %mul3A_1018 = arith.mulf %get3A_992, %select_n3A_698 : vector<16xf32>
          %mul3A_1019 = arith.mulf %get3A_998, %select_n3A_698 : vector<16xf32>
          %mul3A_1020 = arith.mulf %get3A_1004, %select_n3A_698 : vector<16xf32>
          %swap3A_1021 = arith.index_cast %squeeze3A_700 : i32 to index
          %swap3A_1022 = arith.constant 0 : index
          %swap3A_1023 = tpu.vector_load %arg7[%swap3A_1021, %swap3A_1022] {strides = array<i32>} : memref<257x256xf32, #tpu.memory_space<vmem>>, vector<1x16xf32>,
          %swap3A_1024 = vector.shape_cast %swap3A_1023 : vector<1x16xf32> to vector<16xf32>
          %swap3A_1025 = vector.shape_cast %mul3A_1005 : vector<16xf32> to vector<1x16xf32>
          tpu.vector_store %arg7[%swap3A_1021, %swap3A_1022], %swap3A_1025 {add = true, strides = array<i32>} : memref<257x256xf32, #tpu.memory_space<vmem>>, vector<1x16xf32>,
          %swap3A_1026 = arith.index_cast %squeeze3A_700 : i32 to index
          %swap3A_1027 = arith.constant 16 : index
          %swap3A_1028 = tpu.vector_load %arg7[%swap3A_1026, %swap3A_1027] {strides = array<i32>} : memref<257x256xf32, #tpu.memory_space<vmem>>, vector<1x16xf32>,
          %swap3A_1029 = vector.shape_cast %swap3A_1028 : vector<1x16xf32> to vector<16xf32>
          %swap3A_1030 = vector.shape_cast %mul3A_1006 : vector<16xf32> to vector<1x16xf32>
          tpu.vector_store %arg7[%swap3A_1026, %swap3A_1027], %swap3A_1030 {add = true, strides = array<i32>} : memref<257x256xf32, #tpu.memory_space<vmem>>, vector<1x16xf32>,
          %swap3A_1031 = arith.index_cast %squeeze3A_700 : i32 to index
          %swap3A_1032 = arith.constant 32 : index
          %swap3A_1033 = tpu.vector_load %arg7[%swap3A_1031, %swap3A_1032] {strides = array<i32>} : memref<257x256xf32, #tpu.memory_space<vmem>>, vector<1x16xf32>,
          %swap3A_1034 = vector.shape_cast %swap3A_1033 : vector<1x16xf32> to vector<16xf32>
          %swap3A_1035 = vector.shape_cast %mul3A_1007 : vector<16xf32> to vector<1x16xf32>
          tpu.vector_store %arg7[%swap3A_1031, %swap3A_1032], %swap3A_1035 {add = true, strides = array<i32>} : memref<257x256xf32, #tpu.memory_space<vmem>>, vector<1x16xf32>,
          %swap3A_1036 = arith.index_cast %squeeze3A_700 : i32 to index
          %swap3A_1037 = arith.constant 48 : index
          %swap3A_1038 = tpu.vector_load %arg7[%swap3A_1036, %swap3A_1037] {strides = array<i32>} : memref<257x256xf32, #tpu.memory_space<vmem>>, vector<1x16xf32>,
          %swap3A_1039 = vector.shape_cast %swap3A_1038 : vector<1x16xf32> to vector<16xf32>
          %swap3A_1040 = vector.shape_cast %mul3A_1008 : vector<16xf32> to vector<1x16xf32>
          tpu.vector_store %arg7[%swap3A_1036, %swap3A_1037], %swap3A_1040 {add = true, strides = array<i32>} : memref<257x256xf32, #tpu.memory_space<vmem>>, vector<1x16xf32>,
          %swap3A_1041 = arith.index_cast %squeeze3A_700 : i32 to index
          %swap3A_1042 = arith.constant 64 : index
          %swap3A_1043 = tpu.vector_load %arg7[%swap3A_1041, %swap3A_1042] {strides = array<i32>} : memref<257x256xf32, #tpu.memory_space<vmem>>, vector<1x16xf32>,
          %swap3A_1044 = vector.shape_cast %swap3A_1043 : vector<1x16xf32> to vector<16xf32>
          %swap3A_1045 = vector.shape_cast %mul3A_1009 : vector<16xf32> to vector<1x16xf32>
          tpu.vector_store %arg7[%swap3A_1041, %swap3A_1042], %swap3A_1045 {add = true, strides = array<i32>} : memref<257x256xf32, #tpu.memory_space<vmem>>, vector<1x16xf32>,
          %swap3A_1046 = arith.index_cast %squeeze3A_700 : i32 to index
          %swap3A_1047 = arith.constant 80 : index
          %swap3A_1048 = tpu.vector_load %arg7[%swap3A_1046, %swap3A_1047] {strides = array<i32>} : memref<257x256xf32, #tpu.memory_space<vmem>>, vector<1x16xf32>,
          %swap3A_1049 = vector.shape_cast %swap3A_1048 : vector<1x16xf32> to vector<16xf32>
          %swap3A_1050 = vector.shape_cast %mul3A_1010 : vector<16xf32> to vector<1x16xf32>
          tpu.vector_store %arg7[%swap3A_1046, %swap3A_1047], %swap3A_1050 {add = true, strides = array<i32>} : memref<257x256xf32, #tpu.memory_space<vmem>>, vector<1x16xf32>,
          %swap3A_1051 = arith.index_cast %squeeze3A_700 : i32 to index
          %swap3A_1052 = arith.constant 96 : index
          %swap3A_1053 = tpu.vector_load %arg7[%swap3A_1051, %swap3A_1052] {strides = array<i32>} : memref<257x256xf32, #tpu.memory_space<vmem>>, vector<1x16xf32>,
          %swap3A_1054 = vector.shape_cast %swap3A_1053 : vector<1x16xf32> to vector<16xf32>
          %swap3A_1055 = vector.shape_cast %mul3A_1011 : vector<16xf32> to vector<1x16xf32>
          tpu.vector_store %arg7[%swap3A_1051, %swap3A_1052], %swap3A_1055 {add = true, strides = array<i32>} : memref<257x256xf32, #tpu.memory_space<vmem>>, vector<1x16xf32>,
          %swap3A_1056 = arith.index_cast %squeeze3A_700 : i32 to index
          %swap3A_1057 = arith.constant 112 : index
          %swap3A_1058 = tpu.vector_load %arg7[%swap3A_1056, %swap3A_1057] {strides = array<i32>} : memref<257x256xf32, #tpu.memory_space<vmem>>, vector<1x16xf32>,
          %swap3A_1059 = vector.shape_cast %swap3A_1058 : vector<1x16xf32> to vector<16xf32>
          %swap3A_1060 = vector.shape_cast %mul3A_1012 : vector<16xf32> to vector<1x16xf32>
          tpu.vector_store %arg7[%swap3A_1056, %swap3A_1057], %swap3A_1060 {add = true, strides = array<i32>} : memref<257x256xf32, #tpu.memory_space<vmem>>, vector<1x16xf32>,
          %swap3A_1061 = arith.index_cast %squeeze3A_700 : i32 to index
          %swap3A_1062 = arith.constant 128 : index
          %swap3A_1063 = tpu.vector_load %arg7[%swap3A_1061, %swap3A_1062] {strides = array<i32>} : memref<257x256xf32, #tpu.memory_space<vmem>>, vector<1x16xf32>,
          %swap3A_1064 = vector.shape_cast %swap3A_1063 : vector<1x16xf32> to vector<16xf32>
          %swap3A_1065 = vector.shape_cast %mul3A_1013 : vector<16xf32> to vector<1x16xf32>
          tpu.vector_store %arg7[%swap3A_1061, %swap3A_1062], %swap3A_1065 {add = true, strides = array<i32>} : memref<257x256xf32, #tpu.memory_space<vmem>>, vector<1x16xf32>,
          %swap3A_1066 = arith.index_cast %squeeze3A_700 : i32 to index
          %swap3A_1067 = arith.constant 144 : index
          %swap3A_1068 = tpu.vector_load %arg7[%swap3A_1066, %swap3A_1067] {strides = array<i32>} : memref<257x256xf32, #tpu.memory_space<vmem>>, vector<1x16xf32>,
          %swap3A_1069 = vector.shape_cast %swap3A_1068 : vector<1x16xf32> to vector<16xf32>
          %swap3A_1070 = vector.shape_cast %mul3A_1014 : vector<16xf32> to vector<1x16xf32>
          tpu.vector_store %arg7[%swap3A_1066, %swap3A_1067], %swap3A_1070 {add = true, strides = array<i32>} : memref<257x256xf32, #tpu.memory_space<vmem>>, vector<1x16xf32>,
          %swap3A_1071 = arith.index_cast %squeeze3A_700 : i32 to index
          %swap3A_1072 = arith.constant 160 : index
          %swap3A_1073 = tpu.vector_load %arg7[%swap3A_1071, %swap3A_1072] {strides = array<i32>} : memref<257x256xf32, #tpu.memory_space<vmem>>, vector<1x16xf32>,
          %swap3A_1074 = vector.shape_cast %swap3A_1073 : vector<1x16xf32> to vector<16xf32>
          %swap3A_1075 = vector.shape_cast %mul3A_1015 : vector<16xf32> to vector<1x16xf32>
          tpu.vector_store %arg7[%swap3A_1071, %swap3A_1072], %swap3A_1075 {add = true, strides = array<i32>} : memref<257x256xf32, #tpu.memory_space<vmem>>, vector<1x16xf32>,
          %swap3A_1076 = arith.index_cast %squeeze3A_700 : i32 to index
          %swap3A_1077 = arith.constant 176 : index
          %swap3A_1078 = tpu.vector_load %arg7[%swap3A_1076, %swap3A_1077] {strides = array<i32>} : memref<257x256xf32, #tpu.memory_space<vmem>>, vector<1x16xf32>,
          %swap3A_1079 = vector.shape_cast %swap3A_1078 : vector<1x16xf32> to vector<16xf32>
          %swap3A_1080 = vector.shape_cast %mul3A_1016 : vector<16xf32> to vector<1x16xf32>
          tpu.vector_store %arg7[%swap3A_1076, %swap3A_1077], %swap3A_1080 {add = true, strides = array<i32>} : memref<257x256xf32, #tpu.memory_space<vmem>>, vector<1x16xf32>,
          %swap3A_1081 = arith.index_cast %squeeze3A_700 : i32 to index
          %swap3A_1082 = arith.constant 192 : index
          %swap3A_1083 = tpu.vector_load %arg7[%swap3A_1081, %swap3A_1082] {strides = array<i32>} : memref<257x256xf32, #tpu.memory_space<vmem>>, vector<1x16xf32>,
          %swap3A_1084 = vector.shape_cast %swap3A_1083 : vector<1x16xf32> to vector<16xf32>
          %swap3A_1085 = vector.shape_cast %mul3A_1017 : vector<16xf32> to vector<1x16xf32>
          tpu.vector_store %arg7[%swap3A_1081, %swap3A_1082], %swap3A_1085 {add = true, strides = array<i32>} : memref<257x256xf32, #tpu.memory_space<vmem>>, vector<1x16xf32>,
          %swap3A_1086 = arith.index_cast %squeeze3A_700 : i32 to index
          %swap3A_1087 = arith.constant 208 : index
          %swap3A_1088 = tpu.vector_load %arg7[%swap3A_1086, %swap3A_1087] {strides = array<i32>} : memref<257x256xf32, #tpu.memory_space<vmem>>, vector<1x16xf32>,
          %swap3A_1089 = vector.shape_cast %swap3A_1088 : vector<1x16xf32> to vector<16xf32>
          %swap3A_1090 = vector.shape_cast %mul3A_1018 : vector<16xf32> to vector<1x16xf32>
          tpu.vector_store %arg7[%swap3A_1086, %swap3A_1087], %swap3A_1090 {add = true, strides = array<i32>} : memref<257x256xf32, #tpu.memory_space<vmem>>, vector<1x16xf32>,
          %swap3A_1091 = arith.index_cast %squeeze3A_700 : i32 to index
          %swap3A_1092 = arith.constant 224 : index
          %swap3A_1093 = tpu.vector_load %arg7[%swap3A_1091, %swap3A_1092] {strides = array<i32>} : memref<257x256xf32, #tpu.memory_space<vmem>>, vector<1x16xf32>,
          %swap3A_1094 = vector.shape_cast %swap3A_1093 : vector<1x16xf32> to vector<16xf32>
          %swap3A_1095 = vector.shape_cast %mul3A_1019 : vector<16xf32> to vector<1x16xf32>
          tpu.vector_store %arg7[%swap3A_1091, %swap3A_1092], %swap3A_1095 {add = true, strides = array<i32>} : memref<257x256xf32, #tpu.memory_space<vmem>>, vector<1x16xf32>,
          %swap3A_1096 = arith.index_cast %squeeze3A_700 : i32 to index
          %swap3A_1097 = arith.constant 240 : index
          %swap3A_1098 = tpu.vector_load %arg7[%swap3A_1096, %swap3A_1097] {strides = array<i32>} : memref<257x256xf32, #tpu.memory_space<vmem>>, vector<1x16xf32>,
          %swap3A_1099 = vector.shape_cast %swap3A_1098 : vector<1x16xf32> to vector<16xf32>
          %swap3A_1100 = vector.shape_cast %mul3A_1020 : vector<16xf32> to vector<1x16xf32>
          tpu.vector_store %arg7[%swap3A_1096, %swap3A_1097], %swap3A_1100 {add = true, strides = array<i32>} : memref<257x256xf32, #tpu.memory_space<vmem>>, vector<1x16xf32>,
          %and3A_1101 = arith.constant 15 : i32
          %and3A_1102 = arith.andi %squeeze3A_700, %and3A_1101 : i32
          %eq3A_1103 = vector.broadcast %and3A_1102 : i32 to vector<16xi32>
          %eq3A_1104 = arith.cmpi eq, %iota3A, %eq3A_1103 : vector<16xi32>
          %jit3A_1105 = arith.constant 1.000000e+00 : f32
          %jit3A_1106 = arith.constant 0.000000e+00 : f32
          %broadcast_in_dim3A_1107 = vector.broadcast %jit3A_1105 : f32 to vector<16xf32>
          %broadcast_in_dim3A_1108 = vector.broadcast %jit3A_1106 : f32 to vector<16xf32>
          %select_n3A_1109 = arith.select %eq3A_1104, %broadcast_in_dim3A_1107, %broadcast_in_dim3A_1108 : vector<16xi1>, vector<16xf32>
          %shift_right_arithmetic3A_1110 = arith.constant 4 : i32
          %shift_right_arithmetic3A_1111 = arith.shrsi %squeeze3A_700, %shift_right_arithmetic3A_1110 : i32
          %mul3A_1112 = arith.constant 16 : i32
          %mul3A_1113 = arith.muli %shift_right_arithmetic3A_1111, %mul3A_1112 : i32
          %swap3A_1114 = arith.constant 256 : i32
          %swap3A_1115 = arith.index_cast %swap3A_1114 : i32 to index
          %swap3A_1116 = arith.index_cast %mul3A_1113 : i32 to index
          %swap3A_1117 = tpu.vector_load %arg7[%swap3A_1115, %swap3A_1116] {strides = array<i32>} : memref<257x256xf32, #tpu.memory_space<vmem>>, vector<1x16xf32>,
          %swap3A_1118 = vector.shape_cast %swap3A_1117 : vector<1x16xf32> to vector<16xf32>
          %swap3A_1119 = vector.shape_cast %select_n3A_1109 : vector<16xf32> to vector<1x16xf32>
          tpu.vector_store %arg7[%swap3A_1115, %swap3A_1116], %swap3A_1119 {add = true, strides = array<i32>} : memref<257x256xf32, #tpu.memory_space<vmem>>, vector<1x16xf32>,
          %scan3A_1120 = arith.constant 0 : i32
          scf.yield %scan3A_1120 : i32
        }
        %scan3A_141 = arith.constant 20 : i32
        %add3A_142 = arith.constant 2 : i32
        %add3A_143 = arith.addi %add3A_97, %add3A_142 : i32
        %lt3A_144 = arith.constant 109 : i32
        %lt3A_145 = arith.cmpi slt, %add3A_143, %lt3A_144 : i32
        %convert_element_type3A_146 = arith.extui %lt3A_145 : i1 to i32
        %cond3A_147 = arith.constant 0 : i32
        %cond3A_148 = arith.cmpi ne, %convert_element_type3A_146, %cond3A_147 : i32
        scf.if %cond3A_148 {
          %add3A_149 = arith.constant 2 : i32
          %add3A_150 = arith.addi %add3A_97, %add3A_149 : i32
          %mul3A_151 = arith.constant 40 : i32
          %mul3A_152 = arith.muli %add3A_150, %mul3A_151 : i32
          %add3A_153 = arith.addi %mul3A_2, %mul3A_152 : i32
          %dma_start3A_154 = arith.constant 1 : i32
          %dma_start3A_155 = arith.constant 0 : i32
          %dma_start3A_156 = arith.constant 0 : i32
          %dma_start3A_157 = tpu.memref_slice %arg5[%dma_start3A_154, %dma_start3A_155, %dma_start3A_156] : memref<2x40x256xf32, #tpu.memory_space<vmem>> -> memref<1x40x256xf32, #tpu.memory_space<vmem>>
          %dma_start3A_158 = tpu.memref_squeeze %dma_start3A_157 : memref<1x40x256xf32, #tpu.memory_space<vmem>> -> memref<40x256xf32, #tpu.memory_space<vmem>>
          %dma_start3A_159 = arith.constant 0 : i32
          %dma_start3A_160 = tpu.memref_slice %arg2[%add3A_153, %dma_start3A_159] : memref<160000x256xf32, #tpu.memory_space<hbm>> -> memref<40x256xf32, #tpu.memory_space<hbm>>
          %dma_start3A_161 = arith.constant 0 : i32
          %dma_start3A_162 = arith.constant 0 : i32
          %dma_start3A_163 = tpu.memref_slice %arg5[%dma_start3A_154, %dma_start3A_161, %dma_start3A_162] : memref<2x40x256xf32, #tpu.memory_space<vmem>> -> memref<1x40x256xf32, #tpu.memory_space<vmem>>
          %dma_start3A_164 = tpu.memref_squeeze %dma_start3A_163 : memref<1x40x256xf32, #tpu.memory_space<vmem>> -> memref<40x256xf32, #tpu.memory_space<vmem>>
          %dma_start3A_165 = arith.constant 0 : i32
          %dma_start3A_166 = tpu.memref_slice %arg2[%add3A_153, %dma_start3A_165] : memref<160000x256xf32, #tpu.memory_space<hbm>> -> memref<40x256xf32, #tpu.memory_space<hbm>>
          tpu.enqueue_dma source(%dma_start3A_166 : memref<40x256xf32, #tpu.memory_space<hbm>>) target(%dma_start3A_164 : memref<40x256xf32, #tpu.memory_space<vmem>>) target_semaphore(%arg9 : memref<!tpu.dma_semaphore, #tpu.memory_space<semaphore_mem>>)
          %add3A_167 = arith.constant 2 : i32
          %add3A_168 = arith.addi %add3A_97, %add3A_167 : i32
          %mul3A_169 = arith.constant 40 : i32
          %mul3A_170 = arith.muli %add3A_168, %mul3A_169 : i32
          %add3A_171 = arith.addi %mul3A_2, %mul3A_170 : i32
          %dma_start3A_172 = arith.constant 1 : i32
          %dma_start3A_173 = arith.constant 0 : i32
          %dma_start3A_174 = arith.constant 0 : i32
          %dma_start3A_175 = tpu.memref_slice %arg6[%dma_start3A_172, %dma_start3A_173, %dma_start3A_174] : memref<2x40x256xf32, #tpu.memory_space<vmem>> -> memref<1x40x256xf32, #tpu.memory_space<vmem>>
          %dma_start3A_176 = tpu.memref_squeeze %dma_start3A_175 : memref<1x40x256xf32, #tpu.memory_space<vmem>> -> memref<40x256xf32, #tpu.memory_space<vmem>>
          %dma_start3A_177 = arith.constant 0 : i32
          %dma_start3A_178 = tpu.memref_slice %arg3[%add3A_171, %dma_start3A_177] : memref<160000x256xf32, #tpu.memory_space<hbm>> -> memref<40x256xf32, #tpu.memory_space<hbm>>
          %dma_start3A_179 = arith.constant 0 : i32
          %dma_start3A_180 = arith.constant 0 : i32
          %dma_start3A_181 = tpu.memref_slice %arg6[%dma_start3A_172, %dma_start3A_179, %dma_start3A_180] : memref<2x40x256xf32, #tpu.memory_space<vmem>> -> memref<1x40x256xf32, #tpu.memory_space<vmem>>
          %dma_start3A_182 = tpu.memref_squeeze %dma_start3A_181 : memref<1x40x256xf32, #tpu.memory_space<vmem>> -> memref<40x256xf32, #tpu.memory_space<vmem>>
          %dma_start3A_183 = arith.constant 0 : i32
          %dma_start3A_184 = tpu.memref_slice %arg3[%add3A_171, %dma_start3A_183] : memref<160000x256xf32, #tpu.memory_space<hbm>> -> memref<40x256xf32, #tpu.memory_space<hbm>>
          tpu.enqueue_dma source(%dma_start3A_184 : memref<40x256xf32, #tpu.memory_space<hbm>>) target(%dma_start3A_182 : memref<40x256xf32, #tpu.memory_space<vmem>>) target_semaphore(%arg9 : memref<!tpu.dma_semaphore, #tpu.memory_space<semaphore_mem>>)
        } else {
        }
      } else {
      }
      %scan3A_103 = arith.constant 0 : i32
      scf.yield %scan3A_103 : i32
    }
    %scan3A_85 = arith.constant 55 : i32
    "tpu.region"() ({
      %run_scoped3A = tpu.sem_alloc : memref<!tpu.dma_semaphore, #tpu.memory_space<semaphore_mem>>
      %dma_start3A_86 = arith.constant 0 : i32
      %dma_start3A_87 = arith.constant 0 : i32
      %dma_start3A_88 = tpu.memref_slice %arg4[%add3A, %dma_start3A_86, %dma_start3A_87] : memref<32x257x256xf32, #tpu.memory_space<hbm>> -> memref<1x257x256xf32, #tpu.memory_space<hbm>>
      %dma_start3A_89 = tpu.memref_squeeze %dma_start3A_88 : memref<1x257x256xf32, #tpu.memory_space<hbm>> -> memref<257x256xf32, #tpu.memory_space<hbm>>
      %dma_start3A_90 = arith.constant 0 : i32
      %dma_start3A_91 = arith.constant 0 : i32
      %dma_start3A_92 = tpu.memref_slice %arg4[%add3A, %dma_start3A_90, %dma_start3A_91] : memref<32x257x256xf32, #tpu.memory_space<hbm>> -> memref<1x257x256xf32, #tpu.memory_space<hbm>>
      %dma_start3A_93 = tpu.memref_squeeze %dma_start3A_92 : memref<1x257x256xf32, #tpu.memory_space<hbm>> -> memref<257x256xf32, #tpu.memory_space<hbm>>
      tpu.enqueue_dma source(%arg7 : memref<257x256xf32, #tpu.memory_space<vmem>>) target(%dma_start3A_93 : memref<257x256xf32, #tpu.memory_space<hbm>>) target_semaphore(%run_scoped3A : memref<!tpu.dma_semaphore, #tpu.memory_space<semaphore_mem>>)
      %dma_wait3A = arith.constant 0 : i32
      %dma_wait3A_94 = arith.constant 0 : i32
      %dma_wait3A_95 = tpu.memref_slice %arg4[%add3A, %dma_wait3A, %dma_wait3A_94] : memref<32x257x256xf32, #tpu.memory_space<hbm>> -> memref<1x257x256xf32, #tpu.memory_space<hbm>>
      %dma_wait3A_96 = tpu.memref_squeeze %dma_wait3A_95 : memref<1x257x256xf32, #tpu.memory_space<hbm>> -> memref<257x256xf32, #tpu.memory_space<hbm>>
      %dma_wait3A_97 = arith.constant 0 : i32
      %dma_wait3A_98 = arith.constant 0 : i32
      %dma_wait3A_99 = tpu.memref_slice %arg4[%add3A, %dma_wait3A_97, %dma_wait3A_98] : memref<32x257x256xf32, #tpu.memory_space<hbm>> -> memref<1x257x256xf32, #tpu.memory_space<hbm>>
      %dma_wait3A_100 = tpu.memref_squeeze %dma_wait3A_99 : memref<1x257x256xf32, #tpu.memory_space<hbm>> -> memref<257x256xf32, #tpu.memory_space<hbm>>
      tpu.wait_dma2 semaphore(%run_scoped3A : memref<!tpu.dma_semaphore, #tpu.memory_space<semaphore_mem>>) src(%arg7 : memref<257x256xf32, #tpu.memory_space<vmem>>) dst(%dma_wait3A_100 : memref<257x256xf32, #tpu.memory_space<hbm>>)
      tpu.yield
    }) : () -> ()
    return
  }
}

module attributes {stable_mosaic.version = 14 : i64} {
  func.func @_combine_body(%arg0: memref<32x257x256xf32, #tpu.memory_space<vmem>>, %arg1: memref<256x256xf32, #tpu.memory_space<vmem>>, %arg2: memref<1x256xf32, #tpu.memory_space<vmem>>, %arg3: memref<256x256xf32, #tpu.memory_space<vmem>>, %arg4: memref<256x1xf32, #tpu.memory_space<vmem>>, %arg5: memref<256x256xf32, #tpu.memory_space<vmem>>, %arg6: memref<256x256xf32, #tpu.memory_space<vmem>>, %arg7: memref<1x1xf32, #tpu.memory_space<vmem>>) attributes {dimension_semantics = [], scalar_prefetch = 0 : i64, scratch_operands = 0 : i64, tpu.core_type = #tpu.core_type<tc>} {
    %get3A = arith.constant 0 : index
    %get3A_0 = arith.constant 0 : index
    %get3A_1 = arith.constant 0 : index
    %get3A_2 = vector.load %arg0[%get3A, %get3A_0, %get3A_1] : memref<32x257x256xf32, #tpu.memory_space<vmem>>, vector<1x257x256xf32>
    %get3A_3 = vector.shape_cast %get3A_2 : vector<1x257x256xf32> to vector<257x256xf32>
    %get3A_4 = arith.constant 1 : index
    %get3A_5 = arith.constant 0 : index
    %get3A_6 = arith.constant 0 : index
    %get3A_7 = vector.load %arg0[%get3A_4, %get3A_5, %get3A_6] : memref<32x257x256xf32, #tpu.memory_space<vmem>>, vector<1x257x256xf32>
    %get3A_8 = vector.shape_cast %get3A_7 : vector<1x257x256xf32> to vector<257x256xf32>
    %add3A = arith.addf %get3A_3, %get3A_8 : vector<257x256xf32>
    %get3A_9 = arith.constant 2 : index
    %get3A_10 = arith.constant 0 : index
    %get3A_11 = arith.constant 0 : index
    %get3A_12 = vector.load %arg0[%get3A_9, %get3A_10, %get3A_11] : memref<32x257x256xf32, #tpu.memory_space<vmem>>, vector<1x257x256xf32>
    %get3A_13 = vector.shape_cast %get3A_12 : vector<1x257x256xf32> to vector<257x256xf32>
    %add3A_14 = arith.addf %add3A, %get3A_13 : vector<257x256xf32>
    %get3A_15 = arith.constant 3 : index
    %get3A_16 = arith.constant 0 : index
    %get3A_17 = arith.constant 0 : index
    %get3A_18 = vector.load %arg0[%get3A_15, %get3A_16, %get3A_17] : memref<32x257x256xf32, #tpu.memory_space<vmem>>, vector<1x257x256xf32>
    %get3A_19 = vector.shape_cast %get3A_18 : vector<1x257x256xf32> to vector<257x256xf32>
    %add3A_20 = arith.addf %add3A_14, %get3A_19 : vector<257x256xf32>
    %get3A_21 = arith.constant 4 : index
    %get3A_22 = arith.constant 0 : index
    %get3A_23 = arith.constant 0 : index
    %get3A_24 = vector.load %arg0[%get3A_21, %get3A_22, %get3A_23] : memref<32x257x256xf32, #tpu.memory_space<vmem>>, vector<1x257x256xf32>
    %get3A_25 = vector.shape_cast %get3A_24 : vector<1x257x256xf32> to vector<257x256xf32>
    %add3A_26 = arith.addf %add3A_20, %get3A_25 : vector<257x256xf32>
    %get3A_27 = arith.constant 5 : index
    %get3A_28 = arith.constant 0 : index
    %get3A_29 = arith.constant 0 : index
    %get3A_30 = vector.load %arg0[%get3A_27, %get3A_28, %get3A_29] : memref<32x257x256xf32, #tpu.memory_space<vmem>>, vector<1x257x256xf32>
    %get3A_31 = vector.shape_cast %get3A_30 : vector<1x257x256xf32> to vector<257x256xf32>
    %add3A_32 = arith.addf %add3A_26, %get3A_31 : vector<257x256xf32>
    %get3A_33 = arith.constant 6 : index
    %get3A_34 = arith.constant 0 : index
    %get3A_35 = arith.constant 0 : index
    %get3A_36 = vector.load %arg0[%get3A_33, %get3A_34, %get3A_35] : memref<32x257x256xf32, #tpu.memory_space<vmem>>, vector<1x257x256xf32>
    %get3A_37 = vector.shape_cast %get3A_36 : vector<1x257x256xf32> to vector<257x256xf32>
    %add3A_38 = arith.addf %add3A_32, %get3A_37 : vector<257x256xf32>
    %get3A_39 = arith.constant 7 : index
    %get3A_40 = arith.constant 0 : index
    %get3A_41 = arith.constant 0 : index
    %get3A_42 = vector.load %arg0[%get3A_39, %get3A_40, %get3A_41] : memref<32x257x256xf32, #tpu.memory_space<vmem>>, vector<1x257x256xf32>
    %get3A_43 = vector.shape_cast %get3A_42 : vector<1x257x256xf32> to vector<257x256xf32>
    %add3A_44 = arith.addf %add3A_38, %get3A_43 : vector<257x256xf32>
    %get3A_45 = arith.constant 8 : index
    %get3A_46 = arith.constant 0 : index
    %get3A_47 = arith.constant 0 : index
    %get3A_48 = vector.load %arg0[%get3A_45, %get3A_46, %get3A_47] : memref<32x257x256xf32, #tpu.memory_space<vmem>>, vector<1x257x256xf32>
    %get3A_49 = vector.shape_cast %get3A_48 : vector<1x257x256xf32> to vector<257x256xf32>
    %add3A_50 = arith.addf %add3A_44, %get3A_49 : vector<257x256xf32>
    %get3A_51 = arith.constant 9 : index
    %get3A_52 = arith.constant 0 : index
    %get3A_53 = arith.constant 0 : index
    %get3A_54 = vector.load %arg0[%get3A_51, %get3A_52, %get3A_53] : memref<32x257x256xf32, #tpu.memory_space<vmem>>, vector<1x257x256xf32>
    %get3A_55 = vector.shape_cast %get3A_54 : vector<1x257x256xf32> to vector<257x256xf32>
    %add3A_56 = arith.addf %add3A_50, %get3A_55 : vector<257x256xf32>
    %get3A_57 = arith.constant 10 : index
    %get3A_58 = arith.constant 0 : index
    %get3A_59 = arith.constant 0 : index
    %get3A_60 = vector.load %arg0[%get3A_57, %get3A_58, %get3A_59] : memref<32x257x256xf32, #tpu.memory_space<vmem>>, vector<1x257x256xf32>
    %get3A_61 = vector.shape_cast %get3A_60 : vector<1x257x256xf32> to vector<257x256xf32>
    %add3A_62 = arith.addf %add3A_56, %get3A_61 : vector<257x256xf32>
    %get3A_63 = arith.constant 11 : index
    %get3A_64 = arith.constant 0 : index
    %get3A_65 = arith.constant 0 : index
    %get3A_66 = vector.load %arg0[%get3A_63, %get3A_64, %get3A_65] : memref<32x257x256xf32, #tpu.memory_space<vmem>>, vector<1x257x256xf32>
    %get3A_67 = vector.shape_cast %get3A_66 : vector<1x257x256xf32> to vector<257x256xf32>
    %add3A_68 = arith.addf %add3A_62, %get3A_67 : vector<257x256xf32>
    %get3A_69 = arith.constant 12 : index
    %get3A_70 = arith.constant 0 : index
    %get3A_71 = arith.constant 0 : index
    %get3A_72 = vector.load %arg0[%get3A_69, %get3A_70, %get3A_71] : memref<32x257x256xf32, #tpu.memory_space<vmem>>, vector<1x257x256xf32>
    %get3A_73 = vector.shape_cast %get3A_72 : vector<1x257x256xf32> to vector<257x256xf32>
    %add3A_74 = arith.addf %add3A_68, %get3A_73 : vector<257x256xf32>
    %get3A_75 = arith.constant 13 : index
    %get3A_76 = arith.constant 0 : index
    %get3A_77 = arith.constant 0 : index
    %get3A_78 = vector.load %arg0[%get3A_75, %get3A_76, %get3A_77] : memref<32x257x256xf32, #tpu.memory_space<vmem>>, vector<1x257x256xf32>
    %get3A_79 = vector.shape_cast %get3A_78 : vector<1x257x256xf32> to vector<257x256xf32>
    %add3A_80 = arith.addf %add3A_74, %get3A_79 : vector<257x256xf32>
    %get3A_81 = arith.constant 14 : index
    %get3A_82 = arith.constant 0 : index
    %get3A_83 = arith.constant 0 : index
    %get3A_84 = vector.load %arg0[%get3A_81, %get3A_82, %get3A_83] : memref<32x257x256xf32, #tpu.memory_space<vmem>>, vector<1x257x256xf32>
    %get3A_85 = vector.shape_cast %get3A_84 : vector<1x257x256xf32> to vector<257x256xf32>
    %add3A_86 = arith.addf %add3A_80, %get3A_85 : vector<257x256xf32>
    %get3A_87 = arith.constant 15 : index
    %get3A_88 = arith.constant 0 : index
    %get3A_89 = arith.constant 0 : index
    %get3A_90 = vector.load %arg0[%get3A_87, %get3A_88, %get3A_89] : memref<32x257x256xf32, #tpu.memory_space<vmem>>, vector<1x257x256xf32>
    %get3A_91 = vector.shape_cast %get3A_90 : vector<1x257x256xf32> to vector<257x256xf32>
    %add3A_92 = arith.addf %add3A_86, %get3A_91 : vector<257x256xf32>
    %get3A_93 = arith.constant 16 : index
    %get3A_94 = arith.constant 0 : index
    %get3A_95 = arith.constant 0 : index
    %get3A_96 = vector.load %arg0[%get3A_93, %get3A_94, %get3A_95] : memref<32x257x256xf32, #tpu.memory_space<vmem>>, vector<1x257x256xf32>
    %get3A_97 = vector.shape_cast %get3A_96 : vector<1x257x256xf32> to vector<257x256xf32>
    %add3A_98 = arith.addf %add3A_92, %get3A_97 : vector<257x256xf32>
    %get3A_99 = arith.constant 17 : index
    %get3A_100 = arith.constant 0 : index
    %get3A_101 = arith.constant 0 : index
    %get3A_102 = vector.load %arg0[%get3A_99, %get3A_100, %get3A_101] : memref<32x257x256xf32, #tpu.memory_space<vmem>>, vector<1x257x256xf32>
    %get3A_103 = vector.shape_cast %get3A_102 : vector<1x257x256xf32> to vector<257x256xf32>
    %add3A_104 = arith.addf %add3A_98, %get3A_103 : vector<257x256xf32>
    %get3A_105 = arith.constant 18 : index
    %get3A_106 = arith.constant 0 : index
    %get3A_107 = arith.constant 0 : index
    %get3A_108 = vector.load %arg0[%get3A_105, %get3A_106, %get3A_107] : memref<32x257x256xf32, #tpu.memory_space<vmem>>, vector<1x257x256xf32>
    %get3A_109 = vector.shape_cast %get3A_108 : vector<1x257x256xf32> to vector<257x256xf32>
    %add3A_110 = arith.addf %add3A_104, %get3A_109 : vector<257x256xf32>
    %get3A_111 = arith.constant 19 : index
    %get3A_112 = arith.constant 0 : index
    %get3A_113 = arith.constant 0 : index
    %get3A_114 = vector.load %arg0[%get3A_111, %get3A_112, %get3A_113] : memref<32x257x256xf32, #tpu.memory_space<vmem>>, vector<1x257x256xf32>
    %get3A_115 = vector.shape_cast %get3A_114 : vector<1x257x256xf32> to vector<257x256xf32>
    %add3A_116 = arith.addf %add3A_110, %get3A_115 : vector<257x256xf32>
    %get3A_117 = arith.constant 20 : index
    %get3A_118 = arith.constant 0 : index
    %get3A_119 = arith.constant 0 : index
    %get3A_120 = vector.load %arg0[%get3A_117, %get3A_118, %get3A_119] : memref<32x257x256xf32, #tpu.memory_space<vmem>>, vector<1x257x256xf32>
    %get3A_121 = vector.shape_cast %get3A_120 : vector<1x257x256xf32> to vector<257x256xf32>
    %add3A_122 = arith.addf %add3A_116, %get3A_121 : vector<257x256xf32>
    %get3A_123 = arith.constant 21 : index
    %get3A_124 = arith.constant 0 : index
    %get3A_125 = arith.constant 0 : index
    %get3A_126 = vector.load %arg0[%get3A_123, %get3A_124, %get3A_125] : memref<32x257x256xf32, #tpu.memory_space<vmem>>, vector<1x257x256xf32>
    %get3A_127 = vector.shape_cast %get3A_126 : vector<1x257x256xf32> to vector<257x256xf32>
    %add3A_128 = arith.addf %add3A_122, %get3A_127 : vector<257x256xf32>
    %get3A_129 = arith.constant 22 : index
    %get3A_130 = arith.constant 0 : index
    %get3A_131 = arith.constant 0 : index
    %get3A_132 = vector.load %arg0[%get3A_129, %get3A_130, %get3A_131] : memref<32x257x256xf32, #tpu.memory_space<vmem>>, vector<1x257x256xf32>
    %get3A_133 = vector.shape_cast %get3A_132 : vector<1x257x256xf32> to vector<257x256xf32>
    %add3A_134 = arith.addf %add3A_128, %get3A_133 : vector<257x256xf32>
    %get3A_135 = arith.constant 23 : index
    %get3A_136 = arith.constant 0 : index
    %get3A_137 = arith.constant 0 : index
    %get3A_138 = vector.load %arg0[%get3A_135, %get3A_136, %get3A_137] : memref<32x257x256xf32, #tpu.memory_space<vmem>>, vector<1x257x256xf32>
    %get3A_139 = vector.shape_cast %get3A_138 : vector<1x257x256xf32> to vector<257x256xf32>
    %add3A_140 = arith.addf %add3A_134, %get3A_139 : vector<257x256xf32>
    %get3A_141 = arith.constant 24 : index
    %get3A_142 = arith.constant 0 : index
    %get3A_143 = arith.constant 0 : index
    %get3A_144 = vector.load %arg0[%get3A_141, %get3A_142, %get3A_143] : memref<32x257x256xf32, #tpu.memory_space<vmem>>, vector<1x257x256xf32>
    %get3A_145 = vector.shape_cast %get3A_144 : vector<1x257x256xf32> to vector<257x256xf32>
    %add3A_146 = arith.addf %add3A_140, %get3A_145 : vector<257x256xf32>
    %get3A_147 = arith.constant 25 : index
    %get3A_148 = arith.constant 0 : index
    %get3A_149 = arith.constant 0 : index
    %get3A_150 = vector.load %arg0[%get3A_147, %get3A_148, %get3A_149] : memref<32x257x256xf32, #tpu.memory_space<vmem>>, vector<1x257x256xf32>
    %get3A_151 = vector.shape_cast %get3A_150 : vector<1x257x256xf32> to vector<257x256xf32>
    %add3A_152 = arith.addf %add3A_146, %get3A_151 : vector<257x256xf32>
    %get3A_153 = arith.constant 26 : index
    %get3A_154 = arith.constant 0 : index
    %get3A_155 = arith.constant 0 : index
    %get3A_156 = vector.load %arg0[%get3A_153, %get3A_154, %get3A_155] : memref<32x257x256xf32, #tpu.memory_space<vmem>>, vector<1x257x256xf32>
    %get3A_157 = vector.shape_cast %get3A_156 : vector<1x257x256xf32> to vector<257x256xf32>
    %add3A_158 = arith.addf %add3A_152, %get3A_157 : vector<257x256xf32>
    %get3A_159 = arith.constant 27 : index
    %get3A_160 = arith.constant 0 : index
    %get3A_161 = arith.constant 0 : index
    %get3A_162 = vector.load %arg0[%get3A_159, %get3A_160, %get3A_161] : memref<32x257x256xf32, #tpu.memory_space<vmem>>, vector<1x257x256xf32>
    %get3A_163 = vector.shape_cast %get3A_162 : vector<1x257x256xf32> to vector<257x256xf32>
    %add3A_164 = arith.addf %add3A_158, %get3A_163 : vector<257x256xf32>
    %get3A_165 = arith.constant 28 : index
    %get3A_166 = arith.constant 0 : index
    %get3A_167 = arith.constant 0 : index
    %get3A_168 = vector.load %arg0[%get3A_165, %get3A_166, %get3A_167] : memref<32x257x256xf32, #tpu.memory_space<vmem>>, vector<1x257x256xf32>
    %get3A_169 = vector.shape_cast %get3A_168 : vector<1x257x256xf32> to vector<257x256xf32>
    %add3A_170 = arith.addf %add3A_164, %get3A_169 : vector<257x256xf32>
    %get3A_171 = arith.constant 29 : index
    %get3A_172 = arith.constant 0 : index
    %get3A_173 = arith.constant 0 : index
    %get3A_174 = vector.load %arg0[%get3A_171, %get3A_172, %get3A_173] : memref<32x257x256xf32, #tpu.memory_space<vmem>>, vector<1x257x256xf32>
    %get3A_175 = vector.shape_cast %get3A_174 : vector<1x257x256xf32> to vector<257x256xf32>
    %add3A_176 = arith.addf %add3A_170, %get3A_175 : vector<257x256xf32>
    %get3A_177 = arith.constant 30 : index
    %get3A_178 = arith.constant 0 : index
    %get3A_179 = arith.constant 0 : index
    %get3A_180 = vector.load %arg0[%get3A_177, %get3A_178, %get3A_179] : memref<32x257x256xf32, #tpu.memory_space<vmem>>, vector<1x257x256xf32>
    %get3A_181 = vector.shape_cast %get3A_180 : vector<1x257x256xf32> to vector<257x256xf32>
    %add3A_182 = arith.addf %add3A_176, %get3A_181 : vector<257x256xf32>
    %get3A_183 = arith.constant 31 : index
    %get3A_184 = arith.constant 0 : index
    %get3A_185 = arith.constant 0 : index
    %get3A_186 = vector.load %arg0[%get3A_183, %get3A_184, %get3A_185] : memref<32x257x256xf32, #tpu.memory_space<vmem>>, vector<1x257x256xf32>
    %get3A_187 = vector.shape_cast %get3A_186 : vector<1x257x256xf32> to vector<257x256xf32>
    %add3A_188 = arith.addf %add3A_182, %get3A_187 : vector<257x256xf32>
    %slice3A = vector.extract_strided_slice %add3A_188 {offsets = [0, 0], sizes = [256, 256], strides = [1, 1]} : vector<257x256xf32> to vector<256x256xf32>
    %get3A_189 = arith.constant 0 : index
    %get3A_190 = arith.constant 0 : index
    %get3A_191 = vector.load %arg1[%get3A_189, %get3A_190] : memref<256x256xf32, #tpu.memory_space<vmem>>, vector<256x256xf32>
    %add3A_192 = arith.addf %slice3A, %get3A_191 : vector<256x256xf32>
    %slice3A_193 = vector.extract_strided_slice %add3A_188 {offsets = [256, 0], sizes = [1, 256], strides = [1, 1]} : vector<257x256xf32> to vector<1x256xf32>
    %get3A_194 = arith.constant 0 : index
    %get3A_195 = arith.constant 0 : index
    %get3A_196 = vector.load %arg2[%get3A_194, %get3A_195] : memref<1x256xf32, #tpu.memory_space<vmem>>, vector<1x256xf32>
    %add3A_197 = arith.addf %slice3A_193, %get3A_196 : vector<1x256xf32>
    %iota3A = tpu.iota {dimensions = array<i32: 0>} : vector<256x256xi32>
    %iota3A_198 = tpu.iota {dimensions = array<i32: 1>} : vector<256x256xi32>
    %eq3A = arith.cmpi eq, %iota3A, %iota3A_198 : vector<256x256xi32>
    %convert_element_type3A = arith.extui %eq3A : vector<256x256xi1> to vector<256x256xi32>
    %convert_element_type3A_199 = arith.sitofp %convert_element_type3A : vector<256x256xi32> to vector<256x256xf32>
    %dot_general3A = arith.constant dense<0.000000e+00> : vector<256x1xf32>
    %dot_general3A_200 = tpu.matmul %convert_element_type3A_199, %add3A_197, %dot_general3A {dimension_numbers = #tpu.dot_dimension_numbers<[1], [1], [0], [0], [0, 0, 1, 0], [], []>, transpose_lhs_hint = false} : vector<256x256xf32>, vector<1x256xf32>, vector<256x1xf32> -> vector<256x1xf32>
    %max3A = arith.constant 1.000000e+00 : f32
    %max3A_201 = vector.broadcast %max3A : f32 to vector<256x1xf32>
    %max3A_202 = arith.maximumf %dot_general3A_200, %max3A_201 : vector<256x1xf32>
    %get3A_203 = arith.constant 0 : index
    %get3A_204 = arith.constant 0 : index
    %get3A_205 = vector.load %arg4[%get3A_203, %get3A_204] : memref<256x1xf32, #tpu.memory_space<vmem>>, vector<256x1xf32>
    %max3A_206 = arith.constant 1.000000e+00 : f32
    %max3A_207 = vector.broadcast %max3A_206 : f32 to vector<256x1xf32>
    %max3A_208 = arith.maximumf %get3A_205, %max3A_207 : vector<256x1xf32>
    %div3A = vector.broadcast %max3A_202 : vector<256x1xf32> to vector<256x256xf32>
    %div3A_209 = arith.divf %add3A_192, %div3A : vector<256x256xf32>
    %get3A_210 = arith.constant 0 : index
    %get3A_211 = arith.constant 0 : index
    %get3A_212 = vector.load %arg3[%get3A_210, %get3A_211] : memref<256x256xf32, #tpu.memory_space<vmem>>, vector<256x256xf32>
    %div3A_213 = vector.broadcast %max3A_208 : vector<256x1xf32> to vector<256x256xf32>
    %div3A_214 = arith.divf %get3A_212, %div3A_213 : vector<256x256xf32>
    %get3A_215 = arith.constant 0 : index
    %get3A_216 = arith.constant 0 : index
    %get3A_217 = vector.load %arg5[%get3A_215, %get3A_216] : memref<256x256xf32, #tpu.memory_space<vmem>>, vector<256x256xf32>
    %mul3A = arith.constant 0.699999988 : f32
    %mul3A_218 = vector.broadcast %mul3A : f32 to vector<256x256xf32>
    %mul3A_219 = arith.mulf %mul3A_218, %get3A_217 : vector<256x256xf32>
    %mul3A_220 = arith.constant 3.000000e-01 : f32
    %mul3A_221 = vector.broadcast %mul3A_220 : f32 to vector<256x256xf32>
    %mul3A_222 = arith.mulf %mul3A_221, %div3A_209 : vector<256x256xf32>
    %add3A_223 = arith.addf %mul3A_219, %mul3A_222 : vector<256x256xf32>
    %get3A_224 = arith.constant 0 : index
    %get3A_225 = arith.constant 0 : index
    %get3A_226 = vector.load %arg6[%get3A_224, %get3A_225] : memref<256x256xf32, #tpu.memory_space<vmem>>, vector<256x256xf32>
    %mul3A_227 = arith.constant 0.699999988 : f32
    %mul3A_228 = vector.broadcast %mul3A_227 : f32 to vector<256x256xf32>
    %mul3A_229 = arith.mulf %mul3A_228, %get3A_226 : vector<256x256xf32>
    %mul3A_230 = arith.constant 3.000000e-01 : f32
    %mul3A_231 = vector.broadcast %mul3A_230 : f32 to vector<256x256xf32>
    %mul3A_232 = arith.mulf %mul3A_231, %div3A_214 : vector<256x256xf32>
    %add3A_233 = arith.addf %mul3A_229, %mul3A_232 : vector<256x256xf32>
    %sub3A = arith.subf %add3A_223, %add3A_233 : vector<256x256xf32>
    %integer_pow3A = arith.mulf %sub3A, %sub3A : vector<256x256xf32>
    %reduce_sum3A = arith.constant dense<0.000000e+00> : vector<256xf32>
    %reduce_sum3A_234 = vector.multi_reduction <add>, %integer_pow3A, %reduce_sum3A [1] : vector<256x256xf32> to vector<256xf32>
    %broadcast_in_dim3A = vector.shape_cast %reduce_sum3A_234 : vector<256xf32> to vector<256x1xf32>
    %reduce_sum3A_235 = arith.constant dense<0.000000e+00> : vector<1xf32>
    %reduce_sum3A_236 = vector.multi_reduction <add>, %broadcast_in_dim3A, %reduce_sum3A_235 [0] : vector<256x1xf32> to vector<1xf32>
    %broadcast_in_dim3A_237 = vector.shape_cast %reduce_sum3A_236 : vector<1xf32> to vector<1x1xf32>
    %div3A_238 = arith.constant 6.553600e+04 : f32
    %div3A_239 = vector.broadcast %div3A_238 : f32 to vector<1x1xf32>
    %div3A_240 = arith.divf %broadcast_in_dim3A_237, %div3A_239 : vector<1x1xf32>
    %swap3A = arith.constant 0 : index
    %swap3A_241 = arith.constant 0 : index
    %swap3A_242 = vector.load %arg7[%swap3A, %swap3A_241] : memref<1x1xf32, #tpu.memory_space<vmem>>, vector<1x1xf32>
    tpu.vector_store %arg7[%swap3A, %swap3A_241], %div3A_240 {strides = array<i32>} : memref<1x1xf32, #tpu.memory_space<vmem>>, vector<1x1xf32>,
    return
  }
}

module attributes {stable_mosaic.version = 14 : i64} {
  func.func @_tc_reduce_body(%arg0: i32, %arg1: memref<1280x256xf32, #tpu.memory_space<vmem>>, %arg2: memref<1280x256xf32, #tpu.memory_space<vmem>>, %arg3: memref<256x256xf32, #tpu.memory_space<vmem>>, %arg4: memref<1x256xf32, #tpu.memory_space<vmem>>) attributes {dimension_semantics = [#tpu.dimension_semantics<arbitrary>], iteration_bounds = array<i64: 16>, scalar_prefetch = 0 : i64, scratch_operands = 0 : i64, tpu.core_type = #tpu.core_type<tc>, window_params = [{transform_indices = @transform_0, window_bounds = array<i64: 1280, 256>}, {transform_indices = @transform_1, window_bounds = array<i64: 1280, 256>}, {pipeline_mode = #tpu.pipeline_mode<synchronous>, transform_indices = @transform_2, window_bounds = array<i64: 256, 256>}, {pipeline_mode = #tpu.pipeline_mode<synchronous>, transform_indices = @transform_3, window_bounds = array<i64: 1, 256>}]} {
    %eq3A = arith.constant 0 : i32
    %eq3A_0 = arith.cmpi eq, %arg0, %eq3A : i32
    %convert_element_type3A = arith.extui %eq3A_0 : i1 to i32
    %cond3A = arith.constant 0 : i32
    %cond3A_1 = arith.cmpi ne, %convert_element_type3A, %cond3A : i32
    scf.if %cond3A_1 {
      %broadcast_in_dim3A_43 = arith.constant 0.000000e+00 : f32
      %broadcast_in_dim3A_44 = vector.broadcast %broadcast_in_dim3A_43 : f32 to vector<256x256xf32>
      %swap3A_45 = arith.constant 0 : index
      %swap3A_46 = arith.constant 0 : index
      %swap3A_47 = vector.load %arg3[%swap3A_45, %swap3A_46] : memref<256x256xf32, #tpu.memory_space<vmem>>, vector<256x256xf32>
      tpu.vector_store %arg3[%swap3A_45, %swap3A_46], %broadcast_in_dim3A_44 {strides = array<i32>} : memref<256x256xf32, #tpu.memory_space<vmem>>, vector<256x256xf32>,
      %broadcast_in_dim3A_48 = arith.constant 0.000000e+00 : f32
      %broadcast_in_dim3A_49 = vector.broadcast %broadcast_in_dim3A_48 : f32 to vector<1x256xf32>
      %swap3A_50 = arith.constant 0 : index
      %swap3A_51 = arith.constant 0 : index
      %swap3A_52 = vector.load %arg4[%swap3A_50, %swap3A_51] : memref<1x256xf32, #tpu.memory_space<vmem>>, vector<1x256xf32>
      tpu.vector_store %arg4[%swap3A_50, %swap3A_51], %broadcast_in_dim3A_49 {strides = array<i32>} : memref<1x256xf32, #tpu.memory_space<vmem>>, vector<1x256xf32>,
    } else {
    }
    %get3A = arith.constant 0 : index
    %get3A_2 = arith.constant 0 : index
    %get3A_3 = vector.load %arg1[%get3A, %get3A_2] : memref<1280x256xf32, #tpu.memory_space<vmem>>, vector<1280x256xf32>
    %reduce_max3A = arith.constant dense<0xFF800000> : vector<1280xf32>
    %reduce_max3A_4 = vector.multi_reduction <maximumf>, %get3A_3, %reduce_max3A [1] : vector<1280x256xf32> to vector<1280xf32>
    %broadcast_in_dim3A = vector.shape_cast %reduce_max3A_4 : vector<1280xf32> to vector<1280x1xf32>
    %iota3A = tpu.iota {dimensions = array<i32: 1>} : vector<1280x256xi32>
    %ge3A = vector.broadcast %broadcast_in_dim3A : vector<1280x1xf32> to vector<1280x256xf32>
    %ge3A_5 = arith.cmpf oge, %get3A_3, %ge3A : vector<1280x256xf32>
    %jit3A = arith.constant 256 : i32
    %broadcast_in_dim3A_6 = vector.broadcast %jit3A : i32 to vector<1280x256xi32>
    %select_n3A = arith.select %ge3A_5, %iota3A, %broadcast_in_dim3A_6 : vector<1280x256xi1>, vector<1280x256xi32>
    %reduce_min3A = arith.constant dense<2147483647> : vector<1280xi32>
    %reduce_min3A_7 = vector.multi_reduction <minsi>, %select_n3A, %reduce_min3A [1] : vector<1280x256xi32> to vector<1280xi32>
    %broadcast_in_dim3A_8 = vector.shape_cast %reduce_min3A_7 : vector<1280xi32> to vector<1280x1xi32>
    %eq3A_9 = vector.broadcast %broadcast_in_dim3A_8 : vector<1280x1xi32> to vector<1280x256xi32>
    %eq3A_10 = arith.cmpi eq, %iota3A, %eq3A_9 : vector<1280x256xi32>
    %gt3A = arith.constant 0.899999976 : f32
    %gt3A_11 = vector.broadcast %gt3A : f32 to vector<1280x1xf32>
    %gt3A_12 = arith.cmpf ogt, %broadcast_in_dim3A, %gt3A_11 : vector<1280x1xf32>
    %jit3A_13 = arith.constant 0.000000e+00 : f32
    %broadcast_in_dim3A_14 = vector.broadcast %jit3A_13 : f32 to vector<1280x1xf32>
    %select_n3A_15 = arith.select %gt3A_12, %broadcast_in_dim3A, %broadcast_in_dim3A_14 : vector<1280x1xi1>, vector<1280x1xf32>
    %jit3A_16 = arith.constant 0.000000e+00 : f32
    %broadcast_in_dim3A_17 = vector.shape_cast %select_n3A_15 : vector<1280x1xf32> to vector<1280x1xf32>
    %broadcast_in_dim3A_18 = vector.broadcast %broadcast_in_dim3A_17 : vector<1280x1xf32> to vector<1280x256xf32>
    %broadcast_in_dim3A_19 = vector.broadcast %jit3A_16 : f32 to vector<1280x256xf32>
    %select_n3A_20 = arith.select %eq3A_10, %broadcast_in_dim3A_18, %broadcast_in_dim3A_19 : vector<1280x256xi1>, vector<1280x256xf32>
    %get3A_21 = arith.constant 0 : index
    %get3A_22 = arith.constant 0 : index
    %get3A_23 = vector.load %arg4[%get3A_21, %get3A_22] : memref<1x256xf32, #tpu.memory_space<vmem>>, vector<1x256xf32>
    %convert_element_type3A_24 = arith.extui %eq3A_10 : vector<1280x256xi1> to vector<1280x256xi32>
    %convert_element_type3A_25 = arith.sitofp %convert_element_type3A_24 : vector<1280x256xi32> to vector<1280x256xf32>
    %reduce_sum3A = arith.constant dense<0.000000e+00> : vector<256xf32>
    %reduce_sum3A_26 = vector.multi_reduction <add>, %convert_element_type3A_25, %reduce_sum3A [0] : vector<1280x256xf32> to vector<256xf32>
    %broadcast_in_dim3A_27 = vector.shape_cast %reduce_sum3A_26 : vector<256xf32> to vector<1x256xf32>
    %add3A = arith.addf %get3A_23, %broadcast_in_dim3A_27 : vector<1x256xf32>
    %swap3A = arith.constant 0 : index
    %swap3A_28 = arith.constant 0 : index
    %swap3A_29 = vector.load %arg4[%swap3A, %swap3A_28] : memref<1x256xf32, #tpu.memory_space<vmem>>, vector<1x256xf32>
    tpu.vector_store %arg4[%swap3A, %swap3A_28], %add3A {strides = array<i32>} : memref<1x256xf32, #tpu.memory_space<vmem>>, vector<1x256xf32>,
    %get3A_30 = arith.constant 0 : index
    %get3A_31 = arith.constant 0 : index
    %get3A_32 = vector.load %arg3[%get3A_30, %get3A_31] : memref<256x256xf32, #tpu.memory_space<vmem>>, vector<256x256xf32>
    %convert_element_type3A_33 = arith.truncf %select_n3A_20 : vector<1280x256xf32> to vector<1280x256xbf16>
    %get3A_34 = arith.constant 0 : index
    %get3A_35 = arith.constant 0 : index
    %get3A_36 = vector.load %arg2[%get3A_34, %get3A_35] : memref<1280x256xf32, #tpu.memory_space<vmem>>, vector<1280x256xf32>
    %convert_element_type3A_37 = arith.truncf %get3A_36 : vector<1280x256xf32> to vector<1280x256xbf16>
    %dot_general3A = arith.constant dense<0.000000e+00> : vector<256x256xf32>
    %dot_general3A_38 = tpu.matmul %convert_element_type3A_33, %convert_element_type3A_37, %dot_general3A {dimension_numbers = #tpu.dot_dimension_numbers<[0], [0], [1], [1], [0, 1, 1, 1], [], []>, transpose_lhs_hint = false} : vector<1280x256xbf16>, vector<1280x256xbf16>, vector<256x256xf32> -> vector<256x256xf32>
    %add3A_39 = arith.addf %get3A_32, %dot_general3A_38 : vector<256x256xf32>
    %swap3A_40 = arith.constant 0 : index
    %swap3A_41 = arith.constant 0 : index
    %swap3A_42 = vector.load %arg3[%swap3A_40, %swap3A_41] : memref<256x256xf32, #tpu.memory_space<vmem>>, vector<256x256xf32>
    tpu.vector_store %arg3[%swap3A_40, %swap3A_41], %add3A_39 {strides = array<i32>} : memref<256x256xf32, #tpu.memory_space<vmem>>, vector<256x256xf32>,
    return
  }
  func.func @transform_0(%arg0: i32) -> (i32, i32) {
    %add3A = arith.constant 109 : i32
    %add3A_0 = arith.addi %arg0, %add3A : i32
    %c0_i32 = arith.constant 0 : i32
    %c0_i32_1 = arith.constant 0 : i32
    return %add3A_0, %c0_i32 : i32, i32
  }
  func.func @transform_1(%arg0: i32) -> (i32, i32) {
    %add3A = arith.constant 109 : i32
    %add3A_0 = arith.addi %arg0, %add3A : i32
    %c0_i32 = arith.constant 0 : i32
    %c0_i32_1 = arith.constant 0 : i32
    return %add3A_0, %c0_i32 : i32, i32
  }
  func.func @transform_2(%arg0: i32) -> (i32, i32) {
    %c0_i32 = arith.constant 0 : i32
    %c0_i32_0 = arith.constant 0 : i32
    %c0_i32_1 = arith.constant 0 : i32
    return %c0_i32, %c0_i32_0 : i32, i32
  }
  func.func @transform_3(%arg0: i32) -> (i32, i32) {
    %c0_i32 = arith.constant 0 : i32
    %c0_i32_0 = arith.constant 0 : i32
    %c0_i32_1 = arith.constant 0 : i32
    return %c0_i32, %c0_i32_0 : i32, i32
  }
}

module attributes {stable_mosaic.version = 14 : i64} {
  func.func @_tc_reduce_body(%arg0: i32, %arg1: memref<3200x256xf32, #tpu.memory_space<vmem>>, %arg2: memref<3200x256xf32, #tpu.memory_space<vmem>>, %arg3: memref<256x256xf32, #tpu.memory_space<vmem>>, %arg4: memref<1x256xf32, #tpu.memory_space<vmem>>) attributes {dimension_semantics = [#tpu.dimension_semantics<arbitrary>], iteration_bounds = array<i64: 50>, scalar_prefetch = 0 : i64, scratch_operands = 0 : i64, tpu.core_type = #tpu.core_type<tc>, window_params = [{transform_indices = @transform_0, window_bounds = array<i64: 3200, 256>}, {transform_indices = @transform_1, window_bounds = array<i64: 3200, 256>}, {pipeline_mode = #tpu.pipeline_mode<synchronous>, transform_indices = @transform_2, window_bounds = array<i64: 256, 256>}, {pipeline_mode = #tpu.pipeline_mode<synchronous>, transform_indices = @transform_3, window_bounds = array<i64: 1, 256>}]} {
    %eq3A = arith.constant 0 : i32
    %eq3A_0 = arith.cmpi eq, %arg0, %eq3A : i32
    %convert_element_type3A = arith.extui %eq3A_0 : i1 to i32
    %cond3A = arith.constant 0 : i32
    %cond3A_1 = arith.cmpi ne, %convert_element_type3A, %cond3A : i32
    scf.if %cond3A_1 {
      %broadcast_in_dim3A_43 = arith.constant 0.000000e+00 : f32
      %broadcast_in_dim3A_44 = vector.broadcast %broadcast_in_dim3A_43 : f32 to vector<256x256xf32>
      %swap3A_45 = arith.constant 0 : index
      %swap3A_46 = arith.constant 0 : index
      %swap3A_47 = vector.load %arg3[%swap3A_45, %swap3A_46] : memref<256x256xf32, #tpu.memory_space<vmem>>, vector<256x256xf32>
      tpu.vector_store %arg3[%swap3A_45, %swap3A_46], %broadcast_in_dim3A_44 {strides = array<i32>} : memref<256x256xf32, #tpu.memory_space<vmem>>, vector<256x256xf32>,
      %broadcast_in_dim3A_48 = arith.constant 0.000000e+00 : f32
      %broadcast_in_dim3A_49 = vector.broadcast %broadcast_in_dim3A_48 : f32 to vector<1x256xf32>
      %swap3A_50 = arith.constant 0 : index
      %swap3A_51 = arith.constant 0 : index
      %swap3A_52 = vector.load %arg4[%swap3A_50, %swap3A_51] : memref<1x256xf32, #tpu.memory_space<vmem>>, vector<1x256xf32>
      tpu.vector_store %arg4[%swap3A_50, %swap3A_51], %broadcast_in_dim3A_49 {strides = array<i32>} : memref<1x256xf32, #tpu.memory_space<vmem>>, vector<1x256xf32>,
    } else {
    }
    %get3A = arith.constant 0 : index
    %get3A_2 = arith.constant 0 : index
    %get3A_3 = vector.load %arg1[%get3A, %get3A_2] : memref<3200x256xf32, #tpu.memory_space<vmem>>, vector<3200x256xf32>
    %reduce_max3A = arith.constant dense<0xFF800000> : vector<3200xf32>
    %reduce_max3A_4 = vector.multi_reduction <maximumf>, %get3A_3, %reduce_max3A [1] : vector<3200x256xf32> to vector<3200xf32>
    %broadcast_in_dim3A = vector.shape_cast %reduce_max3A_4 : vector<3200xf32> to vector<3200x1xf32>
    %iota3A = tpu.iota {dimensions = array<i32: 1>} : vector<3200x256xi32>
    %ge3A = vector.broadcast %broadcast_in_dim3A : vector<3200x1xf32> to vector<3200x256xf32>
    %ge3A_5 = arith.cmpf oge, %get3A_3, %ge3A : vector<3200x256xf32>
    %jit3A = arith.constant 256 : i32
    %broadcast_in_dim3A_6 = vector.broadcast %jit3A : i32 to vector<3200x256xi32>
    %select_n3A = arith.select %ge3A_5, %iota3A, %broadcast_in_dim3A_6 : vector<3200x256xi1>, vector<3200x256xi32>
    %reduce_min3A = arith.constant dense<2147483647> : vector<3200xi32>
    %reduce_min3A_7 = vector.multi_reduction <minsi>, %select_n3A, %reduce_min3A [1] : vector<3200x256xi32> to vector<3200xi32>
    %broadcast_in_dim3A_8 = vector.shape_cast %reduce_min3A_7 : vector<3200xi32> to vector<3200x1xi32>
    %eq3A_9 = vector.broadcast %broadcast_in_dim3A_8 : vector<3200x1xi32> to vector<3200x256xi32>
    %eq3A_10 = arith.cmpi eq, %iota3A, %eq3A_9 : vector<3200x256xi32>
    %gt3A = arith.constant 0.899999976 : f32
    %gt3A_11 = vector.broadcast %gt3A : f32 to vector<3200x1xf32>
    %gt3A_12 = arith.cmpf ogt, %broadcast_in_dim3A, %gt3A_11 : vector<3200x1xf32>
    %jit3A_13 = arith.constant 0.000000e+00 : f32
    %broadcast_in_dim3A_14 = vector.broadcast %jit3A_13 : f32 to vector<3200x1xf32>
    %select_n3A_15 = arith.select %gt3A_12, %broadcast_in_dim3A, %broadcast_in_dim3A_14 : vector<3200x1xi1>, vector<3200x1xf32>
    %jit3A_16 = arith.constant 0.000000e+00 : f32
    %broadcast_in_dim3A_17 = vector.shape_cast %select_n3A_15 : vector<3200x1xf32> to vector<3200x1xf32>
    %broadcast_in_dim3A_18 = vector.broadcast %broadcast_in_dim3A_17 : vector<3200x1xf32> to vector<3200x256xf32>
    %broadcast_in_dim3A_19 = vector.broadcast %jit3A_16 : f32 to vector<3200x256xf32>
    %select_n3A_20 = arith.select %eq3A_10, %broadcast_in_dim3A_18, %broadcast_in_dim3A_19 : vector<3200x256xi1>, vector<3200x256xf32>
    %get3A_21 = arith.constant 0 : index
    %get3A_22 = arith.constant 0 : index
    %get3A_23 = vector.load %arg4[%get3A_21, %get3A_22] : memref<1x256xf32, #tpu.memory_space<vmem>>, vector<1x256xf32>
    %convert_element_type3A_24 = arith.extui %eq3A_10 : vector<3200x256xi1> to vector<3200x256xi32>
    %convert_element_type3A_25 = arith.sitofp %convert_element_type3A_24 : vector<3200x256xi32> to vector<3200x256xf32>
    %reduce_sum3A = arith.constant dense<0.000000e+00> : vector<256xf32>
    %reduce_sum3A_26 = vector.multi_reduction <add>, %convert_element_type3A_25, %reduce_sum3A [0] : vector<3200x256xf32> to vector<256xf32>
    %broadcast_in_dim3A_27 = vector.shape_cast %reduce_sum3A_26 : vector<256xf32> to vector<1x256xf32>
    %add3A = arith.addf %get3A_23, %broadcast_in_dim3A_27 : vector<1x256xf32>
    %swap3A = arith.constant 0 : index
    %swap3A_28 = arith.constant 0 : index
    %swap3A_29 = vector.load %arg4[%swap3A, %swap3A_28] : memref<1x256xf32, #tpu.memory_space<vmem>>, vector<1x256xf32>
    tpu.vector_store %arg4[%swap3A, %swap3A_28], %add3A {strides = array<i32>} : memref<1x256xf32, #tpu.memory_space<vmem>>, vector<1x256xf32>,
    %get3A_30 = arith.constant 0 : index
    %get3A_31 = arith.constant 0 : index
    %get3A_32 = vector.load %arg3[%get3A_30, %get3A_31] : memref<256x256xf32, #tpu.memory_space<vmem>>, vector<256x256xf32>
    %convert_element_type3A_33 = arith.truncf %select_n3A_20 : vector<3200x256xf32> to vector<3200x256xbf16>
    %get3A_34 = arith.constant 0 : index
    %get3A_35 = arith.constant 0 : index
    %get3A_36 = vector.load %arg2[%get3A_34, %get3A_35] : memref<3200x256xf32, #tpu.memory_space<vmem>>, vector<3200x256xf32>
    %convert_element_type3A_37 = arith.truncf %get3A_36 : vector<3200x256xf32> to vector<3200x256xbf16>
    %dot_general3A = arith.constant dense<0.000000e+00> : vector<256x256xf32>
    %dot_general3A_38 = tpu.matmul %convert_element_type3A_33, %convert_element_type3A_37, %dot_general3A {dimension_numbers = #tpu.dot_dimension_numbers<[0], [0], [1], [1], [0, 1, 1, 1], [], []>, transpose_lhs_hint = false} : vector<3200x256xbf16>, vector<3200x256xbf16>, vector<256x256xf32> -> vector<256x256xf32>
    %add3A_39 = arith.addf %get3A_32, %dot_general3A_38 : vector<256x256xf32>
    %swap3A_40 = arith.constant 0 : index
    %swap3A_41 = arith.constant 0 : index
    %swap3A_42 = vector.load %arg3[%swap3A_40, %swap3A_41] : memref<256x256xf32, #tpu.memory_space<vmem>>, vector<256x256xf32>
    tpu.vector_store %arg3[%swap3A_40, %swap3A_41], %add3A_39 {strides = array<i32>} : memref<256x256xf32, #tpu.memory_space<vmem>>, vector<256x256xf32>,
    return
  }
  func.func @transform_0(%arg0: i32) -> (i32, i32) {
    %add3A = arith.constant 0 : i32
    %add3A_0 = arith.addi %arg0, %add3A : i32
    %c0_i32 = arith.constant 0 : i32
    %c0_i32_1 = arith.constant 0 : i32
    return %add3A_0, %c0_i32 : i32, i32
  }
  func.func @transform_1(%arg0: i32) -> (i32, i32) {
    %add3A = arith.constant 0 : i32
    %add3A_0 = arith.addi %arg0, %add3A : i32
    %c0_i32 = arith.constant 0 : i32
    %c0_i32_1 = arith.constant 0 : i32
    return %add3A_0, %c0_i32 : i32, i32
  }
  func.func @transform_2(%arg0: i32) -> (i32, i32) {
    %c0_i32 = arith.constant 0 : i32
    %c0_i32_0 = arith.constant 0 : i32
    %c0_i32_1 = arith.constant 0 : i32
    return %c0_i32, %c0_i32_0 : i32, i32
  }
  func.func @transform_3(%arg0: i32) -> (i32, i32) {
    %c0_i32 = arith.constant 0 : i32
    %c0_i32_0 = arith.constant 0 : i32
    %c0_i32_1 = arith.constant 0 : i32
    return %c0_i32, %c0_i32_0 : i32, i32
  }
}

</mosaic_0001>

<sc_bundles>
// kernel: kernel.6.cloned.1.call-start
scs
__scs_entry_jumppad:
0x0: {  	(pc) =	sbr.rel $0x88, $3  }
0x1: {  	(tag) =	ssettag $0x0;
	lr =	simm.s32 $0x1  }
0x2: {  	[smem:$0x3F9B] =	sst lr;
	_ =	strace $0xD0000000  }
0x3: {  	_ = 	snop  }
0x4: {  	_ = 	snop  }
0x5: {  	_ = 	snop  }
0x6: {  	_ = 	snop  }
0x7: {  	_ = 	snop  }
__scs_overlays_trampoline_lowered:
0x8: {  	[smem:$0x3FAA] =	sst s0  }
0x9: {  	[smem:$0x3FAB] =	sst s1  }
0xa: {  	[smem:$0x3FAC] =	sst s2  }
0xb: {  	[smem:$0x3FAD] =	sst s3  }
0xc: {  	[smem:$0x3FAE] =	sst s4  }
0xd: {  	[smem:$0x3FAF] =	sst s5  }
0xe: {  	[smem:$0x3FB0] =	sst s6  }
0xf: {  	[smem:$0x3FB1] =	sst s7  }
0x10: {  	[smem:$0x3FB2] =	sst s8  }
0x11: {  	[smem:$0x3FB3] =	sst s9;
	s0 =	simm.s32 @!p0 $0x0  }
0x12: {  	s1 =	sld [smem:$0x3F99];
	s0 =	simm.s32 @p0 $0x1  }
0x13: {  	[smem:$0x3FB4] =	sst s0;
	s0 =	simm.s32 @!p1 $0x0  }
0x14: {  	s2 =	sld [smem:$0x3F98];
	s0 =	simm.s32 @p1 $0x1  }
0x15: {  	[smem:$0x3FB5] =	sst s0;
	s0 =	simm.s32 @!p2 $0x0  }
0x16: {  	s3 =	sld [smem:$0x3FDB];
	s0 =	simm.s32 @p2 $0x1  }
0x17: {  	s4 =	simm.s32 $0x1BF5;
	[smem:$0x3FB7] =	sst s0  }
0x18: {  	s0 =	sld [smem:$0x3F9A];
	_ =	swait.ge [sflag:s4], $0x0  }
0x19: {  	s7 =	sld [smem:$0x3F9B]  }
0x1a: {  	s8 =	sadd.s32 $0xFFFFE003, lr  }
0x1b: {  	s9 =	sadd.s32 $0xFFFFFEF7, lr;
	s5 =	simm.s32 $0xFFFFFFFF;
	p2 =	slt.u32 s8, $0xFFFFF086  }
0x1c: {  	p1 =	slt.u32 s9, $0xF7A;
	s5 =	simm.s32 @!p2 $0x0  }
0x1d: {  	s5 =	simm.s32 @p1 $0x1;
	p0 =	seq.s32 s7, s2  }
0x1e: {  	s7 =	smul.u32 @!p0 $0xF7A, s2;
	p2 =	seq.s32 @!p0 s5, $0x0  }
0x1f: {  	s9 =	smul.u32 $0xF7A, s1;
	s8 =	simm.s32 @!p0 $0x1BF5;
	p2 =	por !p2, p0  }
0x20: {  	[sflag:s8] =	ssyncset.s32 @!p0 $0xFFFFF086;
	s6 =	sadd.s32 @!p0 s3, s7;
	s7 =	simm.s32 @!p0 $0x108  }
0x21: {  	s3 =	sadd.s32 s3, s9;
	s6 =	sadd.s32 @!p0 $0x88, s6;
	s7 =	simm.s32 @p2 $0x1082  }
0x22: {  	[simem:s7], [sflag:s8] =	dma.local @!p0 [hbm:s6], $0xF7A  }
0x23: {  	s9 =	sor.u32 $0xD0000000, s2;
	s6 =	simm.s32 $0x108;
	_ =	swait.ge @!p0 [sflag:s8], $0x0  }
0x24: {  	s3 =	sadd.s32 $0x88, s3;
	s6 =	simm.s32 @!p1 $0x1082;
	[sflag:s4] =	ssyncset.s32 $0xFFFFF086  }
0x25: {  	[simem:s6], [sflag:s4] =	dma.local [hbm:s3], $0xF7A  }
0x26: {  	[smem:$0x3F9B] =	sst s1;
	(tag) =	ssettag s2;
	_ =	strace s9  }
0x27: {  	s1 =	sld [smem:$0x3FAB]  }
0x28: {  	s2 =	sld [smem:$0x3FAC]  }
0x29: {  	s4 =	sld [smem:$0x3FAE]  }
0x2a: {  	p0 =	seq.s32 s5, $0x0;
	s5 =	sld [smem:$0x3FAF]  }
0x2b: {  	s6 =	sld [smem:$0x3FB0]  }
0x2c: {  	s7 =	sld [smem:$0x3FB1]  }
0x2d: {  	s3 =	simm.s32 $0x108;
	s8 =	sld [smem:$0x3FB2]  }
0x2e: {  	s3 =	simm.s32 @!p0 $0x1082;
	s9 =	sld [smem:$0x3FB3]  }
0x2f: {  	lr =	sadd.s32 s0, s3;
	s0 =	sld [smem:$0x3FAA]  }
0x30: {  	s3 =	sld [smem:$0x3FAD]  }
0x31: {  	[smem:$0x3FB6] =	sst s10  }
0x32: {  	s10 =	sld [smem:$0x3FB4];
	_ =	sdelay $0x3  }
0x33: {  	p0 =	seq.s32 s10, $0x1;
	s10 =	sld [smem:$0x3FB6];
	_ =	sdelay $0x3  }
0x34: {  	[smem:$0x3FB6] =	sst s10  }
0x35: {  	s10 =	sld [smem:$0x3FB5];
	_ =	sdelay $0x3  }
0x36: {  	p1 =	seq.s32 s10, $0x1;
	s10 =	sld [smem:$0x3FB6];
	_ =	sdelay $0x3  }
0x37: {  	[smem:$0x3FB6] =	sst s10  }
0x38: {  	s10 =	sld [smem:$0x3FB7]  }
0x39: {  	_ = 	snop;
	(pc) =	sbr.ind lr, $3  }
0x3a: {  	_ = 	snop  }
0x3b: {  	_ = 	snop  }
0x3c: {  	p2 =	seq.s32 s10, $0x1;
	s10 =	sld [smem:$0x3FB6]  }
0x3d: {  	_ =	shalt  }
0x3e: {  	_ =	shalt  }
0x3f: {  	_ =	shalt  }
0x40: {  	_ =	shalt  }
0x41: {  	_ =	shalt  }
0x42: {  	_ =	shalt  }
0x43: {  	_ =	shalt  }
0x44: {  	_ =	shalt  }
0x45: {  	_ =	shalt  }
0x46: {  	_ =	shalt  }
0x47: {  	_ =	shalt  }
0x48: {  	_ =	shalt  }
0x49: {  	_ =	shalt  }
0x4a: {  	_ =	shalt  }
0x4b: {  	_ =	shalt  }
0x4c: {  	_ =	shalt  }
0x4d: {  	_ =	shalt  }
0x4e: {  	_ =	shalt  }
0x4f: {  	_ =	shalt  }
0x50: {  	_ =	shalt  }
0x51: {  	_ =	shalt  }
0x52: {  	_ =	shalt  }
0x53: {  	_ =	shalt  }
0x54: {  	_ =	shalt  }
0x55: {  	_ =	shalt  }
0x56: {  	_ =	shalt  }
0x57: {  	_ =	shalt  }
0x58: {  	_ =	shalt  }
0x59: {  	_ =	shalt  }
0x5a: {  	_ =	shalt  }
0x5b: {  	_ =	shalt  }
0x5c: {  	_ =	shalt  }
0x5d: {  	_ =	shalt  }
0x5e: {  	_ =	shalt  }
0x5f: {  	_ =	shalt  }
0x60: {  	_ =	shalt  }
0x61: {  	_ =	shalt  }
0x62: {  	_ =	shalt  }
0x63: {  	_ =	shalt  }
0x64: {  	_ =	shalt  }
0x65: {  	_ =	shalt  }
0x66: {  	_ =	shalt  }
0x67: {  	_ =	shalt  }
0x68: {  	_ =	shalt  }
0x69: {  	_ =	shalt  }
0x6a: {  	_ =	shalt  }
0x6b: {  	_ =	shalt  }
0x6c: {  	_ =	shalt  }
0x6d: {  	_ =	shalt  }
0x6e: {  	_ =	shalt  }
0x6f: {  	_ =	shalt  }
0x70: {  	_ =	shalt  }
0x71: {  	_ =	shalt  }
0x72: {  	_ =	shalt  }
0x73: {  	_ =	shalt  }
0x74: {  	_ =	shalt  }
0x75: {  	_ =	shalt  }
0x76: {  	_ =	shalt  }
0x77: {  	_ =	shalt  }
0x78: {  	_ =	shalt  }
0x79: {  	_ =	shalt  }
0x7a: {  	_ =	shalt  }
0x7b: {  	_ =	shalt  }
0x7c: {  	_ =	shalt  }
0x7d: {  	_ =	shalt  }
0x7e: {  	_ =	shalt  }
0x7f: {  	_ =	shalt  }
0x80: {  	_ =	shalt  }
0x81: {  	_ =	shalt  }
0x82: {  	_ =	shalt  }
0x83: {  	_ =	shalt  }
0x84: {  	_ =	shalt  }
0x85: {  	_ =	shalt  }
0x86: {  	_ =	shalt  }
0x87: {  	_ =	shalt  }
.Lfunc_end0:
.L_simem_size_0:
called_computation_lowered:
.L_overlay_start_0:
0x88: {  	s2 =	sld [smem:$0x3FD9]  }
0x89: {  	s3 =	sld [smem:$0x3FFE];
	_ =	sdelay $0x1  }
0x8a: {  	s1 =	srdreg.scid  }
0x8b: {  	s0 =	sand.u32 $0x1, s1  }
0x8c: {  	s17 =	sshll.u32 s0, $0xA;
	s2 =	sadd.s32 s3, s2  }
0x8d: {  	s2 =	sadd.s32 s2, s17  }
0x8e: {  	[smem:$0x3FC2] =	sst s2  }
0x8f: {  	_ = 	snop  }
0x90: {  	s2 =	sld [smem:$0x3FC9]  }
0x91: {  	s18 =	sld [smem:$0x3FC7];
	(tm) =	ssettm $0x1  }
0x92: {  	s4 =	sld [smem:$0x3FFB];
	_ =	sdelay $0x3  }
0x93: {  	_ =	strace s4  }
0x94: {  	s4 =	sld [smem:$0x3FFC];
	_ =	sdelay $0x3  }
0x95: {  	_ =	strace s4  }
0x96: {  	s4 =	sld [smem:$0x3FFD];
	_ =	sdelay $0x3  }
0x97: {  	_ =	strace s4  }
0x98: {  	_ =	strace $0x8FFFFFFF  }
0x99: {  	s19 =	sld [smem:$0x3FDB];
	_ =	sdelay $0x1  }
0x9a: {  	s5 =	simm.s32 $_scs_section_size  }
0x9b: {  	s6 =	simm.s32 $_size__tile_overlayer_lowered;
	s7 =	simm.s32 $_tile_overlayer_lowered  }
0x9c: {  	s22 =	simm.s32 $0x1BFF;
	s21 =	sshll.u32 s7, $0x1;
	s4 =	sadd.s32 s5, s19  }
0x9d: {  	s8 =	simm.s32 $0x0;
	s20 =	sshll.u32 s6, $0x1;
	s6 =	sadd.s32 s21, s4  }
0x9e: {  	[timem:s8], [sflag:s22] =	dma.local [hbm:s6], s20  }
0x9f: {  	_ =	swait.ge [sflag:s22], s20  }
0xa0: {  	s5 =	ssub.s32 $0x0, s20;
	[sflag:s22] =	ssyncset.done $0x0  }
0xa1: {  	[sflag:s22] =	ssyncadd.s32 s5;
	_ =	sdelay $0x1  }
0xa2: {  	s23 =	simm.s32 $0x1B8B  }
0xa3: {  	_ =	swait.ge [sflag:s23], $0x1  }
0xa4: {  	[sflag:s23] =	ssyncset.done $0x0  }
0xa5: {  	s25 =	simm.s32 $0x1B8E;
	s24 =	sld [smem:$0x3FFE];
	[sflag:s23] =	ssyncadd.s32 $0xFFFFFFFF  }
0xa6: {  	s26 =	simm.s32 $execute0_lowered;
	[smem:$0x3FD2] =	sst s25  }
0xa7: {  	s6 =	sshll.u32 s26, $0x1;
	_ =	strace $0x80000046;
	[dreg:$0x1] =	wrdreg $0xFFFFFFFF  }
0xa8: {  	s28 =	simm.s32 $_size_execute0_lowered;
	s4 =	sadd.s32 s4, s6;
	[dreg:$0x0] =	wrdreg $0x0  }
0xa9: {  	s6 =	sshll.u32 s28, $0x1;
	[dreg:$0x2] =	wrdreg s4  }
0xaa: {  	[dreg:$0x3] =	wrdreg s6  }
0xab: {  	[dreg:$0x4] =	wrdreg $0xC0  }
0xac: {  	_ =	task [dreg:s8], $0x5FFFF  }
0xad: {  	[dreg:$0x1] =	wrdreg $0xFFFFFFFF  }
0xae: {  	[dreg:$0x0] =	wrdreg $0x60  }
0xaf: {  	[dreg:$0x2] =	wrdreg s18  }
0xb0: {  	[dreg:$0x3] =	wrdreg s2  }
0xb1: {  	[dreg:$0x4] =	wrdreg s24  }
0xb2: {  	[dreg:$0x5] =	wrdreg $0x9  }
0xb3: {  	_ =	task.clear_ibuf [dreg:s8], $0x6FFFF;
	_ =	strace $0x90000046  }
0xb4: {  	s29 =	simm.s32 $0x9;
	_ =	strace $0x80000048  }
0xb5: {  	_ =	swait.ge [sflag:s29], $0x1  }
0xb6: {  	[sflag:s29] =	ssyncadd.s32 $0xFFFFFFFF  }
0xb7: {  	_ =	strace $0x90000048  }
0xb8: {  	_ =	sfence  }
0xb9: {  	s30 =	sld [smem:$0x0];
	_ =	sdelay $0x2  }
0xba: {  	s31 =	sshll.u32 s1, $0xD;
	s1 =	sshrl.u32 s1, $0x2  }
0xbb: {  	s3 =	sand.u32 $0x4000, s31;
	s1 =	sadd.s32 s1, s30  }
0xbc: {  	s0 =	sor.u32 s3, s0;
	s1 =	sshll.u32 s1, $0x11  }
0xbd: {  	s0 =	sor.u32 s1, s0  }
0xbe: {  	s0 =	sadd.s32 $0x8F2B, s0  }
0xbf: {  	[sflag:s0] =	ssyncadd.remote.s32 $0x1  }
0xc0: {  	_ =	sfence.sel $0xFFFF  }
0xc1: {  	[dreg:$0x0] =	wrdreg $0xFFFFFFFF;
	(pc) =	sbr.abs _section_cstart, $3  }
0xc2: {  	[dreg:$0x1] =	wrdreg $0xFFFFFFFF  }
0xc3: {  	_ =	task.clear_ibuf [dreg:s8], $0x2FFFF;
	_ =	strace $0x9FFFFFFF  }
0xc4: {  	(tm) =	ssettm $0x7FFFFFFF  }
0xc5: {  	_ =	shalt  }
tec
execute0_lowered:
.L_overlay_start_1:
0x0: {  	(tag) =	ssettag $0x1  }
0x1: {  	v0 =	vimm.s32 $0xFEDCBA98;
	v1 =	vimm.s32 $0x76543210  }
0x2: {  	v2 =	vimm.s32 $0xBA98FEDC;
	v3 =	vimm.s32 $0x32107654;
	v4 =	vimm.s32 $0xDCFE98BA  }
0x3: {  	v5 =	vimm.s32 $0x54761032;
	v6 =	vimm.s32 $0xEFCDAB89;
	v7 =	vimm.s32 $0x67452301  }
0x4: {  	s0 =	rddreg [dreg:$0x0];
	v0 =	vunpack.c.l.s4.s8 v0;
	v1 =	vunpack.c.l.s4.s8 v1;
	v2 =	vunpack.c.l.s4.s8 v2  }
0x5: {  	s3 =	srdreg.scid;
	s2 =	rddreg [dreg:$0x1];
	v3 =	vunpack.c.l.s4.s8 v3;
	v4 =	vunpack.c.l.s4.s8 v4;
	v5 =	vunpack.c.l.s4.s8 v5  }
0x6: {  	s1 =	stileid.u32;
	s6 =	rddreg [dreg:$0x2];
	s4 =	simm.s32 $0x0;
	v6 =	vunpack.c.l.s4.s8 v6;
	v7 =	vunpack.c.l.s4.s8 v7;
	v0 =	vunpack.c.0.s8.s32 v0  }
0x7: {  	s14 =	simm.s32 $0x2800;
	s5 =	sand.u32 $0x1, s3;
	s28 =	sshll.u32 s1, $0x1;
	v2 =	vunpack.c.0.s8.s32 v2;
	v3 =	vunpack.c.0.s8.s32 v3;
	v4 =	vunpack.c.0.s8.s32 v4  }
0x8: {  	s15 =	simm.s32 $0x7800;
	s16 =	simm.s32 $0x1;
	s7 =	sor.u32 s5, s28;
	v5 =	vunpack.c.0.s8.s32 v5;
	v6 =	vunpack.c.0.s8.s32 v6;
	v7 =	vunpack.c.0.s8.s32 v7  }
0x9: {  	s17 =	simm.s32 $0xA000;
	s18 =	simm.s32 $0x3;
	s8 =	smul.u32 $0x2100, s7;
	v1 =	vunpack.c.0.s8.s32 v1;
	v2 =	vcombine.low v3, v2  }
0xa: {  	s19 =	simm.s32 $0x2;
	s20 =	simm.s32 $0x0;
	s9 =	smul.u32 $0x110800, s7;
	v3 =	vand.u32 $0xF, v0;
	v4 =	vcombine.low v5, v4;
	v5 =	vcombine.low v7, v6  }
0xb: {  	s3 =	rddreg [dreg:$0x3];
	s5 =	ssub.s32 $0x2, s5;
	s11 =	smul.u32 $0x22100, s7;
	v0 =	vimm.f32 $0.0e+00;
	v1 =	vcombine.low v3, v1;
	v2 =	vand.u32 $0xF, v2  }
0xc: {  	[smem:$0x7FF] =	sst s4;
	s10 =	sshrl.u32 s5, $0x1;
	s30 =	smul.u32 $0x1108, s7;
	v3 =	vand.u32 $0xF, v4;
	v4 =	vand.u32 $0xF, v5;
	v5 =	vlaneseq.u32  }
.Ltmp0:
0xd: {  	_ =	strace $0x80000047;
	s13 =	ssub.s32 s5, s10;
	v6 =	vor.u32 $0x30, v5;
	v7 =	vor.u32 $0x70, v5;
	v8 =	vor.u32 $0xB0, v5;
	(pc) =	sbr.rel .LBB2_1-.Ltmp0, $4  }
0xe: {  	s12 =	sadd.s32 s8, s6;
	s29 =	sshrl.u32 s9, $0x3;
	s5 =	sadd.s32 s0, s11;
	v9 =	vor.u32 $0xF0, v5;
	v10 =	vor.u32 $0x20, v5;
	v11 =	vor.u32 $0x60, v5  }
0xf: {  	s6 =	sadd.s32 s2, s11;
	s9 =	sadd.s32 $0x50, s30;
	s10 =	sadd.s32 $0x78, s30;
	v12 =	vor.u32 $0xA0, v5;
	v13 =	vor.u32 $0xE0, v5;
	v14 =	vor.u32 $0x10, v5  }
0x10: {  	s31 =	sadd.s32 $0x500, s29;
	s11 =	sadd.s32 $0xE00, s12;
	s12 =	smax.u32 s13, $0x1;
	v15 =	vor.u32 $0x50, v5;
	v16 =	vor.u32 $0x40, v5;
	v17 =	vor.u32 $0x90, v5  }
0x11: {  	s13 =	simm.s32 $0x5000;
	s7 =	sadd.s32 s0, s31;
	s8 =	sadd.s32 s2, s31;
	v18 =	vor.u32 $0x80, v5;
	v19 =	vor.u32 $0xD0, v5;
	v20 =	vor.u32 $0xC0, v5  }
.LBB2_10:
0x12: {  	s20 =	sadd.s32 $0x1, s20  }
0x13: {  	p0 =	sne.s32 s20, s12  }
.Ltmp1:
0x14: {  	_ = 	snop;
	(pc) =	sbr.rel @!p0 .LBB2_11-.Ltmp1, $4  }
0x15: {  	[hbm4b:s11+s4] =	stream.linear.scatter [tilespmem:s17], [sflag:$0x3], $0x10800, $0x38;
	[tilespmem:$0x1A800] =	vst v63  }
0x16: {  	_ =	swait.ge [sflag:s18], $0x10800  }
0x17: {  	[sflag:s18] =	ssyncset.done $0x0  }
0x18: {  	[sflag:s18] =	ssyncadd.s32 $0xFFFEF800  }
.LBB2_1:
0x19: {  	s21 =	sand.u32 $0x1F800, s4;
	s22 =	sand.u32 $0x380, s4  }
0x1a: {  	s21 =	sor.u32 s22, s21  }
0x1b: {  	[tilespmem:s21+$0xA470] =	vst v0  }
0x1c: {  	[tilespmem:s21+$0xA000] =	vst v0  }
0x1d: {  	[tilespmem:s21+$0xA010] =	vst v0  }
0x1e: {  	[tilespmem:s21+$0xA020] =	vst v0  }
0x1f: {  	[tilespmem:s21+$0xA030] =	vst v0  }
0x20: {  	[tilespmem:s21+$0xA040] =	vst v0  }
0x21: {  	[tilespmem:s21+$0xA050] =	vst v0  }
0x22: {  	[tilespmem:s21+$0xA060] =	vst v0  }
0x23: {  	[tilespmem:s21+$0xA070] =	vst v0  }
0x24: {  	[tilespmem:s21+$0xA400] =	vst v0  }
0x25: {  	[tilespmem:s21+$0xA410] =	vst v0  }
0x26: {  	[tilespmem:s21+$0xA420] =	vst v0  }
0x27: {  	[tilespmem:s21+$0xA430] =	vst v0  }
0x28: {  	s23 =	simm.s32 $0x100;
	s22 =	simm.s32 $0x80;
	[tilespmem:s21+$0xA440] =	vst v0  }
0x29: {  	s24 =	sand.u32 $0x1F800, s23;
	s23 =	simm.s32 $0x200;
	s25 =	sand.u32 $0x380, s22;
	[tilespmem:s21+$0xA450] =	vst v0  }
.LBB2_2:
0x2a: {  	p0 =	sne.s32 s23, $0x10000;
	[tilespmem:s21+$0xA460] =	vst v0;
	s21 =	sor.u32 s25, s24  }
0x2b: {  	[tilespmem:s21+$0xA470] =	vst v0  }
0x2c: {  	[tilespmem:s21+$0xA000] =	vst v0  }
0x2d: {  	[tilespmem:s21+$0xA010] =	vst v0  }
0x2e: {  	[tilespmem:s21+$0xA020] =	vst v0  }
0x2f: {  	[tilespmem:s21+$0xA030] =	vst v0  }
0x30: {  	[tilespmem:s21+$0xA040] =	vst v0  }
0x31: {  	[tilespmem:s21+$0xA050] =	vst v0  }
0x32: {  	[tilespmem:s21+$0xA060] =	vst v0  }
0x33: {  	[tilespmem:s21+$0xA070] =	vst v0  }
0x34: {  	[tilespmem:s21+$0xA400] =	vst v0  }
.Ltmp2:
0x35: {  	[tilespmem:s21+$0xA410] =	vst v0;
	(pc) =	sbr.rel @p0 .LBB2_2-.Ltmp2, $4  }
0x36: {  	[tilespmem:s21+$0xA420] =	vst v0  }
0x37: {  	[tilespmem:s21+$0xA430] =	vst v0  }
0x38: {  	s22 =	sadd.s32 $0x80, s22;
	[tilespmem:s21+$0xA440] =	vst v0  }
0x39: {  	s24 =	sand.u32 $0x1F800, s23;
	s23 =	sadd.s32 $0x100, s23;
	s25 =	sand.u32 $0x380, s22;
	[tilespmem:s21+$0xA450] =	vst v0  }
0x3a: {  	s22 =	sor.u32 s25, s24;
	[tilespmem:s21+$0xA460] =	vst v0  }
0x3b: {  	[tilespmem:s22+$0xA470] =	vst v0  }
0x3c: {  	[tilespmem:s22+$0xA000] =	vst v0  }
0x3d: {  	[tilespmem:s22+$0xA010] =	vst v0  }
0x3e: {  	[tilespmem:s22+$0xA020] =	vst v0  }
0x3f: {  	[tilespmem:s22+$0xA030] =	vst v0  }
0x40: {  	[tilespmem:s22+$0xA040] =	vst v0  }
0x41: {  	[tilespmem:s22+$0xA050] =	vst v0  }
0x42: {  	[tilespmem:s22+$0xA060] =	vst v0  }
0x43: {  	[tilespmem:s22+$0xA070] =	vst v0  }
0x44: {  	[tilespmem:s22+$0xA400] =	vst v0  }
0x45: {  	[tilespmem:s22+$0xA410] =	vst v0  }
0x46: {  	[tilespmem:s22+$0xA420] =	vst v0  }
0x47: {  	[tilespmem:s22+$0xA430] =	vst v0  }
0x48: {  	[tilespmem:s22+$0xA440] =	vst v0  }
0x49: {  	[tilespmem:s22+$0xA450] =	vst v0  }
0x4a: {  	s21 =	simm.s32 $0x0;
	[tilespmem:s22+$0xA460] =	vst v0  }
0x4b: {  	[tilespmem:s21], [sflag:$0x1] =	stream.linear.gather [hbm4b:s5+s21], $0x2800, $0x38;
	[tilespmem:$0x1A800] =	vst v63  }
0x4c: {  	_ = 	snop  }
0x4d: {  	[tilespmem:s13], [sflag:$0x1] =	stream.linear.gather [hbm4b:s6+s21], $0x2800, $0x38;
	[tilespmem:$0x1A800] =	vst v63  }
0x4e: {  	_ = 	snop  }
0x4f: {  	[tilespmem:s14], [sflag:$0x2] =	stream.linear.gather [hbm4b:s7+s21], $0x2800, $0x38;
	[tilespmem:$0x1A800] =	vst v63  }
0x50: {  	_ = 	snop  }
0x51: {  	[tilespmem:s15], [sflag:$0x2] =	stream.linear.gather [hbm4b:s8+s21], $0x2800, $0x38;
	[tilespmem:$0x1A800] =	vst v63  }
.LBB2_4:
0x52: {  	_ =	swait.ge [sflag:s16], $0x2800  }
0x53: {  	[sflag:s16] =	ssyncset.done $0x0  }
0x54: {  	[sflag:s16] =	ssyncadd.s32 $0xFFFFD800  }
0x55: {  	_ =	swait.ge [sflag:s16], $0x2800  }
0x56: {  	[sflag:s16] =	ssyncset.done $0x0  }
0x57: {  	s22 =	simm.s32 $0x0;
	s23 =	simm.s32 $0x0;
	[sflag:s16] =	ssyncadd.s32 $0xFFFFD800  }
.LBB2_5:
0x58: {  	s24 =	sand.u32 $0x3800, s22;
	s25 =	sand.u32 $0x300, s23  }
0x59: {  	s24 =	sor.u32 s25, s24  }
0x5a: {  	v22 =	vld [tilespmem:s24+$0x0]  }
0x5b: {  	v23 =	vld [tilespmem:s24+$0x10]  }
0x5c: {  	v24 =	vld [tilespmem:s24+$0x20]  }
0x5d: {  	v25 =	vld [tilespmem:s24+$0x30]  }
0x5e: {  	v26 =	vld [tilespmem:s24+$0x40]  }
0x5f: {  	v27 =	vld [tilespmem:s24+$0x50]  }
0x60: {  	v28 =	vld [tilespmem:s24+$0x60]  }
0x61: {  	v29 =	vld [tilespmem:s24+$0x70]  }
0x62: {  	v30 =	vld [tilespmem:s24+$0x400]  }
0x63: {  	v31 =	vld [tilespmem:s24+$0x410]  }
0x64: {  	v32 =	vld [tilespmem:s24+$0x420]  }
0x65: {  	v33 =	vld [tilespmem:s24+$0x430]  }
0x66: {  	v34 =	vld [tilespmem:s24+$0x440]  }
0x67: {  	v35 =	vld [tilespmem:s24+$0x450]  }
0x68: {  	v36 =	vld [tilespmem:s24+$0x460]  }
0x69: {  	v37 =	vld [tilespmem:s24+$0x470];
	_ =	sdelay $0x2  }
0x6a: {  	v21 =	vmax.f32 v22, v23;
	v38 =	vmax.f32 v24, v25;
	v39 =	vmax.f32 v26, v27  }
0x6b: {  	v40 =	vmax.f32 v28, v29;
	v41 =	vmax.f32 v30, v31;
	v42 =	vmax.f32 v32, v33  }
0x6c: {  	v43 =	vmax.f32 v34, v35;
	v44 =	vmax.f32 v36, v37;
	v21 =	vmax.f32 v21, v38  }
0x6d: {  	v58 =	vmax.f32 v39, v40;
	v59 =	vmax.f32 v41, v42;
	v60 =	vmax.f32 v43, v44  }
0x6e: {  	v21 =	vmax.f32 v21, v58;
	v61 =	vmax.f32 v59, v60  }
0x6f: {  	v21 =	vmax.f32 v21, v61  }
0x70: {  	v38 =	vperm.xlane v21, v1;
	_ =	sdelay $0x1  }
0x71: {  	v21 =	vmax.f32 v21, v38  }
0x72: {  	v38 =	vperm.xlane v21, v2;
	_ =	sdelay $0x1  }
0x73: {  	v21 =	vmax.f32 v21, v38  }
0x74: {  	v38 =	vperm.xlane v21, v3;
	_ =	sdelay $0x1  }
0x75: {  	v21 =	vmax.f32 v21, v38  }
0x76: {  	v63 =	vld [tilespmem:s24+$0xB0];
	v38 =	vperm.xlane v21, v4  }
0x77: {  	v48 =	vld [tilespmem:s24+$0x4B0]  }
0x78: {  	v50 =	vld [tilespmem:s24+$0x4D0];
	v21 =	vmax.f32 v21, v38  }
0x79: {  	v39 =	vld [tilespmem:s24+$0x4F0];
	vm0 =	veq.f32 v22, v21;
	vm1 =	veq.f32 v25, v21  }
0x7a: {  	v38 =	vld [tilespmem:s24+$0x4E0];
	vm2 =	veq.f32 v23, v21;
	vm3 =	veq.f32 v24, v21;
	vm4 =	veq.f32 v27, v21  }
0x7b: {  	v25 =	vld [tilespmem:s24+$0x80];
	vm5 =	veq.f32 v29, v21;
	vm6 =	veq.f32 v28, v21;
	vm7 =	veq.f32 v31, v21  }
0x7c: {  	v23 =	vld [tilespmem:s24+$0x90];
	vm8 =	veq.f32 v32, v21;
	vm9 =	veq.f32 v33, v21;
	vm10 =	veq.f32 v35, v21  }
0x7d: {  	v24 =	vld [tilespmem:s24+$0xA0];
	vm11 =	veq.f32 v36, v21;
	vm12 =	veq.f32 v37, v21;
	v22 =	vnsel vm1, $0x100, v6  }
0x7e: {  	v28 =	vld [tilespmem:s24+$0xC0];
	vm1 =	veq.f32 v26, v21;
	v62 =	vnsel vm5, $0x100, v7;
	vm5 =	veq.f32 v30, v21  }
0x7f: {  	v31 =	vld [tilespmem:s24+$0xE0];
	v45 =	vnsel vm9, $0x100, v8;
	vm9 =	veq.f32 v34, v21;
	v46 =	vnsel vm12, $0x100, v9  }
0x80: {  	v33 =	vld [tilespmem:s24+$0xF0];
	v22 =	vsel vm3, v10, v22;
	v26 =	vsel vm6, v11, v62;
	v29 =	vsel vm8, v12, v45  }
0x81: {  	v35 =	vld [tilespmem:s24+$0x490];
	v32 =	vsel vm11, v13, v46;
	v22 =	vsel vm2, v14, v22;
	v26 =	vsel vm4, v15, v26  }
0x82: {  	v36 =	vld [tilespmem:s24+$0x4A0];
	v29 =	vsel vm7, v17, v29;
	v32 =	vsel vm10, v19, v32;
	v22 =	vsel vm0, v5, v22  }
0x83: {  	v30 =	vld [tilespmem:s24+$0xD0];
	v26 =	vsel vm1, v16, v26;
	v29 =	vsel vm5, v18, v29;
	v32 =	vsel vm9, v20, v32  }
0x84: {  	v34 =	vld [tilespmem:s24+$0x480];
	v22 =	vmin.u32 v22, v26;
	v47 =	vmin.u32 v29, v32  }
0x85: {  	v26 =	vld [tilespmem:s24+$0x4C0];
	v22 =	vmin.u32 v22, v47  }
0x86: {  	v49 =	vperm.xlane v22, v1  }
0x87: {  	v56 =	vmax.f32 v38, v39;
	v51 =	vmax.f32 v25, v23;
	v52 =	vmax.f32 v24, v63  }
0x88: {  	v54 =	vmax.f32 v31, v33;
	v45 =	vmax.f32 v36, v48;
	vm12 =	vlt.s32 v22, v49  }
0x89: {  	v53 =	vmax.f32 v28, v30;
	v55 =	vmax.f32 v34, v35;
	v22 =	vsel vm12, v22, v49  }
0x8a: {  	v40 =	vmax.f32 v51, v52;
	v46 =	vmax.f32 v26, v50;
	v32 =	vperm.xlane v22, v2  }
0x8b: {  	v42 =	vmax.f32 v53, v54;
	v57 =	vmax.f32 v55, v45;
	v41 =	vmax.f32 v46, v56  }
0x8c: {  	v40 =	vmax.f32 v40, v42;
	v41 =	vmax.f32 v57, v41;
	vm0 =	vlt.s32 v22, v32  }
0x8d: {  	v58 =	vmax.f32 v40, v41;
	v22 =	vsel vm0, v22, v32  }
0x8e: {  	v41 =	vperm.xlane v58, v1;
	v59 =	vperm.xlane v22, v3;
	_ =	sdelay $0x1  }
0x8f: {  	v32 =	vmax.f32 v58, v41;
	vm0 =	vlt.s32 v22, v59  }
0x90: {  	v60 =	vperm.xlane v32, v2;
	v22 =	vsel vm0, v22, v59  }
0x91: {  	v61 =	vperm.xlane v22, v4  }
0x92: {  	v32 =	vmax.f32 v32, v60  }
0x93: {  	v40 =	vperm.xlane v32, v3;
	vm0 =	vlt.s32 v22, v61  }
0x94: {  	v22 =	vsel vm0, v22, v61  }
0x95: {  	(v2sf) =	vpush v22, $0x0;
	v22 =	vmax.f32 v32, v40  }
0x96: {  	v32 =	vperm.xlane v22, v4;
	_ =	sdelay $0x1  }
0x97: {  	v44 =	vld [tilespmem:s24+$0x5020];
	v22 =	vmax.f32 v22, v32  }
0x98: {  	v62 =	vld [tilespmem:s24+$0x5000];
	vm0 =	veq.f32 v25, v22;
	vm13 =	veq.f32 v63, v22  }
0x99: {  	v47 =	vld [tilespmem:s24+$0x5040];
	vm2 =	veq.f32 v23, v22;
	vm3 =	veq.f32 v24, v22;
	vm1 =	veq.f32 v28, v22  }
0x9a: {  	v51 =	vld [tilespmem:s24+$0x5070];
	vm4 =	veq.f32 v30, v22;
	vm14 =	veq.f32 v33, v22;
	vm6 =	veq.f32 v31, v22  }
0x9b: {  	v45 =	vld [tilespmem:s24+$0x5030];
	vm5 =	veq.f32 v34, v22;
	vm7 =	veq.f32 v35, v22;
	vm8 =	veq.f32 v36, v22  }
0x9c: {  	v53 =	vld [tilespmem:s24+$0x5400];
	vm15 =	veq.f32 v48, v22;
	vm9 =	veq.f32 v26, v22;
	vm10 =	veq.f32 v50, v22  }
0x9d: {  	v54 =	vld [tilespmem:s24+$0x5410];
	vm11 =	veq.f32 v38, v22;
	vm12 =	veq.f32 v39, v22;
	v23 =	vnsel vm13, $0x100, v6  }
0x9e: {  	v55 =	vld [tilespmem:s24+$0x5420];
	v46 =	vnsel vm14, $0x100, v7;
	v49 =	vnsel vm15, $0x100, v8;
	v52 =	vnsel vm12, $0x100, v9  }
0x9f: {  	v56 =	vld [tilespmem:s24+$0x5430];
	v23 =	vsel vm3, v10, v23;
	v28 =	vsel vm6, v11, v46;
	v31 =	vsel vm8, v12, v49  }
0xa0: {  	v58 =	vld [tilespmem:s24+$0x5440];
	v34 =	vsel vm11, v13, v52;
	v23 =	vsel vm2, v14, v23;
	v28 =	vsel vm4, v15, v28  }
0xa1: {  	v63 =	vld [tilespmem:s24+$0x5010];
	v31 =	vsel vm7, v17, v31;
	v34 =	vsel vm10, v19, v34;
	v23 =	vsel vm0, v5, v23  }
0xa2: {  	v59 =	vld [tilespmem:s24+$0x5450];
	v28 =	vsel vm1, v16, v28;
	v31 =	vsel vm5, v18, v31;
	v34 =	vsel vm9, v20, v34  }
0xa3: {  	v61 =	vld [tilespmem:s24+$0x5460];
	vm11 =	vgt.f32 v21, $8.999999760e-01;
	v23 =	vmin.u32 v23, v28;
	v57 =	vmin.u32 v31, v34;
	s30 =	spop (v2sf)  }
0xa4: {  	v48 =	vld [tilespmem:s24+$0x5050];
	v21 =	vnsel vm11, $0x0, v21;
	v23 =	vmin.u32 v23, v57;
	s26 =	sshll.u32 s30, $0x8;
	s28 =	sshll.u32 s30, $0x7  }
0xa5: {  	v50 =	vld [tilespmem:s24+$0x5060];
	v32 =	vmul.f32 v62, v21;
	v60 =	vperm.xlane v23, v1;
	s26 =	sand.u32 $0xFFFFF800, s26;
	s28 =	sand.u32 $0x380, s28  }
0xa6: {  	v62 =	vld [tilespmem:s24+$0x5470];
	v25 =	vmul.f32 v63, v21;
	s26 =	sor.u32 s28, s26  }
0xa7: {  	v24 =	vmul.f32 v44, v21;
	vm12 =	vlt.s32 v23, v60;
	[tilespmem:s26+$0xA000] =	vst.add.f32.msk $0xffff, v32  }
0xa8: {  	v27 =	vmul.f32 v45, v21;
	v23 =	vsel vm12, v23, v60;
	[tilespmem:s26+$0xA010] =	vst.add.f32.msk $0xffff, v25  }
0xa9: {  	v30 =	vmul.f32 v47, v21;
	v63 =	vperm.xlane v23, v2;
	[tilespmem:s26+$0xA020] =	vst.add.f32.msk $0xffff, v24  }
0xaa: {  	v26 =	vmul.f32 v50, v21;
	[tilespmem:s26+$0xA030] =	vst.add.f32.msk $0xffff, v27  }
0xab: {  	v33 =	vmul.f32 v51, v21;
	vm0 =	vlt.s32 v23, v63;
	[tilespmem:s26+$0xA040] =	vst.add.f32.msk $0xffff, v30  }
0xac: {  	v41 =	vmul.f32 v53, v21;
	v23 =	vsel vm0, v23, v63;
	[tilespmem:s26+$0xA060] =	vst.add.f32.msk $0xffff, v26  }
0xad: {  	v42 =	vmul.f32 v54, v21;
	v34 =	vperm.xlane v23, v3;
	[tilespmem:s26+$0xA070] =	vst.add.f32.msk $0xffff, v33  }
0xae: {  	v43 =	vmul.f32 v55, v21;
	[tilespmem:s26+$0xA400] =	vst.add.f32.msk $0xffff, v41  }
0xaf: {  	v44 =	vmul.f32 v56, v21;
	[tilespmem:s26+$0xA410] =	vst.add.f32.msk $0xffff, v42;
	vm0 =	vlt.s32 v23, v34  }
0xb0: {  	v46 =	vmul.f32 v58, v21;
	[tilespmem:s26+$0xA420] =	vst.add.f32.msk $0xffff, v43;
	v23 =	vsel vm0, v23, v34  }
0xb1: {  	v47 =	vmul.f32 v59, v21;
	[tilespmem:s26+$0xA430] =	vst.add.f32.msk $0xffff, v44;
	v45 =	vperm.xlane v23, v4  }
0xb2: {  	v32 =	vmul.f32 v48, v21;
	[tilespmem:s26+$0xA440] =	vst.add.f32.msk $0xffff, v46  }
0xb3: {  	s31 =	sand.u32 $0xF, s30;
	v48 =	vmul.f32 v61, v21;
	[tilespmem:s26+$0xA450] =	vst.add.f32.msk $0xffff, v47;
	vm0 =	vlt.s32 v23, v45  }
0xb4: {  	s29 =	sshll.u32 s30, $0x3;
	v49 =	vmov s31;
	v21 =	vmul.f32 v62, v21;
	[tilespmem:s26+$0xA050] =	vst.add.f32.msk $0xffff, v32;
	v23 =	vsel vm0, v23, v45  }
0xb5: {  	s25 =	sand.u32 $0x70, s30;
	vm13 =	veq.s32 v49, v5;
	s28 =	sand.u32 $0xFFFFFC00, s29;
	[tilespmem:s26+$0xA460] =	vst.add.f32.msk $0xffff, v48;
	(v2sf) =	vpush v23, $0x0  }
0xb6: {  	s25 =	sor.u32 s25, s28;
	[tilespmem:s26+$0xA470] =	vst.add.f32.msk $0xffff, v21;
	v21 =	vsel vm13, $0x3F800000, v0  }
0xb7: {  	[tilespmem:s25+$0x1A000] =	vst.add.f32.msk $0xffff, v21  }
0xb8: {  	v21 =	vld [tilespmem:s24+$0x5080]  }
0xb9: {  	v24 =	vld [tilespmem:s24+$0x50A0]  }
0xba: {  	v50 =	vld [tilespmem:s24+$0x50B0]  }
0xbb: {  	v51 =	vld [tilespmem:s24+$0x50C0]  }
0xbc: {  	v27 =	vld [tilespmem:s24+$0x50D0]  }
0xbd: {  	v52 =	vld [tilespmem:s24+$0x50E0]  }
0xbe: {  	v53 =	vld [tilespmem:s24+$0x50F0]  }
0xbf: {  	v30 =	vld [tilespmem:s24+$0x5480]  }
0xc0: {  	v54 =	vld [tilespmem:s24+$0x5490]  }
0xc1: {  	v32 =	vld [tilespmem:s24+$0x54A0]  }
0xc2: {  	v23 =	vld [tilespmem:s24+$0x5090]  }
0xc3: {  	v55 =	vld [tilespmem:s24+$0x54B0]  }
0xc4: {  	vm14 =	vgt.f32 v22, $8.999999760e-01;
	v56 =	vld [tilespmem:s24+$0x54C0];
	s25 =	spop (v2sf)  }
0xc5: {  	v22 =	vnsel vm14, $0x0, v22;
	v57 =	vld [tilespmem:s24+$0x54D0];
	s30 =	sshll.u32 s25, $0x8;
	s31 =	sshll.u32 s25, $0x7  }
0xc6: {  	v58 =	vld [tilespmem:s24+$0x54E0];
	v21 =	vmul.f32 v21, v22;
	s26 =	sand.u32 $0xFFFFF800, s30;
	s28 =	sand.u32 $0x380, s31  }
0xc7: {  	v59 =	vld [tilespmem:s24+$0x54F0];
	v23 =	vmul.f32 v23, v22;
	s28 =	sor.u32 s28, s26  }
0xc8: {  	v24 =	vmul.f32 v24, v22;
	[tilespmem:s28+$0xA000] =	vst.add.f32.msk $0xffff, v21  }
0xc9: {  	v60 =	vmul.f32 v27, v22;
	[tilespmem:s28+$0xA010] =	vst.add.f32.msk $0xffff, v23  }
0xca: {  	v61 =	vmul.f32 v30, v22;
	[tilespmem:s28+$0xA020] =	vst.add.f32.msk $0xffff, v24  }
0xcb: {  	v62 =	vmul.f32 v55, v22;
	[tilespmem:s28+$0xA050] =	vst.add.f32.msk $0xffff, v60  }
0xcc: {  	v63 =	vmul.f32 v58, v22;
	[tilespmem:s28+$0xA400] =	vst.add.f32.msk $0xffff, v61  }
0xcd: {  	v21 =	vmul.f32 v50, v22;
	[tilespmem:s28+$0xA430] =	vst.add.f32.msk $0xffff, v62  }
0xce: {  	v23 =	vmul.f32 v51, v22;
	[tilespmem:s28+$0xA460] =	vst.add.f32.msk $0xffff, v63  }
0xcf: {  	[tilespmem:s28+$0xA030] =	vst.add.f32.msk $0xffff, v21;
	v21 =	vmul.f32 v52, v22  }
0xd0: {  	[tilespmem:s28+$0xA040] =	vst.add.f32.msk $0xffff, v23;
	v23 =	vmul.f32 v53, v22  }
0xd1: {  	[tilespmem:s28+$0xA060] =	vst.add.f32.msk $0xffff, v21;
	v21 =	vmul.f32 v54, v22  }
0xd2: {  	[tilespmem:s28+$0xA070] =	vst.add.f32.msk $0xffff, v23;
	v23 =	vmul.f32 v32, v22  }
0xd3: {  	p0 =	sne.s32 s23, $0x1300;
	[tilespmem:s28+$0xA410] =	vst.add.f32.msk $0xffff, v21;
	v21 =	vmul.f32 v56, v22  }
.Ltmp3:
0xd4: {  	s29 =	sand.u32 $0xF, s25;
	[tilespmem:s28+$0xA420] =	vst.add.f32.msk $0xffff, v23;
	v23 =	vmul.f32 v57, v22;
	(pc) =	sbr.rel @p0 .LBB2_5-.Ltmp3, $4  }
0xd5: {  	s30 =	sshll.u32 s25, $0x3;
	[tilespmem:s28+$0xA440] =	vst.add.f32.msk $0xffff, v21;
	v21 =	vmul.f32 v59, v22;
	v22 =	vmov s29  }
0xd6: {  	s25 =	sand.u32 $0x70, s25;
	s26 =	sand.u32 $0xFFFFFC00, s30;
	[tilespmem:s28+$0xA450] =	vst.add.f32.msk $0xffff, v23;
	vm15 =	veq.s32 v22, v5  }
0xd7: {  	s31 =	sor.u32 s25, s26;
	[tilespmem:s28+$0xA470] =	vst.add.f32.msk $0xffff, v21;
	v21 =	vsel vm15, $0x3F800000, v0  }
0xd8: {  	s22 =	sadd.s32 $0x200, s22;
	s23 =	sadd.s32 $0x100, s23;
	[tilespmem:s31+$0x1A000] =	vst.add.f32.msk $0xffff, v21  }
0xd9: {  	p0 =	seq.s32 s21, $0x36  }
.Ltmp4:
0xda: {  	_ = 	snop;
	(pc) =	sbr.rel @p0 .LBB2_10-.Ltmp4, $1  }
0xdb: {  	_ =	sdelay $0x3  }
0xdc: {  	s22 =	smul.u32 $0x50, s21;
	_ =	sdelay $0x1  }
0xdd: {  	s23 =	sadd.s32 s22, s9  }
0xde: {  	s24 =	sshll.u32 s23, $0x5  }
0xdf: {  	s23 =	simm.s32 $0x0;
	s25 =	sadd.s32 s0, s24  }
0xe0: {  	[tilespmem:s23], [sflag:$0x1] =	stream.linear.gather [hbm4b:s25+s23], $0x2800, $0x38;
	[tilespmem:$0x1A800] =	vst v63  }
0xe1: {  	s24 =	sadd.s32 s2, s24  }
0xe2: {  	[tilespmem:s13], [sflag:$0x1] =	stream.linear.gather [hbm4b:s24+s23], $0x2800, $0x38;
	[tilespmem:$0x1A800] =	vst v63  }
0xe3: {  	_ =	swait.ge [sflag:s19], $0x2800  }
0xe4: {  	[sflag:s19] =	ssyncset.done $0x0  }
0xe5: {  	[sflag:s19] =	ssyncadd.s32 $0xFFFFD800  }
0xe6: {  	_ =	swait.ge [sflag:s19], $0x2800  }
0xe7: {  	[sflag:s19] =	ssyncset.done $0x0  }
0xe8: {  	s24 =	simm.s32 $0x0;
	[sflag:s19] =	ssyncadd.s32 $0xFFFFD800  }
.LBB2_8:
0xe9: {  	s25 =	sand.u32 $0x3800, s23  }
0xea: {  	s31 =	sand.u32 $0x300, s24;
	s30 =	sadd.s32 $0x2800, s25  }
0xeb: {  	s29 =	sor.u32 s31, s30  }
0xec: {  	v22 =	vld [tilespmem:s29+$0x0]  }
0xed: {  	v23 =	vld [tilespmem:s29+$0x10]  }
0xee: {  	v24 =	vld [tilespmem:s29+$0x20]  }
0xef: {  	v25 =	vld [tilespmem:s29+$0x30]  }
0xf0: {  	v26 =	vld [tilespmem:s29+$0x40]  }
0xf1: {  	v27 =	vld [tilespmem:s29+$0x50]  }
0xf2: {  	s26 =	sadd.s32 $0x2C00, s25;
	v28 =	vld [tilespmem:s29+$0x60]  }
0xf3: {  	s28 =	sor.u32 s31, s26;
	v29 =	vld [tilespmem:s29+$0x70]  }
0xf4: {  	v30 =	vld [tilespmem:s28+$0x0]  }
0xf5: {  	v31 =	vld [tilespmem:s28+$0x10]  }
0xf6: {  	v32 =	vld [tilespmem:s28+$0x20]  }
0xf7: {  	v33 =	vld [tilespmem:s28+$0x30]  }
0xf8: {  	v34 =	vld [tilespmem:s28+$0x40]  }
0xf9: {  	v35 =	vld [tilespmem:s28+$0x50]  }
0xfa: {  	v36 =	vld [tilespmem:s28+$0x60]  }
0xfb: {  	v37 =	vld [tilespmem:s28+$0x70];
	_ =	sdelay $0x2  }
0xfc: {  	v21 =	vmax.f32 v22, v23;
	v38 =	vmax.f32 v24, v25;
	v39 =	vmax.f32 v26, v27  }
0xfd: {  	v40 =	vmax.f32 v28, v29;
	v41 =	vmax.f32 v30, v31;
	v42 =	vmax.f32 v32, v33  }
0xfe: {  	v43 =	vmax.f32 v34, v35;
	v44 =	vmax.f32 v36, v37;
	v21 =	vmax.f32 v21, v38  }
0xff: {  	v58 =	vmax.f32 v39, v40;
	v59 =	vmax.f32 v41, v42;
	v60 =	vmax.f32 v43, v44  }
0x100: {  	v21 =	vmax.f32 v21, v58;
	v61 =	vmax.f32 v59, v60  }
0x101: {  	v21 =	vmax.f32 v21, v61  }
0x102: {  	v38 =	vperm.xlane v21, v1;
	_ =	sdelay $0x1  }
0x103: {  	v21 =	vmax.f32 v21, v38  }
0x104: {  	v38 =	vperm.xlane v21, v2;
	_ =	sdelay $0x1  }
0x105: {  	v21 =	vmax.f32 v21, v38  }
0x106: {  	v38 =	vperm.xlane v21, v3  }
0x107: {  	s31 =	sor.u32 $0x80, s31  }
0x108: {  	s25 =	sor.u32 s31, s30;
	v21 =	vmax.f32 v21, v38  }
0x109: {  	s26 =	sor.u32 s31, s26;
	v63 =	vld [tilespmem:s25+$0x30];
	v38 =	vperm.xlane v21, v4  }
0x10a: {  	v48 =	vld [tilespmem:s26+$0x30]  }
0x10b: {  	v50 =	vld [tilespmem:s26+$0x50];
	v21 =	vmax.f32 v21, v38  }
0x10c: {  	v39 =	vld [tilespmem:s26+$0x70];
	vm0 =	veq.f32 v22, v21;
	vm1 =	veq.f32 v25, v21  }
0x10d: {  	v38 =	vld [tilespmem:s26+$0x60];
	vm2 =	veq.f32 v23, v21;
	vm3 =	veq.f32 v24, v21;
	vm4 =	veq.f32 v27, v21  }
0x10e: {  	v25 =	vld [tilespmem:s25+$0x0];
	vm5 =	veq.f32 v29, v21;
	vm6 =	veq.f32 v28, v21;
	vm7 =	veq.f32 v31, v21  }
0x10f: {  	v23 =	vld [tilespmem:s25+$0x10];
	vm8 =	veq.f32 v32, v21;
	vm9 =	veq.f32 v33, v21;
	vm10 =	veq.f32 v35, v21  }
0x110: {  	v24 =	vld [tilespmem:s25+$0x20];
	vm11 =	veq.f32 v36, v21;
	vm12 =	veq.f32 v37, v21;
	v22 =	vnsel vm1, $0x100, v6  }
0x111: {  	v28 =	vld [tilespmem:s25+$0x40];
	vm1 =	veq.f32 v26, v21;
	v62 =	vnsel vm5, $0x100, v7;
	vm5 =	veq.f32 v30, v21  }
0x112: {  	v31 =	vld [tilespmem:s25+$0x60];
	v45 =	vnsel vm9, $0x100, v8;
	vm9 =	veq.f32 v34, v21;
	v46 =	vnsel vm12, $0x100, v9  }
0x113: {  	v33 =	vld [tilespmem:s25+$0x70];
	v22 =	vsel vm3, v10, v22;
	v26 =	vsel vm6, v11, v62;
	v29 =	vsel vm8, v12, v45  }
0x114: {  	v35 =	vld [tilespmem:s26+$0x10];
	v32 =	vsel vm11, v13, v46;
	v22 =	vsel vm2, v14, v22;
	v26 =	vsel vm4, v15, v26  }
0x115: {  	v36 =	vld [tilespmem:s26+$0x20];
	v29 =	vsel vm7, v17, v29;
	v32 =	vsel vm10, v19, v32;
	v22 =	vsel vm0, v5, v22  }
0x116: {  	v30 =	vld [tilespmem:s25+$0x50];
	v26 =	vsel vm1, v16, v26;
	v29 =	vsel vm5, v18, v29;
	v32 =	vsel vm9, v20, v32  }
0x117: {  	v34 =	vld [tilespmem:s26+$0x0];
	v22 =	vmin.u32 v22, v26;
	v47 =	vmin.u32 v29, v32  }
0x118: {  	v26 =	vld [tilespmem:s26+$0x40];
	v22 =	vmin.u32 v22, v47  }
0x119: {  	v49 =	vperm.xlane v22, v1  }
0x11a: {  	v56 =	vmax.f32 v38, v39;
	v51 =	vmax.f32 v25, v23;
	v52 =	vmax.f32 v24, v63  }
0x11b: {  	v54 =	vmax.f32 v31, v33;
	v45 =	vmax.f32 v36, v48;
	vm12 =	vlt.s32 v22, v49  }
0x11c: {  	v53 =	vmax.f32 v28, v30;
	v55 =	vmax.f32 v34, v35;
	v22 =	vsel vm12, v22, v49  }
0x11d: {  	v40 =	vmax.f32 v51, v52;
	v46 =	vmax.f32 v26, v50;
	v32 =	vperm.xlane v22, v2  }
0x11e: {  	v42 =	vmax.f32 v53, v54;
	v57 =	vmax.f32 v55, v45;
	v41 =	vmax.f32 v46, v56  }
0x11f: {  	v40 =	vmax.f32 v40, v42;
	v41 =	vmax.f32 v57, v41;
	vm0 =	vlt.s32 v22, v32  }
0x120: {  	v58 =	vmax.f32 v40, v41;
	v22 =	vsel vm0, v22, v32  }
0x121: {  	v41 =	vperm.xlane v58, v1;
	v59 =	vperm.xlane v22, v3;
	_ =	sdelay $0x1  }
0x122: {  	v32 =	vmax.f32 v58, v41;
	vm0 =	vlt.s32 v22, v59  }
0x123: {  	v60 =	vperm.xlane v32, v2;
	v22 =	vsel vm0, v22, v59  }
0x124: {  	v61 =	vperm.xlane v22, v4  }
0x125: {  	v32 =	vmax.f32 v32, v60  }
0x126: {  	v40 =	vperm.xlane v32, v3;
	vm0 =	vlt.s32 v22, v61  }
0x127: {  	v22 =	vsel vm0, v22, v61  }
0x128: {  	(v2sf) =	vpush v22, $0x0;
	v22 =	vmax.f32 v32, v40  }
0x129: {  	v32 =	vperm.xlane v22, v4;
	_ =	sdelay $0x1  }
0x12a: {  	v44 =	vld [tilespmem:s29+$0x5020];
	v22 =	vmax.f32 v22, v32  }
0x12b: {  	v62 =	vld [tilespmem:s29+$0x5000];
	vm0 =	veq.f32 v25, v22;
	vm13 =	veq.f32 v63, v22  }
0x12c: {  	v47 =	vld [tilespmem:s29+$0x5040];
	vm2 =	veq.f32 v23, v22;
	vm3 =	veq.f32 v24, v22;
	vm1 =	veq.f32 v28, v22  }
0x12d: {  	v51 =	vld [tilespmem:s29+$0x5070];
	vm4 =	veq.f32 v30, v22;
	vm14 =	veq.f32 v33, v22;
	vm6 =	veq.f32 v31, v22  }
0x12e: {  	v45 =	vld [tilespmem:s29+$0x5030];
	vm5 =	veq.f32 v34, v22;
	vm7 =	veq.f32 v35, v22;
	vm8 =	veq.f32 v36, v22  }
0x12f: {  	v53 =	vld [tilespmem:s28+$0x5000];
	vm15 =	veq.f32 v48, v22;
	vm9 =	veq.f32 v26, v22;
	vm10 =	veq.f32 v50, v22  }
0x130: {  	v54 =	vld [tilespmem:s28+$0x5010];
	vm11 =	veq.f32 v38, v22;
	vm12 =	veq.f32 v39, v22;
	v23 =	vnsel vm13, $0x100, v6  }
0x131: {  	v55 =	vld [tilespmem:s28+$0x5020];
	v46 =	vnsel vm14, $0x100, v7;
	v49 =	vnsel vm15, $0x100, v8;
	v52 =	vnsel vm12, $0x100, v9  }
0x132: {  	v56 =	vld [tilespmem:s28+$0x5030];
	v23 =	vsel vm3, v10, v23;
	v28 =	vsel vm6, v11, v46;
	v31 =	vsel vm8, v12, v49  }
0x133: {  	v58 =	vld [tilespmem:s28+$0x5040];
	v34 =	vsel vm11, v13, v52;
	v23 =	vsel vm2, v14, v23;
	v28 =	vsel vm4, v15, v28  }
0x134: {  	v63 =	vld [tilespmem:s29+$0x5010];
	v31 =	vsel vm7, v17, v31;
	v34 =	vsel vm10, v19, v34;
	v23 =	vsel vm0, v5, v23  }
0x135: {  	v48 =	vld [tilespmem:s29+$0x5050];
	v28 =	vsel vm1, v16, v28;
	v31 =	vsel vm5, v18, v31;
	v34 =	vsel vm9, v20, v34  }
0x136: {  	v50 =	vld [tilespmem:s29+$0x5060];
	vm11 =	vgt.f32 v21, $8.999999760e-01;
	v23 =	vmin.u32 v23, v28;
	v57 =	vmin.u32 v31, v34;
	s29 =	spop (v2sf)  }
0x137: {  	v59 =	vld [tilespmem:s28+$0x5050];
	v21 =	vnsel vm11, $0x0, v21;
	v23 =	vmin.u32 v23, v57;
	s30 =	sshll.u32 s29, $0x8;
	s31 =	sshll.u32 s29, $0x7  }
0x138: {  	v61 =	vld [tilespmem:s28+$0x5060];
	v32 =	vmul.f32 v62, v21;
	v60 =	vperm.xlane v23, v1;
	s30 =	sand.u32 $0xFFFFF800, s30;
	s31 =	sand.u32 $0x380, s31  }
0x139: {  	v62 =	vld [tilespmem:s28+$0x5070];
	v25 =	vmul.f32 v63, v21;
	s28 =	sor.u32 s31, s30  }
0x13a: {  	v24 =	vmul.f32 v44, v21;
	vm12 =	vlt.s32 v23, v60;
	[tilespmem:s28+$0xA000] =	vst.add.f32.msk $0xffff, v32  }
0x13b: {  	v27 =	vmul.f32 v45, v21;
	v23 =	vsel vm12, v23, v60;
	[tilespmem:s28+$0xA010] =	vst.add.f32.msk $0xffff, v25  }
0x13c: {  	v30 =	vmul.f32 v47, v21;
	v63 =	vperm.xlane v23, v2;
	[tilespmem:s28+$0xA020] =	vst.add.f32.msk $0xffff, v24  }
0x13d: {  	v26 =	vmul.f32 v50, v21;
	[tilespmem:s28+$0xA030] =	vst.add.f32.msk $0xffff, v27  }
0x13e: {  	v33 =	vmul.f32 v51, v21;
	vm0 =	vlt.s32 v23, v63;
	[tilespmem:s28+$0xA040] =	vst.add.f32.msk $0xffff, v30  }
0x13f: {  	v41 =	vmul.f32 v53, v21;
	v23 =	vsel vm0, v23, v63;
	[tilespmem:s28+$0xA060] =	vst.add.f32.msk $0xffff, v26  }
0x140: {  	v42 =	vmul.f32 v54, v21;
	v34 =	vperm.xlane v23, v3;
	[tilespmem:s28+$0xA070] =	vst.add.f32.msk $0xffff, v33  }
0x141: {  	v43 =	vmul.f32 v55, v21;
	[tilespmem:s28+$0xA400] =	vst.add.f32.msk $0xffff, v41  }
0x142: {  	v44 =	vmul.f32 v56, v21;
	[tilespmem:s28+$0xA410] =	vst.add.f32.msk $0xffff, v42;
	vm0 =	vlt.s32 v23, v34  }
0x143: {  	v46 =	vmul.f32 v58, v21;
	[tilespmem:s28+$0xA420] =	vst.add.f32.msk $0xffff, v43;
	v23 =	vsel vm0, v23, v34  }
0x144: {  	v47 =	vmul.f32 v59, v21;
	[tilespmem:s28+$0xA430] =	vst.add.f32.msk $0xffff, v44;
	v45 =	vperm.xlane v23, v4  }
0x145: {  	v32 =	vmul.f32 v48, v21;
	[tilespmem:s28+$0xA440] =	vst.add.f32.msk $0xffff, v46  }
0x146: {  	s31 =	sand.u32 $0xF, s29;
	v48 =	vmul.f32 v61, v21;
	[tilespmem:s28+$0xA450] =	vst.add.f32.msk $0xffff, v47;
	vm0 =	vlt.s32 v23, v45  }
0x147: {  	v21 =	vmul.f32 v62, v21;
	v49 =	vmov s31;
	s31 =	sshll.u32 s29, $0x3;
	[tilespmem:s28+$0xA050] =	vst.add.f32.msk $0xffff, v32;
	v23 =	vsel vm0, v23, v45  }
0x148: {  	s29 =	sand.u32 $0x70, s29;
	vm13 =	veq.s32 v49, v5;
	s30 =	sand.u32 $0xFFFFFC00, s31;
	[tilespmem:s28+$0xA460] =	vst.add.f32.msk $0xffff, v48;
	(v2sf) =	vpush v23, $0x0  }
0x149: {  	[tilespmem:s28+$0xA470] =	vst.add.f32.msk $0xffff, v21;
	v21 =	vsel vm13, $0x3F800000, v0;
	s29 =	sor.u32 s29, s30  }
0x14a: {  	[tilespmem:s29+$0x1A000] =	vst.add.f32.msk $0xffff, v21  }
0x14b: {  	v21 =	vld [tilespmem:s25+$0x5000]  }
0x14c: {  	v24 =	vld [tilespmem:s25+$0x5020]  }
0x14d: {  	v50 =	vld [tilespmem:s25+$0x5030]  }
0x14e: {  	v51 =	vld [tilespmem:s25+$0x5040]  }
0x14f: {  	v27 =	vld [tilespmem:s25+$0x5050]  }
0x150: {  	v52 =	vld [tilespmem:s25+$0x5060]  }
0x151: {  	v53 =	vld [tilespmem:s25+$0x5070]  }
0x152: {  	v30 =	vld [tilespmem:s26+$0x5000]  }
0x153: {  	v54 =	vld [tilespmem:s26+$0x5010]  }
0x154: {  	v32 =	vld [tilespmem:s26+$0x5020]  }
0x155: {  	v23 =	vld [tilespmem:s25+$0x5010]  }
0x156: {  	v55 =	vld [tilespmem:s26+$0x5030]  }
0x157: {  	vm14 =	vgt.f32 v22, $8.999999760e-01;
	v56 =	vld [tilespmem:s26+$0x5040];
	s25 =	spop (v2sf)  }
0x158: {  	v22 =	vnsel vm14, $0x0, v22;
	v57 =	vld [tilespmem:s26+$0x5050];
	s30 =	sshll.u32 s25, $0x8;
	s31 =	sshll.u32 s25, $0x7  }
0x159: {  	v58 =	vld [tilespmem:s26+$0x5060];
	v21 =	vmul.f32 v21, v22;
	s28 =	sand.u32 $0xFFFFF800, s30;
	s29 =	sand.u32 $0x380, s31  }
0x15a: {  	v59 =	vld [tilespmem:s26+$0x5070];
	v23 =	vmul.f32 v23, v22;
	s29 =	sor.u32 s29, s28  }
0x15b: {  	v24 =	vmul.f32 v24, v22;
	[tilespmem:s29+$0xA000] =	vst.add.f32.msk $0xffff, v21  }
0x15c: {  	v60 =	vmul.f32 v27, v22;
	[tilespmem:s29+$0xA010] =	vst.add.f32.msk $0xffff, v23  }
0x15d: {  	v61 =	vmul.f32 v30, v22;
	[tilespmem:s29+$0xA020] =	vst.add.f32.msk $0xffff, v24  }
0x15e: {  	v62 =	vmul.f32 v55, v22;
	[tilespmem:s29+$0xA050] =	vst.add.f32.msk $0xffff, v60  }
0x15f: {  	v63 =	vmul.f32 v58, v22;
	[tilespmem:s29+$0xA400] =	vst.add.f32.msk $0xffff, v61  }
0x160: {  	v21 =	vmul.f32 v50, v22;
	[tilespmem:s29+$0xA430] =	vst.add.f32.msk $0xffff, v62  }
0x161: {  	v23 =	vmul.f32 v51, v22;
	[tilespmem:s29+$0xA460] =	vst.add.f32.msk $0xffff, v63  }
0x162: {  	[tilespmem:s29+$0xA030] =	vst.add.f32.msk $0xffff, v21;
	v21 =	vmul.f32 v52, v22  }
0x163: {  	[tilespmem:s29+$0xA040] =	vst.add.f32.msk $0xffff, v23;
	v23 =	vmul.f32 v53, v22  }
0x164: {  	[tilespmem:s29+$0xA060] =	vst.add.f32.msk $0xffff, v21;
	v21 =	vmul.f32 v54, v22  }
0x165: {  	[tilespmem:s29+$0xA070] =	vst.add.f32.msk $0xffff, v23;
	v23 =	vmul.f32 v32, v22  }
0x166: {  	p0 =	sne.s32 s24, $0x1300;
	[tilespmem:s29+$0xA410] =	vst.add.f32.msk $0xffff, v21;
	v21 =	vmul.f32 v56, v22  }
.Ltmp5:
0x167: {  	s30 =	sand.u32 $0xF, s25;
	[tilespmem:s29+$0xA420] =	vst.add.f32.msk $0xffff, v23;
	v23 =	vmul.f32 v57, v22;
	(pc) =	sbr.rel @p0 .LBB2_8-.Ltmp5, $4  }
0x168: {  	s31 =	sshll.u32 s25, $0x3;
	[tilespmem:s29+$0xA440] =	vst.add.f32.msk $0xffff, v21;
	v21 =	vmul.f32 v59, v22;
	v22 =	vmov s30  }
0x169: {  	s25 =	sand.u32 $0x70, s25;
	s28 =	sand.u32 $0xFFFFFC00, s31;
	[tilespmem:s29+$0xA450] =	vst.add.f32.msk $0xffff, v23;
	vm15 =	veq.s32 v22, v5  }
0x16a: {  	s25 =	sor.u32 s25, s28;
	[tilespmem:s29+$0xA470] =	vst.add.f32.msk $0xffff, v21;
	v21 =	vsel vm15, $0x3F800000, v0  }
0x16b: {  	s23 =	sadd.s32 $0x200, s23;
	s24 =	sadd.s32 $0x100, s24;
	[tilespmem:s25+$0x1A000] =	vst.add.f32.msk $0xffff, v21  }
0x16c: {  	p0 =	seq.s32 s21, $0x35  }
0x16d: {  	s22 =	sadd.s32 @!p0 s22, s10  }
.Ltmp6:
0x16e: {  	s22 =	sshll.u32 @!p0 s22, $0x5;
	(pc) =	sbr.rel .LBB2_4-.Ltmp6, $4  }
0x16f: {  	s24 =	simm.s32 @!p0 $0x0;
	s25 =	simm.s32 @!p0 $0x2800;
	s23 =	sadd.s32 @!p0 s0, s22  }
0x170: {  	[tilespmem:s25], [sflag:$0x2] =	stream.linear.gather @!p0 [hbm4b:s23+s24], $0x2800, $0x38;
	[tilespmem:$0x1A800] =	vst v63  }
0x171: {  	s21 =	sadd.s32 $0x1, s21;
	s22 =	sadd.s32 @!p0 s2, s22;
	s23 =	simm.s32 @!p0 $0x7800  }
0x172: {  	[tilespmem:s23], [sflag:$0x2] =	stream.linear.gather @!p0 [hbm4b:s22+s24], $0x2800, $0x38;
	[tilespmem:$0x1A800] =	vst v63  }
.LBB2_11:
0x173: {  	_ =	sfence.sel $0x180000  }
0x174: {  	[bflag:$0x0] =	sbarrier.arrive $0xFFFF  }
0x175: {  	p0 =	sne.s32 s1, $0x0;
	_ =	strace $0x90000047  }
0x176: {  	s0 =	sadd.s32 @!p0 $0x100000, s3;
	[bflag:$0x2] =	sbarrier.arrive $0xFFFF  }
0x177: {  	[sflag:s0] =	ssyncadd.tile.s32 @!p0 $0x1;
	_ =	shalt  }
.Lfunc_end2:
_tile_overlayer_lowered:
.L_overlay_start_2:
0x178: {  	(tag) =	ssettag $0x2  }
0x179: {  	s0 =	rddreg [dreg:$0x0];
	s2 =	stileid.u32  }
0x17a: {  	s1 =	rddreg [dreg:$0x1];
	p0 =	sne.s32 s2, $0x0  }
0x17b: {  	s3 =	rddreg [dreg:$0x2];
	[bflag:$0x3] =	sbarrier.arrive $0xFFFF;
	s2 =	simm.s32 @!p0 $0x1C03  }
0x17c: {  	[timem:s3], [sflag:s2] =	dma.local @!p0 [hbm:s0], s1  }
0x17d: {  	s0 =	simm.s32 @!p0 $0x3  }
0x17e: {  	_ =	swait.ge @!p0 [sflag:s0], s1  }
0x17f: {  	s1 =	ssub.s32 @!p0 $0x0, s1;
	[sflag:s0] =	ssyncset.done @!p0 $0x0  }
0x180: {  	[sflag:s0] =	ssyncadd.s32 @!p0 s1  }
0x181: {  	[bflag:$0x3] =	sbarrier.arrive $0xFFFF  }
0x182: {  	_ =	shalt  }

</sc_bundles>
